<compile_context>
chip_gen: v7x
topology: tpu7x:2x2x1
jax: 0.10.2.dev20260603
libtpu: 0.0.44.dev20260713+nightly
codegen_flags: <defaults>
</compile_context>

<pallas_src>
import functools

import jax
import jax.numpy as jnp
from jax import lax
from jax.experimental import pallas as pl
from jax.experimental.pallas import tpu as pltpu
from jax.experimental.pallas import tpu_sc as plsc

N = 10000
E = 320000
D = 128
L = 3

NC, NS, LANES = 2, 16, 16
NW = NC * NS
N_PAD = 10240
EC = 128
CH = 80
EPT = CH * EC
E_PAD = NW * EPT
ROWS_PT = N_PAD // NS
TOK_CH = 4
RB = 1024

_sc_mesh = plsc.VectorSubcoreMesh(core_axis_name="c", subcore_axis_name="s")



@functools.partial(
    pl.kernel,
    out_type=jax.ShapeDtypeStruct((N_PAD, D), jnp.float32),
    mesh=_sc_mesh,
    scratch_types=[
        pltpu.VMEM((TOK_CH, 80), jnp.int32),
        pltpu.VMEM((80, D), jnp.float32),
        pltpu.SemaphoreType.DMA,
    ],
)
def _emb_gather(emb_hbm, tok_hbm, out_hbm, idx_v, rows_v, sem):
    cid = lax.axis_index("c")
    sid = lax.axis_index("s")
    wid = sid * NC + cid
    pltpu.sync_copy(tok_hbm.at[wid], idx_v)
    base = wid * (TOK_CH * 80)

    def chunk(ch, _):
        pltpu.async_copy(emb_hbm.at[idx_v.at[ch]], rows_v, sem).wait()
        pltpu.sync_copy(rows_v, out_hbm.at[pl.ds(base + ch * 80, 80)])
        return 0

    lax.fori_loop(0, TOK_CH, chunk, 0)



@functools.partial(
    pl.kernel,
    out_type=jax.ShapeDtypeStruct((NC, N_PAD), jnp.float32),
    mesh=_sc_mesh,
    scratch_types=[
        pltpu.VMEM((CH, EC), jnp.int32),
        pltpu.VMEM((N_PAD,), jnp.float32),
        pltpu.VMEM((ROWS_PT,), jnp.float32),
        pltpu.VMEM((ROWS_PT,), jnp.float32),
        pltpu.VMEM_SHARED((NS, N_PAD), jnp.float32),
    ],
    compiler_params=pltpu.CompilerParams(needs_layout_passes=False),
)
def _deg_pass(dst_hbm, out_hbm, dst_v, degloc, acc, tmp, sdeg):
    cid = lax.axis_index("c")
    sid = lax.axis_index("s")
    pltpu.sync_copy(dst_hbm.at[cid, sid], dst_v)

    zvec = jnp.zeros((LANES,), jnp.float32)
    ones = jnp.ones((LANES,), jnp.float32)

    def z(i, _):
        degloc[pl.ds(i * LANES, LANES)] = zvec
        return 0

    lax.fori_loop(0, N_PAD // LANES, z, 0)

    def acc_chunk(ch, _):
        for k in range(EC // LANES):
            idx = dst_v[ch, pl.ds(k * LANES, LANES)]
            plsc.addupdate_scatter(degloc, [idx], ones)
        return 0

    lax.fori_loop(0, CH, acc_chunk, 0)

    pltpu.sync_copy(degloc, sdeg.at[sid])
    plsc.subcore_barrier()

    base = sid * ROWS_PT

    def z2(i, _):
        acc[pl.ds(i * LANES, LANES)] = zvec
        return 0

    lax.fori_loop(0, ROWS_PT // LANES, z2, 0)
    for p in range(NS):
        pltpu.sync_copy(sdeg.at[p, pl.ds(base, ROWS_PT)], tmp)

        def addp(j, _):
            sl = pl.ds(j * LANES, LANES)
            acc[sl] = acc[sl] + tmp[sl]
            return 0

        lax.fori_loop(0, ROWS_PT // LANES, addp, 0)
    pltpu.sync_copy(acc, out_hbm.at[cid, pl.ds(base, ROWS_PT)])



@functools.partial(
    pl.kernel,
    out_type=jax.ShapeDtypeStruct((NC, N_PAD, D), jnp.float32),
    mesh=_sc_mesh,
    scratch_types=[
        pltpu.VMEM((CH, EC), jnp.int32),
        pltpu.VMEM((CH, EC), jnp.int32),
        pltpu.VMEM((EC, D), jnp.float32),
        pltpu.VMEM_SHARED((N_PAD, D), jnp.float32),
        pltpu.SemaphoreType.DMA,
        pltpu.SemaphoreType.DMA,
    ],
)
def _edge_pass(t_hbm, src_hbm, dst_hbm, out_hbm,
               src_v, dst_v, buf_a, agg_sh, semg_a, sems_a):
    cid = lax.axis_index("c")
    sid = lax.axis_index("s")
    pltpu.sync_copy(src_hbm.at[cid, sid], src_v)
    pltpu.sync_copy(dst_hbm.at[cid, sid], dst_v)

    zvec = jnp.zeros((LANES,), jnp.float32)

    def zr(i, _):
        for k in range(D // LANES):
            buf_a[i, pl.ds(k * LANES, LANES)] = zvec
        return 0

    lax.fori_loop(0, EC, zr, 0)
    for k in range(ROWS_PT // EC):
        pltpu.sync_copy(buf_a, agg_sh.at[pl.ds(sid * ROWS_PT + k * EC, EC)])
    plsc.subcore_barrier()

    def body(i, _):
        pltpu.async_copy(t_hbm.at[src_v.at[i]], buf_a, semg_a).wait()
        pltpu.async_copy(buf_a, agg_sh.at[dst_v.at[i]], sems_a,
                         add=True).wait()
        return 0

    lax.fori_loop(0, CH, body, 0)
    plsc.subcore_barrier()
    pltpu.sync_copy(agg_sh.at[pl.ds(sid * ROWS_PT, ROWS_PT)],
                    out_hbm.at[cid, pl.ds(sid * ROWS_PT, ROWS_PT)])



def _mm0_body(x_ref, wc_ref, bc_ref, ws_ref, h0_ref, t_ref):
    h0 = jnp.dot(x_ref[...], wc_ref[...],
                 preferred_element_type=jnp.float32) + bc_ref[...]
    h0_ref[...] = h0
    t_ref[...] = jnp.dot(h0, ws_ref[...], preferred_element_type=jnp.float32)


_mm0 = pl.pallas_call(
    _mm0_body,
    grid=(N_PAD // RB,),
    in_specs=[
        pl.BlockSpec((RB, D), lambda i: (i, 0)),
        pl.BlockSpec((D, D), lambda i: (0, 0)),
        pl.BlockSpec((1, D), lambda i: (0, 0)),
        pl.BlockSpec((D, D), lambda i: (0, 0)),
    ],
    out_specs=[
        pl.BlockSpec((RB, D), lambda i: (i, 0)),
        pl.BlockSpec((RB, D), lambda i: (i, 0)),
    ],
    out_shape=[
        jax.ShapeDtypeStruct((N_PAD, D), jnp.float32),
        jax.ShapeDtypeStruct((N_PAD, D), jnp.float32),
    ],
)


def _combine_h(h0, p, deg, bs):
    agg = p[0] + p[1]
    w = 1.0 / jnp.maximum(deg, 1.0)
    gate = jnp.minimum(deg, 1.0)
    return h0 + agg * w + gate * bs


def _combine_body(h0_ref, p_ref, deg_ref, bs_ref, ws_ref, r_ref, t_ref):
    h = _combine_h(h0_ref[...], p_ref[...], deg_ref[...], bs_ref[...])
    r_ref[...] = jnp.maximum(h, 0.0)
    t_ref[...] = jnp.dot(h, ws_ref[...], preferred_element_type=jnp.float32)


_combine = pl.pallas_call(
    _combine_body,
    grid=(N_PAD // RB,),
    in_specs=[
        pl.BlockSpec((RB, D), lambda i: (i, 0)),
        pl.BlockSpec((NC, RB, D), lambda i: (0, i, 0)),
        pl.BlockSpec((RB, 1), lambda i: (i, 0)),
        pl.BlockSpec((1, D), lambda i: (0, 0)),
        pl.BlockSpec((D, D), lambda i: (0, 0)),
    ],
    out_specs=[
        pl.BlockSpec((RB, D), lambda i: (i, 0)),
        pl.BlockSpec((RB, D), lambda i: (i, 0)),
    ],
    out_shape=[
        jax.ShapeDtypeStruct((N_PAD, D), jnp.float32),
        jax.ShapeDtypeStruct((N_PAD, D), jnp.float32),
    ],
)


def _combine3_body(h0_ref, p_ref, deg_ref, bs_ref, r1_ref, r2_ref,
                   r3_ref, m_ref):
    h = _combine_h(h0_ref[...], p_ref[...], deg_ref[...], bs_ref[...])
    r3 = jnp.maximum(h, 0.0)
    r3_ref[...] = r3
    m_ref[...] = jnp.maximum(jnp.maximum(r1_ref[...], r2_ref[...]), r3)


_combine3 = pl.pallas_call(
    _combine3_body,
    grid=(N_PAD // RB,),
    in_specs=[
        pl.BlockSpec((RB, D), lambda i: (i, 0)),
        pl.BlockSpec((NC, RB, D), lambda i: (0, i, 0)),
        pl.BlockSpec((RB, 1), lambda i: (i, 0)),
        pl.BlockSpec((1, D), lambda i: (0, 0)),
        pl.BlockSpec((RB, D), lambda i: (i, 0)),
        pl.BlockSpec((RB, D), lambda i: (i, 0)),
    ],
    out_specs=[
        pl.BlockSpec((RB, D), lambda i: (i, 0)),
        pl.BlockSpec((RB, D), lambda i: (i, 0)),
    ],
    out_shape=[
        jax.ShapeDtypeStruct((N_PAD, D), jnp.float32),
        jax.ShapeDtypeStruct((N_PAD, D), jnp.float32),
    ],
)



def kernel(node_tokens, edge_index, emb, W_c, b_c, W_sum, b_sum):
    tok = jnp.pad(node_tokens.astype(jnp.int32), (0, N_PAD - N))
    tok = tok.reshape(NW, TOK_CH, 80)
    pad_e = E_PAD - E
    src = jnp.concatenate(
        [edge_index[0].astype(jnp.int32), jnp.zeros((pad_e,), jnp.int32)])
    dst = jnp.concatenate(
        [edge_index[1].astype(jnp.int32), jnp.full((pad_e,), N, jnp.int32)])
    src_r = src.reshape(NC, NS, CH, EC)
    dst_r = dst.reshape(NC, NS, CH, EC)
    bc2 = b_c.reshape(1, D)
    bs2 = b_sum.reshape(1, D)

    x = _emb_gather(emb, tok)
    degp = _deg_pass(dst_r)
    deg2 = (degp[0] + degp[1]).reshape(N_PAD, 1)
    h0, t = _mm0(x, W_c, bc2, W_sum)
    p = _edge_pass(t, src_r, dst_r)
    r1, t = _combine(h0, p, deg2, bs2, W_sum)
    p = _edge_pass(t, src_r, dst_r)
    r2, t = _combine(h0, p, deg2, bs2, W_sum)
    p = _edge_pass(t, src_r, dst_r)
    r3, m = _combine3(h0, p, deg2, bs2, r1, r2)

    nl = jnp.stack([r1[:N], r2[:N], r3[:N]])
    return nl, m[:N]

# --- scband reference (transcript-rebuilt; emitter-appended) ---
"""Pipeline reference for scband-batch-astencoder-13280038879631 (READ-ONLY COPY).

The authoritative reference and input builder live on the scoring server;
editing this copy changes nothing except your own understanding.
"""

import jax, jax.numpy as jnp
import numpy as np

N = 10000
E = 320000
VOCAB = 100000
D = 128
L = 3

def setup_inputs(seed: int = 0):
    key = jax.random.key(seed)
    ks = jax.random.split(key, 8)
    node_tokens = jax.random.randint(ks[0], (N,), 0, VOCAB)
    edge_index = jax.random.randint(ks[1], (2, E), 0, N)
    emb = jax.random.normal(ks[2], (VOCAB, D), dtype=jnp.float32) * 0.02
    W_c = jax.random.normal(ks[3], (D, D), dtype=jnp.float32) / np.sqrt(D)
    b_c = jnp.zeros((D,), dtype=jnp.float32)
    W_sum = jax.random.normal(ks[4], (D, D), dtype=jnp.float32) / np.sqrt(D)
    b_sum = jnp.zeros((D,), dtype=jnp.float32)
    return {"node_tokens": node_tokens, "edge_index": edge_index, "emb": emb,
            "W_c": W_c, "b_c": b_c, "W_sum": W_sum, "b_sum": b_sum}

def reference(node_tokens, edge_index, emb, W_c, b_c, W_sum, b_sum):
    # Level-synchronous formulation of the recursive RvNN tree encoder:
    #   h(node) = W_c(embedding[node]) + (1/n_children) * sum_children W_sum(h(child))
    # unrolled for L levels over a child->parent edge list, with the per-level
    # activated states stacked (node_list) and max-pooled, matching
    # WeightedBatchTreeEncoder.forward's (node_list, max) output.
    src = edge_index[0]
    dst = edge_index[1]
    x = jnp.take(emb, node_tokens, axis=0)            # embedding gather
    h0 = x @ W_c + b_c                                # W_c(embedding)
    deg = jnp.bincount(dst, length=N).astype(jnp.float32)
    w = 1.0 / jnp.maximum(deg, 1.0)                   # children_weight = 1/c_num
    h = h0
    node_list = []
    for _ in range(L):
        msg = jnp.take(h, src, axis=0) @ W_sum + b_sum  # W_sum(child state), edge gather
        agg = jnp.zeros((N, D), dtype=h.dtype).at[dst].add(msg)  # scatter-add to parents
        h = h0 + agg * w[:, None]
        node_list.append(jax.nn.relu(h))              # activation(batch_node.index_copy(...))
    nl = jnp.stack(node_list)
    return nl, jnp.max(nl, axis=0)

if __name__ == "__main__":
    import jax
    _d = setup_inputs()
    print(jax.jit(kernel)(*tuple(_d.values())))

</pallas_src>

<mosaic_0001>
#map = affine_map<(d0, d1) -> (0, 0, 0, 0)>
#map1 = affine_map<(d0, d1) -> (0, 0)>
module attributes {stable_mosaic.version = 14 : i64} {
  func.func @_deg_pass(%arg0: i32, %arg1: i32, %arg2: memref<2x16x80x128xi32, #tpu.memory_space<hbm>>, %arg3: memref<2x10240xf32, #tpu.memory_space<hbm>>, %arg4: memref<80x128xi32, #tpu.memory_space<vmem>>, %arg5: memref<10240xf32, #tpu.memory_space<vmem>>, %arg6: memref<640xf32, #tpu.memory_space<vmem>>, %arg7: memref<640xf32, #tpu.memory_space<vmem>>, %arg8: memref<16x10240xf32, #tpu.memory_space<vmem_shared>>) attributes {dimension_semantics = [#tpu.dimension_semantics<core_parallel>, #tpu.dimension_semantics<subcore_parallel>], iteration_bounds = array<i64: 2, 16>, scalar_prefetch = 0 : i64, scratch_operands = 5 : i64, tpu.core_type = #tpu.core_type<sc_vector_subcore>, window_params = [{transform_indices = #map}, {transform_indices = #map1}]} {
    "tpu.region"() ({
      %run_scoped3A_151 = tpu.sem_alloc : memref<!tpu.dma_semaphore, #tpu.memory_space<semaphore_mem>>
      %dma_start3A = arith.constant 0 : i32
      %dma_start3A_152 = arith.constant 0 : i32
      %dma_start3A_153 = tpu.memref_slice %arg2[%arg0, %arg1, %dma_start3A, %dma_start3A_152] : memref<2x16x80x128xi32, #tpu.memory_space<hbm>> -> memref<1x1x80x128xi32, #tpu.memory_space<hbm>>
      %dma_start3A_154 = tpu.memref_squeeze %dma_start3A_153 : memref<1x1x80x128xi32, #tpu.memory_space<hbm>> -> memref<80x128xi32, #tpu.memory_space<hbm>>
      %dma_start3A_155 = arith.constant 0 : i32
      %dma_start3A_156 = arith.constant 0 : i32
      %dma_start3A_157 = tpu.memref_slice %arg2[%arg0, %arg1, %dma_start3A_155, %dma_start3A_156] : memref<2x16x80x128xi32, #tpu.memory_space<hbm>> -> memref<1x1x80x128xi32, #tpu.memory_space<hbm>>
      %dma_start3A_158 = tpu.memref_squeeze %dma_start3A_157 : memref<1x1x80x128xi32, #tpu.memory_space<hbm>> -> memref<80x128xi32, #tpu.memory_space<hbm>>
      tpu.enqueue_dma source(%dma_start3A_158 : memref<80x128xi32, #tpu.memory_space<hbm>>) target(%arg4 : memref<80x128xi32, #tpu.memory_space<vmem>>) target_semaphore(%run_scoped3A_151 : memref<!tpu.dma_semaphore, #tpu.memory_space<semaphore_mem>>)
      %dma_wait3A = arith.constant 0 : i32
      %dma_wait3A_159 = arith.constant 0 : i32
      %dma_wait3A_160 = tpu.memref_slice %arg2[%arg0, %arg1, %dma_wait3A, %dma_wait3A_159] : memref<2x16x80x128xi32, #tpu.memory_space<hbm>> -> memref<1x1x80x128xi32, #tpu.memory_space<hbm>>
      %dma_wait3A_161 = tpu.memref_squeeze %dma_wait3A_160 : memref<1x1x80x128xi32, #tpu.memory_space<hbm>> -> memref<80x128xi32, #tpu.memory_space<hbm>>
      %dma_wait3A_162 = arith.constant 0 : i32
      %dma_wait3A_163 = arith.constant 0 : i32
      %dma_wait3A_164 = tpu.memref_slice %arg2[%arg0, %arg1, %dma_wait3A_162, %dma_wait3A_163] : memref<2x16x80x128xi32, #tpu.memory_space<hbm>> -> memref<1x1x80x128xi32, #tpu.memory_space<hbm>>
      %dma_wait3A_165 = tpu.memref_squeeze %dma_wait3A_164 : memref<1x1x80x128xi32, #tpu.memory_space<hbm>> -> memref<80x128xi32, #tpu.memory_space<hbm>>
      tpu.wait_dma2 semaphore(%run_scoped3A_151 : memref<!tpu.dma_semaphore, #tpu.memory_space<semaphore_mem>>) src(%dma_wait3A_165 : memref<80x128xi32, #tpu.memory_space<hbm>>) dst(%arg4 : memref<80x128xi32, #tpu.memory_space<vmem>>)
      tpu.yield
    }) : () -> ()
    %broadcast_in_dim3A = arith.constant 0.000000e+00 : f32
    %broadcast_in_dim3A_0 = vector.broadcast %broadcast_in_dim3A : f32 to vector<16xf32>
    %broadcast_in_dim3A_1 = arith.constant 1.000000e+00 : f32
    %broadcast_in_dim3A_2 = vector.broadcast %broadcast_in_dim3A_1 : f32 to vector<16xf32>
    %scan3A = arith.constant 0 : i32
    %scan3A_3 = arith.constant 0 : i32
    %scan3A_4 = arith.constant 640 : i32
    %scan3A_5 = arith.addi %scan3A_3, %scan3A_4 : i32
    %scan3A_6 = arith.constant 1 : i32
    %scan3A_7 = scf.for %scan3A_151 = %scan3A_3 to %scan3A_5 step %scan3A_6 iter_args(%scan3A_152 = %scan3A) -> (i32)  : i32 {
      %mul3A_153 = arith.constant 16 : i32
      %mul3A_154 = arith.muli %scan3A_151, %mul3A_153 : i32
      %swap3A = arith.index_cast %mul3A_154 : i32 to index
      %swap3A_155 = tpu.vector_load %arg5[%swap3A] {strides = array<i32>} : memref<10240xf32, #tpu.memory_space<vmem>>, vector<16xf32>,
      tpu.vector_store %arg5[%swap3A], %broadcast_in_dim3A_0 {strides = array<i32>} : memref<10240xf32, #tpu.memory_space<vmem>>, vector<16xf32>,
      %scan3A_156 = arith.constant 0 : i32
      scf.yield %scan3A_156 : i32
    }
    %scan3A_8 = arith.constant 640 : i32
    %scan3A_9 = arith.constant 0 : i32
    %scan3A_10 = arith.constant 0 : i32
    %scan3A_11 = arith.constant 80 : i32
    %scan3A_12 = arith.addi %scan3A_10, %scan3A_11 : i32
    %scan3A_13 = arith.constant 1 : i32
    %scan3A_14 = scf.for %scan3A_151 = %scan3A_10 to %scan3A_12 step %scan3A_13 iter_args(%scan3A_152 = %scan3A_9) -> (i32)  : i32 {
      %get3A = arith.index_cast %scan3A_151 : i32 to index
      %get3A_153 = arith.constant 0 : index
      %get3A_154 = tpu.vector_load %arg4[%get3A, %get3A_153] {strides = array<i32>} : memref<80x128xi32, #tpu.memory_space<vmem>>, vector<16xi32>,
      tpu.vector_store_idx %arg5[%get3A_154], %broadcast_in_dim3A_2 {add = true} : memref<10240xf32, #tpu.memory_space<vmem>>[vector<16xi32>], vector<16xf32>,
      %get3A_155 = arith.index_cast %scan3A_151 : i32 to index
      %get3A_156 = arith.constant 16 : index
      %get3A_157 = tpu.vector_load %arg4[%get3A_155, %get3A_156] {strides = array<i32>} : memref<80x128xi32, #tpu.memory_space<vmem>>, vector<16xi32>,
      tpu.vector_store_idx %arg5[%get3A_157], %broadcast_in_dim3A_2 {add = true} : memref<10240xf32, #tpu.memory_space<vmem>>[vector<16xi32>], vector<16xf32>,
      %get3A_158 = arith.index_cast %scan3A_151 : i32 to index
      %get3A_159 = arith.constant 32 : index
      %get3A_160 = tpu.vector_load %arg4[%get3A_158, %get3A_159] {strides = array<i32>} : memref<80x128xi32, #tpu.memory_space<vmem>>, vector<16xi32>,
      tpu.vector_store_idx %arg5[%get3A_160], %broadcast_in_dim3A_2 {add = true} : memref<10240xf32, #tpu.memory_space<vmem>>[vector<16xi32>], vector<16xf32>,
      %get3A_161 = arith.index_cast %scan3A_151 : i32 to index
      %get3A_162 = arith.constant 48 : index
      %get3A_163 = tpu.vector_load %arg4[%get3A_161, %get3A_162] {strides = array<i32>} : memref<80x128xi32, #tpu.memory_space<vmem>>, vector<16xi32>,
      tpu.vector_store_idx %arg5[%get3A_163], %broadcast_in_dim3A_2 {add = true} : memref<10240xf32, #tpu.memory_space<vmem>>[vector<16xi32>], vector<16xf32>,
      %get3A_164 = arith.index_cast %scan3A_151 : i32 to index
      %get3A_165 = arith.constant 64 : index
      %get3A_166 = tpu.vector_load %arg4[%get3A_164, %get3A_165] {strides = array<i32>} : memref<80x128xi32, #tpu.memory_space<vmem>>, vector<16xi32>,
      tpu.vector_store_idx %arg5[%get3A_166], %broadcast_in_dim3A_2 {add = true} : memref<10240xf32, #tpu.memory_space<vmem>>[vector<16xi32>], vector<16xf32>,
      %get3A_167 = arith.index_cast %scan3A_151 : i32 to index
      %get3A_168 = arith.constant 80 : index
      %get3A_169 = tpu.vector_load %arg4[%get3A_167, %get3A_168] {strides = array<i32>} : memref<80x128xi32, #tpu.memory_space<vmem>>, vector<16xi32>,
      tpu.vector_store_idx %arg5[%get3A_169], %broadcast_in_dim3A_2 {add = true} : memref<10240xf32, #tpu.memory_space<vmem>>[vector<16xi32>], vector<16xf32>,
      %get3A_170 = arith.index_cast %scan3A_151 : i32 to index
      %get3A_171 = arith.constant 96 : index
      %get3A_172 = tpu.vector_load %arg4[%get3A_170, %get3A_171] {strides = array<i32>} : memref<80x128xi32, #tpu.memory_space<vmem>>, vector<16xi32>,
      tpu.vector_store_idx %arg5[%get3A_172], %broadcast_in_dim3A_2 {add = true} : memref<10240xf32, #tpu.memory_space<vmem>>[vector<16xi32>], vector<16xf32>,
      %get3A_173 = arith.index_cast %scan3A_151 : i32 to index
      %get3A_174 = arith.constant 112 : index
      %get3A_175 = tpu.vector_load %arg4[%get3A_173, %get3A_174] {strides = array<i32>} : memref<80x128xi32, #tpu.memory_space<vmem>>, vector<16xi32>,
      tpu.vector_store_idx %arg5[%get3A_175], %broadcast_in_dim3A_2 {add = true} : memref<10240xf32, #tpu.memory_space<vmem>>[vector<16xi32>], vector<16xf32>,
      %scan3A_176 = arith.constant 0 : i32
      scf.yield %scan3A_176 : i32
    }
    %scan3A_15 = arith.constant 80 : i32
    "tpu.region"() ({
      %run_scoped3A_151 = tpu.sem_alloc : memref<!tpu.dma_semaphore, #tpu.memory_space<semaphore_mem>>
      %dma_start3A = arith.constant 0 : i32
      %dma_start3A_152 = tpu.memref_slice %arg8[%arg1, %dma_start3A] : memref<16x10240xf32, #tpu.memory_space<vmem_shared>> -> memref<1x10240xf32, #tpu.memory_space<vmem_shared>>
      %dma_start3A_153 = tpu.memref_squeeze %dma_start3A_152 : memref<1x10240xf32, #tpu.memory_space<vmem_shared>> -> memref<10240xf32, #tpu.memory_space<vmem_shared>>
      %dma_start3A_154 = arith.constant 0 : i32
      %dma_start3A_155 = tpu.memref_slice %arg8[%arg1, %dma_start3A_154] : memref<16x10240xf32, #tpu.memory_space<vmem_shared>> -> memref<1x10240xf32, #tpu.memory_space<vmem_shared>>
      %dma_start3A_156 = tpu.memref_squeeze %dma_start3A_155 : memref<1x10240xf32, #tpu.memory_space<vmem_shared>> -> memref<10240xf32, #tpu.memory_space<vmem_shared>>
      tpu.enqueue_dma source(%arg5 : memref<10240xf32, #tpu.memory_space<vmem>>) target(%dma_start3A_156 : memref<10240xf32, #tpu.memory_space<vmem_shared>>) target_semaphore(%run_scoped3A_151 : memref<!tpu.dma_semaphore, #tpu.memory_space<semaphore_mem>>)
      %dma_wait3A = arith.constant 0 : i32
      %dma_wait3A_157 = tpu.memref_slice %arg8[%arg1, %dma_wait3A] : memref<16x10240xf32, #tpu.memory_space<vmem_shared>> -> memref<1x10240xf32, #tpu.memory_space<vmem_shared>>
      %dma_wait3A_158 = tpu.memref_squeeze %dma_wait3A_157 : memref<1x10240xf32, #tpu.memory_space<vmem_shared>> -> memref<10240xf32, #tpu.memory_space<vmem_shared>>
      %dma_wait3A_159 = arith.constant 0 : i32
      %dma_wait3A_160 = tpu.memref_slice %arg8[%arg1, %dma_wait3A_159] : memref<16x10240xf32, #tpu.memory_space<vmem_shared>> -> memref<1x10240xf32, #tpu.memory_space<vmem_shared>>
      %dma_wait3A_161 = tpu.memref_squeeze %dma_wait3A_160 : memref<1x10240xf32, #tpu.memory_space<vmem_shared>> -> memref<10240xf32, #tpu.memory_space<vmem_shared>>
      tpu.wait_dma2 semaphore(%run_scoped3A_151 : memref<!tpu.dma_semaphore, #tpu.memory_space<semaphore_mem>>) src(%arg5 : memref<10240xf32, #tpu.memory_space<vmem>>) dst(%dma_wait3A_161 : memref<10240xf32, #tpu.memory_space<vmem_shared>>)
      tpu.yield
    }) : () -> ()
    %barrier3A = arith.constant 0 : index
    tpu.barrier barrier_id(%barrier3A)
    %mul3A = arith.constant 640 : i32
    %mul3A_16 = arith.muli %arg1, %mul3A : i32
    %scan3A_17 = arith.constant 0 : i32
    %scan3A_18 = arith.constant 0 : i32
    %scan3A_19 = arith.constant 40 : i32
    %scan3A_20 = arith.addi %scan3A_18, %scan3A_19 : i32
    %scan3A_21 = arith.constant 1 : i32
    %scan3A_22 = scf.for %scan3A_151 = %scan3A_18 to %scan3A_20 step %scan3A_21 iter_args(%scan3A_152 = %scan3A_17) -> (i32)  : i32 {
      %mul3A_153 = arith.constant 16 : i32
      %mul3A_154 = arith.muli %scan3A_151, %mul3A_153 : i32
      %swap3A = arith.index_cast %mul3A_154 : i32 to index
      %swap3A_155 = tpu.vector_load %arg6[%swap3A] {strides = array<i32>} : memref<640xf32, #tpu.memory_space<vmem>>, vector<16xf32>,
      tpu.vector_store %arg6[%swap3A], %broadcast_in_dim3A_0 {strides = array<i32>} : memref<640xf32, #tpu.memory_space<vmem>>, vector<16xf32>,
      %scan3A_156 = arith.constant 0 : i32
      scf.yield %scan3A_156 : i32
    }
    %scan3A_23 = arith.constant 40 : i32
    %run_scoped3A = arith.constant 0 : i32
    "tpu.region"() ({
      %run_scoped3A_151 = tpu.sem_alloc : memref<!tpu.dma_semaphore, #tpu.memory_space<semaphore_mem>>
      %dma_start3A = tpu.memref_slice %arg8[%run_scoped3A, %mul3A_16] : memref<16x10240xf32, #tpu.memory_space<vmem_shared>> -> memref<1x640xf32, #tpu.memory_space<vmem_shared>>
      %dma_start3A_152 = tpu.memref_squeeze %dma_start3A : memref<1x640xf32, #tpu.memory_space<vmem_shared>> -> memref<640xf32, #tpu.memory_space<vmem_shared>>
      %dma_start3A_153 = tpu.memref_slice %arg8[%run_scoped3A, %mul3A_16] : memref<16x10240xf32, #tpu.memory_space<vmem_shared>> -> memref<1x640xf32, #tpu.memory_space<vmem_shared>>
      %dma_start3A_154 = tpu.memref_squeeze %dma_start3A_153 : memref<1x640xf32, #tpu.memory_space<vmem_shared>> -> memref<640xf32, #tpu.memory_space<vmem_shared>>
      tpu.enqueue_dma source(%dma_start3A_154 : memref<640xf32, #tpu.memory_space<vmem_shared>>) target(%arg7 : memref<640xf32, #tpu.memory_space<vmem>>) target_semaphore(%run_scoped3A_151 : memref<!tpu.dma_semaphore, #tpu.memory_space<semaphore_mem>>)
      %dma_wait3A = tpu.memref_slice %arg8[%run_scoped3A, %mul3A_16] : memref<16x10240xf32, #tpu.memory_space<vmem_shared>> -> memref<1x640xf32, #tpu.memory_space<vmem_shared>>
      %dma_wait3A_155 = tpu.memref_squeeze %dma_wait3A : memref<1x640xf32, #tpu.memory_space<vmem_shared>> -> memref<640xf32, #tpu.memory_space<vmem_shared>>
      %dma_wait3A_156 = tpu.memref_slice %arg8[%run_scoped3A, %mul3A_16] : memref<16x10240xf32, #tpu.memory_space<vmem_shared>> -> memref<1x640xf32, #tpu.memory_space<vmem_shared>>
      %dma_wait3A_157 = tpu.memref_squeeze %dma_wait3A_156 : memref<1x640xf32, #tpu.memory_space<vmem_shared>> -> memref<640xf32, #tpu.memory_space<vmem_shared>>
      tpu.wait_dma2 semaphore(%run_scoped3A_151 : memref<!tpu.dma_semaphore, #tpu.memory_space<semaphore_mem>>) src(%dma_wait3A_157 : memref<640xf32, #tpu.memory_space<vmem_shared>>) dst(%arg7 : memref<640xf32, #tpu.memory_space<vmem>>)
      tpu.yield
    }) : () -> ()
    %scan3A_24 = arith.constant 0 : i32
    %scan3A_25 = arith.constant 0 : i32
    %scan3A_26 = arith.constant 40 : i32
    %scan3A_27 = arith.addi %scan3A_25, %scan3A_26 : i32
    %scan3A_28 = arith.constant 1 : i32
    %scan3A_29 = scf.for %scan3A_151 = %scan3A_25 to %scan3A_27 step %scan3A_28 iter_args(%scan3A_152 = %scan3A_24) -> (i32)  : i32 {
      %mul3A_153 = arith.constant 16 : i32
      %mul3A_154 = arith.muli %scan3A_151, %mul3A_153 : i32
      %get3A = arith.index_cast %mul3A_154 : i32 to index
      %get3A_155 = tpu.vector_load %arg6[%get3A] {strides = array<i32>} : memref<640xf32, #tpu.memory_space<vmem>>, vector<16xf32>,
      %get3A_156 = arith.index_cast %mul3A_154 : i32 to index
      %get3A_157 = tpu.vector_load %arg7[%get3A_156] {strides = array<i32>} : memref<640xf32, #tpu.memory_space<vmem>>, vector<16xf32>,
      %add3A = arith.addf %get3A_155, %get3A_157 : vector<16xf32>
      %swap3A = arith.index_cast %mul3A_154 : i32 to index
      %swap3A_158 = tpu.vector_load %arg6[%swap3A] {strides = array<i32>} : memref<640xf32, #tpu.memory_space<vmem>>, vector<16xf32>,
      tpu.vector_store %arg6[%swap3A], %add3A {strides = array<i32>} : memref<640xf32, #tpu.memory_space<vmem>>, vector<16xf32>,
      %scan3A_159 = arith.constant 0 : i32
      scf.yield %scan3A_159 : i32
    }
    %scan3A_30 = arith.constant 40 : i32
    %run_scoped3A_31 = arith.constant 1 : i32
    "tpu.region"() ({
      %run_scoped3A_151 = tpu.sem_alloc : memref<!tpu.dma_semaphore, #tpu.memory_space<semaphore_mem>>
      %dma_start3A = tpu.memref_slice %arg8[%run_scoped3A_31, %mul3A_16] : memref<16x10240xf32, #tpu.memory_space<vmem_shared>> -> memref<1x640xf32, #tpu.memory_space<vmem_shared>>
      %dma_start3A_152 = tpu.memref_squeeze %dma_start3A : memref<1x640xf32, #tpu.memory_space<vmem_shared>> -> memref<640xf32, #tpu.memory_space<vmem_shared>>
      %dma_start3A_153 = tpu.memref_slice %arg8[%run_scoped3A_31, %mul3A_16] : memref<16x10240xf32, #tpu.memory_space<vmem_shared>> -> memref<1x640xf32, #tpu.memory_space<vmem_shared>>
      %dma_start3A_154 = tpu.memref_squeeze %dma_start3A_153 : memref<1x640xf32, #tpu.memory_space<vmem_shared>> -> memref<640xf32, #tpu.memory_space<vmem_shared>>
      tpu.enqueue_dma source(%dma_start3A_154 : memref<640xf32, #tpu.memory_space<vmem_shared>>) target(%arg7 : memref<640xf32, #tpu.memory_space<vmem>>) target_semaphore(%run_scoped3A_151 : memref<!tpu.dma_semaphore, #tpu.memory_space<semaphore_mem>>)
      %dma_wait3A = tpu.memref_slice %arg8[%run_scoped3A_31, %mul3A_16] : memref<16x10240xf32, #tpu.memory_space<vmem_shared>> -> memref<1x640xf32, #tpu.memory_space<vmem_shared>>
      %dma_wait3A_155 = tpu.memref_squeeze %dma_wait3A : memref<1x640xf32, #tpu.memory_space<vmem_shared>> -> memref<640xf32, #tpu.memory_space<vmem_shared>>
      %dma_wait3A_156 = tpu.memref_slice %arg8[%run_scoped3A_31, %mul3A_16] : memref<16x10240xf32, #tpu.memory_space<vmem_shared>> -> memref<1x640xf32, #tpu.memory_space<vmem_shared>>
      %dma_wait3A_157 = tpu.memref_squeeze %dma_wait3A_156 : memref<1x640xf32, #tpu.memory_space<vmem_shared>> -> memref<640xf32, #tpu.memory_space<vmem_shared>>
      tpu.wait_dma2 semaphore(%run_scoped3A_151 : memref<!tpu.dma_semaphore, #tpu.memory_space<semaphore_mem>>) src(%dma_wait3A_157 : memref<640xf32, #tpu.memory_space<vmem_shared>>) dst(%arg7 : memref<640xf32, #tpu.memory_space<vmem>>)
      tpu.yield
    }) : () -> ()
    %scan3A_32 = arith.constant 0 : i32
    %scan3A_33 = arith.constant 0 : i32
    %scan3A_34 = arith.constant 40 : i32
    %scan3A_35 = arith.addi %scan3A_33, %scan3A_34 : i32
    %scan3A_36 = arith.constant 1 : i32
    %scan3A_37 = scf.for %scan3A_151 = %scan3A_33 to %scan3A_35 step %scan3A_36 iter_args(%scan3A_152 = %scan3A_32) -> (i32)  : i32 {
      %mul3A_153 = arith.constant 16 : i32
      %mul3A_154 = arith.muli %scan3A_151, %mul3A_153 : i32
      %get3A = arith.index_cast %mul3A_154 : i32 to index
      %get3A_155 = tpu.vector_load %arg6[%get3A] {strides = array<i32>} : memref<640xf32, #tpu.memory_space<vmem>>, vector<16xf32>,
      %get3A_156 = arith.index_cast %mul3A_154 : i32 to index
      %get3A_157 = tpu.vector_load %arg7[%get3A_156] {strides = array<i32>} : memref<640xf32, #tpu.memory_space<vmem>>, vector<16xf32>,
      %add3A = arith.addf %get3A_155, %get3A_157 : vector<16xf32>
      %swap3A = arith.index_cast %mul3A_154 : i32 to index
      %swap3A_158 = tpu.vector_load %arg6[%swap3A] {strides = array<i32>} : memref<640xf32, #tpu.memory_space<vmem>>, vector<16xf32>,
      tpu.vector_store %arg6[%swap3A], %add3A {strides = array<i32>} : memref<640xf32, #tpu.memory_space<vmem>>, vector<16xf32>,
      %scan3A_159 = arith.constant 0 : i32
      scf.yield %scan3A_159 : i32
    }
    %scan3A_38 = arith.constant 40 : i32
    %run_scoped3A_39 = arith.constant 2 : i32
    "tpu.region"() ({
      %run_scoped3A_151 = tpu.sem_alloc : memref<!tpu.dma_semaphore, #tpu.memory_space<semaphore_mem>>
      %dma_start3A = tpu.memref_slice %arg8[%run_scoped3A_39, %mul3A_16] : memref<16x10240xf32, #tpu.memory_space<vmem_shared>> -> memref<1x640xf32, #tpu.memory_space<vmem_shared>>
      %dma_start3A_152 = tpu.memref_squeeze %dma_start3A : memref<1x640xf32, #tpu.memory_space<vmem_shared>> -> memref<640xf32, #tpu.memory_space<vmem_shared>>
      %dma_start3A_153 = tpu.memref_slice %arg8[%run_scoped3A_39, %mul3A_16] : memref<16x10240xf32, #tpu.memory_space<vmem_shared>> -> memref<1x640xf32, #tpu.memory_space<vmem_shared>>
      %dma_start3A_154 = tpu.memref_squeeze %dma_start3A_153 : memref<1x640xf32, #tpu.memory_space<vmem_shared>> -> memref<640xf32, #tpu.memory_space<vmem_shared>>
      tpu.enqueue_dma source(%dma_start3A_154 : memref<640xf32, #tpu.memory_space<vmem_shared>>) target(%arg7 : memref<640xf32, #tpu.memory_space<vmem>>) target_semaphore(%run_scoped3A_151 : memref<!tpu.dma_semaphore, #tpu.memory_space<semaphore_mem>>)
      %dma_wait3A = tpu.memref_slice %arg8[%run_scoped3A_39, %mul3A_16] : memref<16x10240xf32, #tpu.memory_space<vmem_shared>> -> memref<1x640xf32, #tpu.memory_space<vmem_shared>>
      %dma_wait3A_155 = tpu.memref_squeeze %dma_wait3A : memref<1x640xf32, #tpu.memory_space<vmem_shared>> -> memref<640xf32, #tpu.memory_space<vmem_shared>>
      %dma_wait3A_156 = tpu.memref_slice %arg8[%run_scoped3A_39, %mul3A_16] : memref<16x10240xf32, #tpu.memory_space<vmem_shared>> -> memref<1x640xf32, #tpu.memory_space<vmem_shared>>
      %dma_wait3A_157 = tpu.memref_squeeze %dma_wait3A_156 : memref<1x640xf32, #tpu.memory_space<vmem_shared>> -> memref<640xf32, #tpu.memory_space<vmem_shared>>
      tpu.wait_dma2 semaphore(%run_scoped3A_151 : memref<!tpu.dma_semaphore, #tpu.memory_space<semaphore_mem>>) src(%dma_wait3A_157 : memref<640xf32, #tpu.memory_space<vmem_shared>>) dst(%arg7 : memref<640xf32, #tpu.memory_space<vmem>>)
      tpu.yield
    }) : () -> ()
    %scan3A_40 = arith.constant 0 : i32
    %scan3A_41 = arith.constant 0 : i32
    %scan3A_42 = arith.constant 40 : i32
    %scan3A_43 = arith.addi %scan3A_41, %scan3A_42 : i32
    %scan3A_44 = arith.constant 1 : i32
    %scan3A_45 = scf.for %scan3A_151 = %scan3A_41 to %scan3A_43 step %scan3A_44 iter_args(%scan3A_152 = %scan3A_40) -> (i32)  : i32 {
      %mul3A_153 = arith.constant 16 : i32
      %mul3A_154 = arith.muli %scan3A_151, %mul3A_153 : i32
      %get3A = arith.index_cast %mul3A_154 : i32 to index
      %get3A_155 = tpu.vector_load %arg6[%get3A] {strides = array<i32>} : memref<640xf32, #tpu.memory_space<vmem>>, vector<16xf32>,
      %get3A_156 = arith.index_cast %mul3A_154 : i32 to index
      %get3A_157 = tpu.vector_load %arg7[%get3A_156] {strides = array<i32>} : memref<640xf32, #tpu.memory_space<vmem>>, vector<16xf32>,
      %add3A = arith.addf %get3A_155, %get3A_157 : vector<16xf32>
      %swap3A = arith.index_cast %mul3A_154 : i32 to index
      %swap3A_158 = tpu.vector_load %arg6[%swap3A] {strides = array<i32>} : memref<640xf32, #tpu.memory_space<vmem>>, vector<16xf32>,
      tpu.vector_store %arg6[%swap3A], %add3A {strides = array<i32>} : memref<640xf32, #tpu.memory_space<vmem>>, vector<16xf32>,
      %scan3A_159 = arith.constant 0 : i32
      scf.yield %scan3A_159 : i32
    }
    %scan3A_46 = arith.constant 40 : i32
    %run_scoped3A_47 = arith.constant 3 : i32
    "tpu.region"() ({
      %run_scoped3A_151 = tpu.sem_alloc : memref<!tpu.dma_semaphore, #tpu.memory_space<semaphore_mem>>
      %dma_start3A = tpu.memref_slice %arg8[%run_scoped3A_47, %mul3A_16] : memref<16x10240xf32, #tpu.memory_space<vmem_shared>> -> memref<1x640xf32, #tpu.memory_space<vmem_shared>>
      %dma_start3A_152 = tpu.memref_squeeze %dma_start3A : memref<1x640xf32, #tpu.memory_space<vmem_shared>> -> memref<640xf32, #tpu.memory_space<vmem_shared>>
      %dma_start3A_153 = tpu.memref_slice %arg8[%run_scoped3A_47, %mul3A_16] : memref<16x10240xf32, #tpu.memory_space<vmem_shared>> -> memref<1x640xf32, #tpu.memory_space<vmem_shared>>
      %dma_start3A_154 = tpu.memref_squeeze %dma_start3A_153 : memref<1x640xf32, #tpu.memory_space<vmem_shared>> -> memref<640xf32, #tpu.memory_space<vmem_shared>>
      tpu.enqueue_dma source(%dma_start3A_154 : memref<640xf32, #tpu.memory_space<vmem_shared>>) target(%arg7 : memref<640xf32, #tpu.memory_space<vmem>>) target_semaphore(%run_scoped3A_151 : memref<!tpu.dma_semaphore, #tpu.memory_space<semaphore_mem>>)
      %dma_wait3A = tpu.memref_slice %arg8[%run_scoped3A_47, %mul3A_16] : memref<16x10240xf32, #tpu.memory_space<vmem_shared>> -> memref<1x640xf32, #tpu.memory_space<vmem_shared>>
      %dma_wait3A_155 = tpu.memref_squeeze %dma_wait3A : memref<1x640xf32, #tpu.memory_space<vmem_shared>> -> memref<640xf32, #tpu.memory_space<vmem_shared>>
      %dma_wait3A_156 = tpu.memref_slice %arg8[%run_scoped3A_47, %mul3A_16] : memref<16x10240xf32, #tpu.memory_space<vmem_shared>> -> memref<1x640xf32, #tpu.memory_space<vmem_shared>>
      %dma_wait3A_157 = tpu.memref_squeeze %dma_wait3A_156 : memref<1x640xf32, #tpu.memory_space<vmem_shared>> -> memref<640xf32, #tpu.memory_space<vmem_shared>>
      tpu.wait_dma2 semaphore(%run_scoped3A_151 : memref<!tpu.dma_semaphore, #tpu.memory_space<semaphore_mem>>) src(%dma_wait3A_157 : memref<640xf32, #tpu.memory_space<vmem_shared>>) dst(%arg7 : memref<640xf32, #tpu.memory_space<vmem>>)
      tpu.yield
    }) : () -> ()
    %scan3A_48 = arith.constant 0 : i32
    %scan3A_49 = arith.constant 0 : i32
    %scan3A_50 = arith.constant 40 : i32
    %scan3A_51 = arith.addi %scan3A_49, %scan3A_50 : i32
    %scan3A_52 = arith.constant 1 : i32
    %scan3A_53 = scf.for %scan3A_151 = %scan3A_49 to %scan3A_51 step %scan3A_52 iter_args(%scan3A_152 = %scan3A_48) -> (i32)  : i32 {
      %mul3A_153 = arith.constant 16 : i32
      %mul3A_154 = arith.muli %scan3A_151, %mul3A_153 : i32
      %get3A = arith.index_cast %mul3A_154 : i32 to index
      %get3A_155 = tpu.vector_load %arg6[%get3A] {strides = array<i32>} : memref<640xf32, #tpu.memory_space<vmem>>, vector<16xf32>,
      %get3A_156 = arith.index_cast %mul3A_154 : i32 to index
      %get3A_157 = tpu.vector_load %arg7[%get3A_156] {strides = array<i32>} : memref<640xf32, #tpu.memory_space<vmem>>, vector<16xf32>,
      %add3A = arith.addf %get3A_155, %get3A_157 : vector<16xf32>
      %swap3A = arith.index_cast %mul3A_154 : i32 to index
      %swap3A_158 = tpu.vector_load %arg6[%swap3A] {strides = array<i32>} : memref<640xf32, #tpu.memory_space<vmem>>, vector<16xf32>,
      tpu.vector_store %arg6[%swap3A], %add3A {strides = array<i32>} : memref<640xf32, #tpu.memory_space<vmem>>, vector<16xf32>,
      %scan3A_159 = arith.constant 0 : i32
      scf.yield %scan3A_159 : i32
    }
    %scan3A_54 = arith.constant 40 : i32
    %run_scoped3A_55 = arith.constant 4 : i32
    "tpu.region"() ({
      %run_scoped3A_151 = tpu.sem_alloc : memref<!tpu.dma_semaphore, #tpu.memory_space<semaphore_mem>>
      %dma_start3A = tpu.memref_slice %arg8[%run_scoped3A_55, %mul3A_16] : memref<16x10240xf32, #tpu.memory_space<vmem_shared>> -> memref<1x640xf32, #tpu.memory_space<vmem_shared>>
      %dma_start3A_152 = tpu.memref_squeeze %dma_start3A : memref<1x640xf32, #tpu.memory_space<vmem_shared>> -> memref<640xf32, #tpu.memory_space<vmem_shared>>
      %dma_start3A_153 = tpu.memref_slice %arg8[%run_scoped3A_55, %mul3A_16] : memref<16x10240xf32, #tpu.memory_space<vmem_shared>> -> memref<1x640xf32, #tpu.memory_space<vmem_shared>>
      %dma_start3A_154 = tpu.memref_squeeze %dma_start3A_153 : memref<1x640xf32, #tpu.memory_space<vmem_shared>> -> memref<640xf32, #tpu.memory_space<vmem_shared>>
      tpu.enqueue_dma source(%dma_start3A_154 : memref<640xf32, #tpu.memory_space<vmem_shared>>) target(%arg7 : memref<640xf32, #tpu.memory_space<vmem>>) target_semaphore(%run_scoped3A_151 : memref<!tpu.dma_semaphore, #tpu.memory_space<semaphore_mem>>)
      %dma_wait3A = tpu.memref_slice %arg8[%run_scoped3A_55, %mul3A_16] : memref<16x10240xf32, #tpu.memory_space<vmem_shared>> -> memref<1x640xf32, #tpu.memory_space<vmem_shared>>
      %dma_wait3A_155 = tpu.memref_squeeze %dma_wait3A : memref<1x640xf32, #tpu.memory_space<vmem_shared>> -> memref<640xf32, #tpu.memory_space<vmem_shared>>
      %dma_wait3A_156 = tpu.memref_slice %arg8[%run_scoped3A_55, %mul3A_16] : memref<16x10240xf32, #tpu.memory_space<vmem_shared>> -> memref<1x640xf32, #tpu.memory_space<vmem_shared>>
      %dma_wait3A_157 = tpu.memref_squeeze %dma_wait3A_156 : memref<1x640xf32, #tpu.memory_space<vmem_shared>> -> memref<640xf32, #tpu.memory_space<vmem_shared>>
      tpu.wait_dma2 semaphore(%run_scoped3A_151 : memref<!tpu.dma_semaphore, #tpu.memory_space<semaphore_mem>>) src(%dma_wait3A_157 : memref<640xf32, #tpu.memory_space<vmem_shared>>) dst(%arg7 : memref<640xf32, #tpu.memory_space<vmem>>)
      tpu.yield
    }) : () -> ()
    %scan3A_56 = arith.constant 0 : i32
    %scan3A_57 = arith.constant 0 : i32
    %scan3A_58 = arith.constant 40 : i32
    %scan3A_59 = arith.addi %scan3A_57, %scan3A_58 : i32
    %scan3A_60 = arith.constant 1 : i32
    %scan3A_61 = scf.for %scan3A_151 = %scan3A_57 to %scan3A_59 step %scan3A_60 iter_args(%scan3A_152 = %scan3A_56) -> (i32)  : i32 {
      %mul3A_153 = arith.constant 16 : i32
      %mul3A_154 = arith.muli %scan3A_151, %mul3A_153 : i32
      %get3A = arith.index_cast %mul3A_154 : i32 to index
      %get3A_155 = tpu.vector_load %arg6[%get3A] {strides = array<i32>} : memref<640xf32, #tpu.memory_space<vmem>>, vector<16xf32>,
      %get3A_156 = arith.index_cast %mul3A_154 : i32 to index
      %get3A_157 = tpu.vector_load %arg7[%get3A_156] {strides = array<i32>} : memref<640xf32, #tpu.memory_space<vmem>>, vector<16xf32>,
      %add3A = arith.addf %get3A_155, %get3A_157 : vector<16xf32>
      %swap3A = arith.index_cast %mul3A_154 : i32 to index
      %swap3A_158 = tpu.vector_load %arg6[%swap3A] {strides = array<i32>} : memref<640xf32, #tpu.memory_space<vmem>>, vector<16xf32>,
      tpu.vector_store %arg6[%swap3A], %add3A {strides = array<i32>} : memref<640xf32, #tpu.memory_space<vmem>>, vector<16xf32>,
      %scan3A_159 = arith.constant 0 : i32
      scf.yield %scan3A_159 : i32
    }
    %scan3A_62 = arith.constant 40 : i32
    %run_scoped3A_63 = arith.constant 5 : i32
    "tpu.region"() ({
      %run_scoped3A_151 = tpu.sem_alloc : memref<!tpu.dma_semaphore, #tpu.memory_space<semaphore_mem>>
      %dma_start3A = tpu.memref_slice %arg8[%run_scoped3A_63, %mul3A_16] : memref<16x10240xf32, #tpu.memory_space<vmem_shared>> -> memref<1x640xf32, #tpu.memory_space<vmem_shared>>
      %dma_start3A_152 = tpu.memref_squeeze %dma_start3A : memref<1x640xf32, #tpu.memory_space<vmem_shared>> -> memref<640xf32, #tpu.memory_space<vmem_shared>>
      %dma_start3A_153 = tpu.memref_slice %arg8[%run_scoped3A_63, %mul3A_16] : memref<16x10240xf32, #tpu.memory_space<vmem_shared>> -> memref<1x640xf32, #tpu.memory_space<vmem_shared>>
      %dma_start3A_154 = tpu.memref_squeeze %dma_start3A_153 : memref<1x640xf32, #tpu.memory_space<vmem_shared>> -> memref<640xf32, #tpu.memory_space<vmem_shared>>
      tpu.enqueue_dma source(%dma_start3A_154 : memref<640xf32, #tpu.memory_space<vmem_shared>>) target(%arg7 : memref<640xf32, #tpu.memory_space<vmem>>) target_semaphore(%run_scoped3A_151 : memref<!tpu.dma_semaphore, #tpu.memory_space<semaphore_mem>>)
      %dma_wait3A = tpu.memref_slice %arg8[%run_scoped3A_63, %mul3A_16] : memref<16x10240xf32, #tpu.memory_space<vmem_shared>> -> memref<1x640xf32, #tpu.memory_space<vmem_shared>>
      %dma_wait3A_155 = tpu.memref_squeeze %dma_wait3A : memref<1x640xf32, #tpu.memory_space<vmem_shared>> -> memref<640xf32, #tpu.memory_space<vmem_shared>>
      %dma_wait3A_156 = tpu.memref_slice %arg8[%run_scoped3A_63, %mul3A_16] : memref<16x10240xf32, #tpu.memory_space<vmem_shared>> -> memref<1x640xf32, #tpu.memory_space<vmem_shared>>
      %dma_wait3A_157 = tpu.memref_squeeze %dma_wait3A_156 : memref<1x640xf32, #tpu.memory_space<vmem_shared>> -> memref<640xf32, #tpu.memory_space<vmem_shared>>
      tpu.wait_dma2 semaphore(%run_scoped3A_151 : memref<!tpu.dma_semaphore, #tpu.memory_space<semaphore_mem>>) src(%dma_wait3A_157 : memref<640xf32, #tpu.memory_space<vmem_shared>>) dst(%arg7 : memref<640xf32, #tpu.memory_space<vmem>>)
      tpu.yield
    }) : () -> ()
    %scan3A_64 = arith.constant 0 : i32
    %scan3A_65 = arith.constant 0 : i32
    %scan3A_66 = arith.constant 40 : i32
    %scan3A_67 = arith.addi %scan3A_65, %scan3A_66 : i32
    %scan3A_68 = arith.constant 1 : i32
    %scan3A_69 = scf.for %scan3A_151 = %scan3A_65 to %scan3A_67 step %scan3A_68 iter_args(%scan3A_152 = %scan3A_64) -> (i32)  : i32 {
      %mul3A_153 = arith.constant 16 : i32
      %mul3A_154 = arith.muli %scan3A_151, %mul3A_153 : i32
      %get3A = arith.index_cast %mul3A_154 : i32 to index
      %get3A_155 = tpu.vector_load %arg6[%get3A] {strides = array<i32>} : memref<640xf32, #tpu.memory_space<vmem>>, vector<16xf32>,
      %get3A_156 = arith.index_cast %mul3A_154 : i32 to index
      %get3A_157 = tpu.vector_load %arg7[%get3A_156] {strides = array<i32>} : memref<640xf32, #tpu.memory_space<vmem>>, vector<16xf32>,
      %add3A = arith.addf %get3A_155, %get3A_157 : vector<16xf32>
      %swap3A = arith.index_cast %mul3A_154 : i32 to index
      %swap3A_158 = tpu.vector_load %arg6[%swap3A] {strides = array<i32>} : memref<640xf32, #tpu.memory_space<vmem>>, vector<16xf32>,
      tpu.vector_store %arg6[%swap3A], %add3A {strides = array<i32>} : memref<640xf32, #tpu.memory_space<vmem>>, vector<16xf32>,
      %scan3A_159 = arith.constant 0 : i32
      scf.yield %scan3A_159 : i32
    }
    %scan3A_70 = arith.constant 40 : i32
    %run_scoped3A_71 = arith.constant 6 : i32
    "tpu.region"() ({
      %run_scoped3A_151 = tpu.sem_alloc : memref<!tpu.dma_semaphore, #tpu.memory_space<semaphore_mem>>
      %dma_start3A = tpu.memref_slice %arg8[%run_scoped3A_71, %mul3A_16] : memref<16x10240xf32, #tpu.memory_space<vmem_shared>> -> memref<1x640xf32, #tpu.memory_space<vmem_shared>>
      %dma_start3A_152 = tpu.memref_squeeze %dma_start3A : memref<1x640xf32, #tpu.memory_space<vmem_shared>> -> memref<640xf32, #tpu.memory_space<vmem_shared>>
      %dma_start3A_153 = tpu.memref_slice %arg8[%run_scoped3A_71, %mul3A_16] : memref<16x10240xf32, #tpu.memory_space<vmem_shared>> -> memref<1x640xf32, #tpu.memory_space<vmem_shared>>
      %dma_start3A_154 = tpu.memref_squeeze %dma_start3A_153 : memref<1x640xf32, #tpu.memory_space<vmem_shared>> -> memref<640xf32, #tpu.memory_space<vmem_shared>>
      tpu.enqueue_dma source(%dma_start3A_154 : memref<640xf32, #tpu.memory_space<vmem_shared>>) target(%arg7 : memref<640xf32, #tpu.memory_space<vmem>>) target_semaphore(%run_scoped3A_151 : memref<!tpu.dma_semaphore, #tpu.memory_space<semaphore_mem>>)
      %dma_wait3A = tpu.memref_slice %arg8[%run_scoped3A_71, %mul3A_16] : memref<16x10240xf32, #tpu.memory_space<vmem_shared>> -> memref<1x640xf32, #tpu.memory_space<vmem_shared>>
      %dma_wait3A_155 = tpu.memref_squeeze %dma_wait3A : memref<1x640xf32, #tpu.memory_space<vmem_shared>> -> memref<640xf32, #tpu.memory_space<vmem_shared>>
      %dma_wait3A_156 = tpu.memref_slice %arg8[%run_scoped3A_71, %mul3A_16] : memref<16x10240xf32, #tpu.memory_space<vmem_shared>> -> memref<1x640xf32, #tpu.memory_space<vmem_shared>>
      %dma_wait3A_157 = tpu.memref_squeeze %dma_wait3A_156 : memref<1x640xf32, #tpu.memory_space<vmem_shared>> -> memref<640xf32, #tpu.memory_space<vmem_shared>>
      tpu.wait_dma2 semaphore(%run_scoped3A_151 : memref<!tpu.dma_semaphore, #tpu.memory_space<semaphore_mem>>) src(%dma_wait3A_157 : memref<640xf32, #tpu.memory_space<vmem_shared>>) dst(%arg7 : memref<640xf32, #tpu.memory_space<vmem>>)
      tpu.yield
    }) : () -> ()
    %scan3A_72 = arith.constant 0 : i32
    %scan3A_73 = arith.constant 0 : i32
    %scan3A_74 = arith.constant 40 : i32
    %scan3A_75 = arith.addi %scan3A_73, %scan3A_74 : i32
    %scan3A_76 = arith.constant 1 : i32
    %scan3A_77 = scf.for %scan3A_151 = %scan3A_73 to %scan3A_75 step %scan3A_76 iter_args(%scan3A_152 = %scan3A_72) -> (i32)  : i32 {
      %mul3A_153 = arith.constant 16 : i32
      %mul3A_154 = arith.muli %scan3A_151, %mul3A_153 : i32
      %get3A = arith.index_cast %mul3A_154 : i32 to index
      %get3A_155 = tpu.vector_load %arg6[%get3A] {strides = array<i32>} : memref<640xf32, #tpu.memory_space<vmem>>, vector<16xf32>,
      %get3A_156 = arith.index_cast %mul3A_154 : i32 to index
      %get3A_157 = tpu.vector_load %arg7[%get3A_156] {strides = array<i32>} : memref<640xf32, #tpu.memory_space<vmem>>, vector<16xf32>,
      %add3A = arith.addf %get3A_155, %get3A_157 : vector<16xf32>
      %swap3A = arith.index_cast %mul3A_154 : i32 to index
      %swap3A_158 = tpu.vector_load %arg6[%swap3A] {strides = array<i32>} : memref<640xf32, #tpu.memory_space<vmem>>, vector<16xf32>,
      tpu.vector_store %arg6[%swap3A], %add3A {strides = array<i32>} : memref<640xf32, #tpu.memory_space<vmem>>, vector<16xf32>,
      %scan3A_159 = arith.constant 0 : i32
      scf.yield %scan3A_159 : i32
    }
    %scan3A_78 = arith.constant 40 : i32
    %run_scoped3A_79 = arith.constant 7 : i32
    "tpu.region"() ({
      %run_scoped3A_151 = tpu.sem_alloc : memref<!tpu.dma_semaphore, #tpu.memory_space<semaphore_mem>>
      %dma_start3A = tpu.memref_slice %arg8[%run_scoped3A_79, %mul3A_16] : memref<16x10240xf32, #tpu.memory_space<vmem_shared>> -> memref<1x640xf32, #tpu.memory_space<vmem_shared>>
      %dma_start3A_152 = tpu.memref_squeeze %dma_start3A : memref<1x640xf32, #tpu.memory_space<vmem_shared>> -> memref<640xf32, #tpu.memory_space<vmem_shared>>
      %dma_start3A_153 = tpu.memref_slice %arg8[%run_scoped3A_79, %mul3A_16] : memref<16x10240xf32, #tpu.memory_space<vmem_shared>> -> memref<1x640xf32, #tpu.memory_space<vmem_shared>>
      %dma_start3A_154 = tpu.memref_squeeze %dma_start3A_153 : memref<1x640xf32, #tpu.memory_space<vmem_shared>> -> memref<640xf32, #tpu.memory_space<vmem_shared>>
      tpu.enqueue_dma source(%dma_start3A_154 : memref<640xf32, #tpu.memory_space<vmem_shared>>) target(%arg7 : memref<640xf32, #tpu.memory_space<vmem>>) target_semaphore(%run_scoped3A_151 : memref<!tpu.dma_semaphore, #tpu.memory_space<semaphore_mem>>)
      %dma_wait3A = tpu.memref_slice %arg8[%run_scoped3A_79, %mul3A_16] : memref<16x10240xf32, #tpu.memory_space<vmem_shared>> -> memref<1x640xf32, #tpu.memory_space<vmem_shared>>
      %dma_wait3A_155 = tpu.memref_squeeze %dma_wait3A : memref<1x640xf32, #tpu.memory_space<vmem_shared>> -> memref<640xf32, #tpu.memory_space<vmem_shared>>
      %dma_wait3A_156 = tpu.memref_slice %arg8[%run_scoped3A_79, %mul3A_16] : memref<16x10240xf32, #tpu.memory_space<vmem_shared>> -> memref<1x640xf32, #tpu.memory_space<vmem_shared>>
      %dma_wait3A_157 = tpu.memref_squeeze %dma_wait3A_156 : memref<1x640xf32, #tpu.memory_space<vmem_shared>> -> memref<640xf32, #tpu.memory_space<vmem_shared>>
      tpu.wait_dma2 semaphore(%run_scoped3A_151 : memref<!tpu.dma_semaphore, #tpu.memory_space<semaphore_mem>>) src(%dma_wait3A_157 : memref<640xf32, #tpu.memory_space<vmem_shared>>) dst(%arg7 : memref<640xf32, #tpu.memory_space<vmem>>)
      tpu.yield
    }) : () -> ()
    %scan3A_80 = arith.constant 0 : i32
    %scan3A_81 = arith.constant 0 : i32
    %scan3A_82 = arith.constant 40 : i32
    %scan3A_83 = arith.addi %scan3A_81, %scan3A_82 : i32
    %scan3A_84 = arith.constant 1 : i32
    %scan3A_85 = scf.for %scan3A_151 = %scan3A_81 to %scan3A_83 step %scan3A_84 iter_args(%scan3A_152 = %scan3A_80) -> (i32)  : i32 {
      %mul3A_153 = arith.constant 16 : i32
      %mul3A_154 = arith.muli %scan3A_151, %mul3A_153 : i32
      %get3A = arith.index_cast %mul3A_154 : i32 to index
      %get3A_155 = tpu.vector_load %arg6[%get3A] {strides = array<i32>} : memref<640xf32, #tpu.memory_space<vmem>>, vector<16xf32>,
      %get3A_156 = arith.index_cast %mul3A_154 : i32 to index
      %get3A_157 = tpu.vector_load %arg7[%get3A_156] {strides = array<i32>} : memref<640xf32, #tpu.memory_space<vmem>>, vector<16xf32>,
      %add3A = arith.addf %get3A_155, %get3A_157 : vector<16xf32>
      %swap3A = arith.index_cast %mul3A_154 : i32 to index
      %swap3A_158 = tpu.vector_load %arg6[%swap3A] {strides = array<i32>} : memref<640xf32, #tpu.memory_space<vmem>>, vector<16xf32>,
      tpu.vector_store %arg6[%swap3A], %add3A {strides = array<i32>} : memref<640xf32, #tpu.memory_space<vmem>>, vector<16xf32>,
      %scan3A_159 = arith.constant 0 : i32
      scf.yield %scan3A_159 : i32
    }
    %scan3A_86 = arith.constant 40 : i32
    %run_scoped3A_87 = arith.constant 8 : i32
    "tpu.region"() ({
      %run_scoped3A_151 = tpu.sem_alloc : memref<!tpu.dma_semaphore, #tpu.memory_space<semaphore_mem>>
      %dma_start3A = tpu.memref_slice %arg8[%run_scoped3A_87, %mul3A_16] : memref<16x10240xf32, #tpu.memory_space<vmem_shared>> -> memref<1x640xf32, #tpu.memory_space<vmem_shared>>
      %dma_start3A_152 = tpu.memref_squeeze %dma_start3A : memref<1x640xf32, #tpu.memory_space<vmem_shared>> -> memref<640xf32, #tpu.memory_space<vmem_shared>>
      %dma_start3A_153 = tpu.memref_slice %arg8[%run_scoped3A_87, %mul3A_16] : memref<16x10240xf32, #tpu.memory_space<vmem_shared>> -> memref<1x640xf32, #tpu.memory_space<vmem_shared>>
      %dma_start3A_154 = tpu.memref_squeeze %dma_start3A_153 : memref<1x640xf32, #tpu.memory_space<vmem_shared>> -> memref<640xf32, #tpu.memory_space<vmem_shared>>
      tpu.enqueue_dma source(%dma_start3A_154 : memref<640xf32, #tpu.memory_space<vmem_shared>>) target(%arg7 : memref<640xf32, #tpu.memory_space<vmem>>) target_semaphore(%run_scoped3A_151 : memref<!tpu.dma_semaphore, #tpu.memory_space<semaphore_mem>>)
      %dma_wait3A = tpu.memref_slice %arg8[%run_scoped3A_87, %mul3A_16] : memref<16x10240xf32, #tpu.memory_space<vmem_shared>> -> memref<1x640xf32, #tpu.memory_space<vmem_shared>>
      %dma_wait3A_155 = tpu.memref_squeeze %dma_wait3A : memref<1x640xf32, #tpu.memory_space<vmem_shared>> -> memref<640xf32, #tpu.memory_space<vmem_shared>>
      %dma_wait3A_156 = tpu.memref_slice %arg8[%run_scoped3A_87, %mul3A_16] : memref<16x10240xf32, #tpu.memory_space<vmem_shared>> -> memref<1x640xf32, #tpu.memory_space<vmem_shared>>
      %dma_wait3A_157 = tpu.memref_squeeze %dma_wait3A_156 : memref<1x640xf32, #tpu.memory_space<vmem_shared>> -> memref<640xf32, #tpu.memory_space<vmem_shared>>
      tpu.wait_dma2 semaphore(%run_scoped3A_151 : memref<!tpu.dma_semaphore, #tpu.memory_space<semaphore_mem>>) src(%dma_wait3A_157 : memref<640xf32, #tpu.memory_space<vmem_shared>>) dst(%arg7 : memref<640xf32, #tpu.memory_space<vmem>>)
      tpu.yield
    }) : () -> ()
    %scan3A_88 = arith.constant 0 : i32
    %scan3A_89 = arith.constant 0 : i32
    %scan3A_90 = arith.constant 40 : i32
    %scan3A_91 = arith.addi %scan3A_89, %scan3A_90 : i32
    %scan3A_92 = arith.constant 1 : i32
    %scan3A_93 = scf.for %scan3A_151 = %scan3A_89 to %scan3A_91 step %scan3A_92 iter_args(%scan3A_152 = %scan3A_88) -> (i32)  : i32 {
      %mul3A_153 = arith.constant 16 : i32
      %mul3A_154 = arith.muli %scan3A_151, %mul3A_153 : i32
      %get3A = arith.index_cast %mul3A_154 : i32 to index
      %get3A_155 = tpu.vector_load %arg6[%get3A] {strides = array<i32>} : memref<640xf32, #tpu.memory_space<vmem>>, vector<16xf32>,
      %get3A_156 = arith.index_cast %mul3A_154 : i32 to index
      %get3A_157 = tpu.vector_load %arg7[%get3A_156] {strides = array<i32>} : memref<640xf32, #tpu.memory_space<vmem>>, vector<16xf32>,
      %add3A = arith.addf %get3A_155, %get3A_157 : vector<16xf32>
      %swap3A = arith.index_cast %mul3A_154 : i32 to index
      %swap3A_158 = tpu.vector_load %arg6[%swap3A] {strides = array<i32>} : memref<640xf32, #tpu.memory_space<vmem>>, vector<16xf32>,
      tpu.vector_store %arg6[%swap3A], %add3A {strides = array<i32>} : memref<640xf32, #tpu.memory_space<vmem>>, vector<16xf32>,
      %scan3A_159 = arith.constant 0 : i32
      scf.yield %scan3A_159 : i32
    }
    %scan3A_94 = arith.constant 40 : i32
    %run_scoped3A_95 = arith.constant 9 : i32
    "tpu.region"() ({
      %run_scoped3A_151 = tpu.sem_alloc : memref<!tpu.dma_semaphore, #tpu.memory_space<semaphore_mem>>
      %dma_start3A = tpu.memref_slice %arg8[%run_scoped3A_95, %mul3A_16] : memref<16x10240xf32, #tpu.memory_space<vmem_shared>> -> memref<1x640xf32, #tpu.memory_space<vmem_shared>>
      %dma_start3A_152 = tpu.memref_squeeze %dma_start3A : memref<1x640xf32, #tpu.memory_space<vmem_shared>> -> memref<640xf32, #tpu.memory_space<vmem_shared>>
      %dma_start3A_153 = tpu.memref_slice %arg8[%run_scoped3A_95, %mul3A_16] : memref<16x10240xf32, #tpu.memory_space<vmem_shared>> -> memref<1x640xf32, #tpu.memory_space<vmem_shared>>
      %dma_start3A_154 = tpu.memref_squeeze %dma_start3A_153 : memref<1x640xf32, #tpu.memory_space<vmem_shared>> -> memref<640xf32, #tpu.memory_space<vmem_shared>>
      tpu.enqueue_dma source(%dma_start3A_154 : memref<640xf32, #tpu.memory_space<vmem_shared>>) target(%arg7 : memref<640xf32, #tpu.memory_space<vmem>>) target_semaphore(%run_scoped3A_151 : memref<!tpu.dma_semaphore, #tpu.memory_space<semaphore_mem>>)
      %dma_wait3A = tpu.memref_slice %arg8[%run_scoped3A_95, %mul3A_16] : memref<16x10240xf32, #tpu.memory_space<vmem_shared>> -> memref<1x640xf32, #tpu.memory_space<vmem_shared>>
      %dma_wait3A_155 = tpu.memref_squeeze %dma_wait3A : memref<1x640xf32, #tpu.memory_space<vmem_shared>> -> memref<640xf32, #tpu.memory_space<vmem_shared>>
      %dma_wait3A_156 = tpu.memref_slice %arg8[%run_scoped3A_95, %mul3A_16] : memref<16x10240xf32, #tpu.memory_space<vmem_shared>> -> memref<1x640xf32, #tpu.memory_space<vmem_shared>>
      %dma_wait3A_157 = tpu.memref_squeeze %dma_wait3A_156 : memref<1x640xf32, #tpu.memory_space<vmem_shared>> -> memref<640xf32, #tpu.memory_space<vmem_shared>>
      tpu.wait_dma2 semaphore(%run_scoped3A_151 : memref<!tpu.dma_semaphore, #tpu.memory_space<semaphore_mem>>) src(%dma_wait3A_157 : memref<640xf32, #tpu.memory_space<vmem_shared>>) dst(%arg7 : memref<640xf32, #tpu.memory_space<vmem>>)
      tpu.yield
    }) : () -> ()
    %scan3A_96 = arith.constant 0 : i32
    %scan3A_97 = arith.constant 0 : i32
    %scan3A_98 = arith.constant 40 : i32
    %scan3A_99 = arith.addi %scan3A_97, %scan3A_98 : i32
    %scan3A_100 = arith.constant 1 : i32
    %scan3A_101 = scf.for %scan3A_151 = %scan3A_97 to %scan3A_99 step %scan3A_100 iter_args(%scan3A_152 = %scan3A_96) -> (i32)  : i32 {
      %mul3A_153 = arith.constant 16 : i32
      %mul3A_154 = arith.muli %scan3A_151, %mul3A_153 : i32
      %get3A = arith.index_cast %mul3A_154 : i32 to index
      %get3A_155 = tpu.vector_load %arg6[%get3A] {strides = array<i32>} : memref<640xf32, #tpu.memory_space<vmem>>, vector<16xf32>,
      %get3A_156 = arith.index_cast %mul3A_154 : i32 to index
      %get3A_157 = tpu.vector_load %arg7[%get3A_156] {strides = array<i32>} : memref<640xf32, #tpu.memory_space<vmem>>, vector<16xf32>,
      %add3A = arith.addf %get3A_155, %get3A_157 : vector<16xf32>
      %swap3A = arith.index_cast %mul3A_154 : i32 to index
      %swap3A_158 = tpu.vector_load %arg6[%swap3A] {strides = array<i32>} : memref<640xf32, #tpu.memory_space<vmem>>, vector<16xf32>,
      tpu.vector_store %arg6[%swap3A], %add3A {strides = array<i32>} : memref<640xf32, #tpu.memory_space<vmem>>, vector<16xf32>,
      %scan3A_159 = arith.constant 0 : i32
      scf.yield %scan3A_159 : i32
    }
    %scan3A_102 = arith.constant 40 : i32
    %run_scoped3A_103 = arith.constant 10 : i32
    "tpu.region"() ({
      %run_scoped3A_151 = tpu.sem_alloc : memref<!tpu.dma_semaphore, #tpu.memory_space<semaphore_mem>>
      %dma_start3A = tpu.memref_slice %arg8[%run_scoped3A_103, %mul3A_16] : memref<16x10240xf32, #tpu.memory_space<vmem_shared>> -> memref<1x640xf32, #tpu.memory_space<vmem_shared>>
      %dma_start3A_152 = tpu.memref_squeeze %dma_start3A : memref<1x640xf32, #tpu.memory_space<vmem_shared>> -> memref<640xf32, #tpu.memory_space<vmem_shared>>
      %dma_start3A_153 = tpu.memref_slice %arg8[%run_scoped3A_103, %mul3A_16] : memref<16x10240xf32, #tpu.memory_space<vmem_shared>> -> memref<1x640xf32, #tpu.memory_space<vmem_shared>>
      %dma_start3A_154 = tpu.memref_squeeze %dma_start3A_153 : memref<1x640xf32, #tpu.memory_space<vmem_shared>> -> memref<640xf32, #tpu.memory_space<vmem_shared>>
      tpu.enqueue_dma source(%dma_start3A_154 : memref<640xf32, #tpu.memory_space<vmem_shared>>) target(%arg7 : memref<640xf32, #tpu.memory_space<vmem>>) target_semaphore(%run_scoped3A_151 : memref<!tpu.dma_semaphore, #tpu.memory_space<semaphore_mem>>)
      %dma_wait3A = tpu.memref_slice %arg8[%run_scoped3A_103, %mul3A_16] : memref<16x10240xf32, #tpu.memory_space<vmem_shared>> -> memref<1x640xf32, #tpu.memory_space<vmem_shared>>
      %dma_wait3A_155 = tpu.memref_squeeze %dma_wait3A : memref<1x640xf32, #tpu.memory_space<vmem_shared>> -> memref<640xf32, #tpu.memory_space<vmem_shared>>
      %dma_wait3A_156 = tpu.memref_slice %arg8[%run_scoped3A_103, %mul3A_16] : memref<16x10240xf32, #tpu.memory_space<vmem_shared>> -> memref<1x640xf32, #tpu.memory_space<vmem_shared>>
      %dma_wait3A_157 = tpu.memref_squeeze %dma_wait3A_156 : memref<1x640xf32, #tpu.memory_space<vmem_shared>> -> memref<640xf32, #tpu.memory_space<vmem_shared>>
      tpu.wait_dma2 semaphore(%run_scoped3A_151 : memref<!tpu.dma_semaphore, #tpu.memory_space<semaphore_mem>>) src(%dma_wait3A_157 : memref<640xf32, #tpu.memory_space<vmem_shared>>) dst(%arg7 : memref<640xf32, #tpu.memory_space<vmem>>)
      tpu.yield
    }) : () -> ()
    %scan3A_104 = arith.constant 0 : i32
    %scan3A_105 = arith.constant 0 : i32
    %scan3A_106 = arith.constant 40 : i32
    %scan3A_107 = arith.addi %scan3A_105, %scan3A_106 : i32
    %scan3A_108 = arith.constant 1 : i32
    %scan3A_109 = scf.for %scan3A_151 = %scan3A_105 to %scan3A_107 step %scan3A_108 iter_args(%scan3A_152 = %scan3A_104) -> (i32)  : i32 {
      %mul3A_153 = arith.constant 16 : i32
      %mul3A_154 = arith.muli %scan3A_151, %mul3A_153 : i32
      %get3A = arith.index_cast %mul3A_154 : i32 to index
      %get3A_155 = tpu.vector_load %arg6[%get3A] {strides = array<i32>} : memref<640xf32, #tpu.memory_space<vmem>>, vector<16xf32>,
      %get3A_156 = arith.index_cast %mul3A_154 : i32 to index
      %get3A_157 = tpu.vector_load %arg7[%get3A_156] {strides = array<i32>} : memref<640xf32, #tpu.memory_space<vmem>>, vector<16xf32>,
      %add3A = arith.addf %get3A_155, %get3A_157 : vector<16xf32>
      %swap3A = arith.index_cast %mul3A_154 : i32 to index
      %swap3A_158 = tpu.vector_load %arg6[%swap3A] {strides = array<i32>} : memref<640xf32, #tpu.memory_space<vmem>>, vector<16xf32>,
      tpu.vector_store %arg6[%swap3A], %add3A {strides = array<i32>} : memref<640xf32, #tpu.memory_space<vmem>>, vector<16xf32>,
      %scan3A_159 = arith.constant 0 : i32
      scf.yield %scan3A_159 : i32
    }
    %scan3A_110 = arith.constant 40 : i32
    %run_scoped3A_111 = arith.constant 11 : i32
    "tpu.region"() ({
      %run_scoped3A_151 = tpu.sem_alloc : memref<!tpu.dma_semaphore, #tpu.memory_space<semaphore_mem>>
      %dma_start3A = tpu.memref_slice %arg8[%run_scoped3A_111, %mul3A_16] : memref<16x10240xf32, #tpu.memory_space<vmem_shared>> -> memref<1x640xf32, #tpu.memory_space<vmem_shared>>
      %dma_start3A_152 = tpu.memref_squeeze %dma_start3A : memref<1x640xf32, #tpu.memory_space<vmem_shared>> -> memref<640xf32, #tpu.memory_space<vmem_shared>>
      %dma_start3A_153 = tpu.memref_slice %arg8[%run_scoped3A_111, %mul3A_16] : memref<16x10240xf32, #tpu.memory_space<vmem_shared>> -> memref<1x640xf32, #tpu.memory_space<vmem_shared>>
      %dma_start3A_154 = tpu.memref_squeeze %dma_start3A_153 : memref<1x640xf32, #tpu.memory_space<vmem_shared>> -> memref<640xf32, #tpu.memory_space<vmem_shared>>
      tpu.enqueue_dma source(%dma_start3A_154 : memref<640xf32, #tpu.memory_space<vmem_shared>>) target(%arg7 : memref<640xf32, #tpu.memory_space<vmem>>) target_semaphore(%run_scoped3A_151 : memref<!tpu.dma_semaphore, #tpu.memory_space<semaphore_mem>>)
      %dma_wait3A = tpu.memref_slice %arg8[%run_scoped3A_111, %mul3A_16] : memref<16x10240xf32, #tpu.memory_space<vmem_shared>> -> memref<1x640xf32, #tpu.memory_space<vmem_shared>>
      %dma_wait3A_155 = tpu.memref_squeeze %dma_wait3A : memref<1x640xf32, #tpu.memory_space<vmem_shared>> -> memref<640xf32, #tpu.memory_space<vmem_shared>>
      %dma_wait3A_156 = tpu.memref_slice %arg8[%run_scoped3A_111, %mul3A_16] : memref<16x10240xf32, #tpu.memory_space<vmem_shared>> -> memref<1x640xf32, #tpu.memory_space<vmem_shared>>
      %dma_wait3A_157 = tpu.memref_squeeze %dma_wait3A_156 : memref<1x640xf32, #tpu.memory_space<vmem_shared>> -> memref<640xf32, #tpu.memory_space<vmem_shared>>
      tpu.wait_dma2 semaphore(%run_scoped3A_151 : memref<!tpu.dma_semaphore, #tpu.memory_space<semaphore_mem>>) src(%dma_wait3A_157 : memref<640xf32, #tpu.memory_space<vmem_shared>>) dst(%arg7 : memref<640xf32, #tpu.memory_space<vmem>>)
      tpu.yield
    }) : () -> ()
    %scan3A_112 = arith.constant 0 : i32
    %scan3A_113 = arith.constant 0 : i32
    %scan3A_114 = arith.constant 40 : i32
    %scan3A_115 = arith.addi %scan3A_113, %scan3A_114 : i32
    %scan3A_116 = arith.constant 1 : i32
    %scan3A_117 = scf.for %scan3A_151 = %scan3A_113 to %scan3A_115 step %scan3A_116 iter_args(%scan3A_152 = %scan3A_112) -> (i32)  : i32 {
      %mul3A_153 = arith.constant 16 : i32
      %mul3A_154 = arith.muli %scan3A_151, %mul3A_153 : i32
      %get3A = arith.index_cast %mul3A_154 : i32 to index
      %get3A_155 = tpu.vector_load %arg6[%get3A] {strides = array<i32>} : memref<640xf32, #tpu.memory_space<vmem>>, vector<16xf32>,
      %get3A_156 = arith.index_cast %mul3A_154 : i32 to index
      %get3A_157 = tpu.vector_load %arg7[%get3A_156] {strides = array<i32>} : memref<640xf32, #tpu.memory_space<vmem>>, vector<16xf32>,
      %add3A = arith.addf %get3A_155, %get3A_157 : vector<16xf32>
      %swap3A = arith.index_cast %mul3A_154 : i32 to index
      %swap3A_158 = tpu.vector_load %arg6[%swap3A] {strides = array<i32>} : memref<640xf32, #tpu.memory_space<vmem>>, vector<16xf32>,
      tpu.vector_store %arg6[%swap3A], %add3A {strides = array<i32>} : memref<640xf32, #tpu.memory_space<vmem>>, vector<16xf32>,
      %scan3A_159 = arith.constant 0 : i32
      scf.yield %scan3A_159 : i32
    }
    %scan3A_118 = arith.constant 40 : i32
    %run_scoped3A_119 = arith.constant 12 : i32
    "tpu.region"() ({
      %run_scoped3A_151 = tpu.sem_alloc : memref<!tpu.dma_semaphore, #tpu.memory_space<semaphore_mem>>
      %dma_start3A = tpu.memref_slice %arg8[%run_scoped3A_119, %mul3A_16] : memref<16x10240xf32, #tpu.memory_space<vmem_shared>> -> memref<1x640xf32, #tpu.memory_space<vmem_shared>>
      %dma_start3A_152 = tpu.memref_squeeze %dma_start3A : memref<1x640xf32, #tpu.memory_space<vmem_shared>> -> memref<640xf32, #tpu.memory_space<vmem_shared>>
      %dma_start3A_153 = tpu.memref_slice %arg8[%run_scoped3A_119, %mul3A_16] : memref<16x10240xf32, #tpu.memory_space<vmem_shared>> -> memref<1x640xf32, #tpu.memory_space<vmem_shared>>
      %dma_start3A_154 = tpu.memref_squeeze %dma_start3A_153 : memref<1x640xf32, #tpu.memory_space<vmem_shared>> -> memref<640xf32, #tpu.memory_space<vmem_shared>>
      tpu.enqueue_dma source(%dma_start3A_154 : memref<640xf32, #tpu.memory_space<vmem_shared>>) target(%arg7 : memref<640xf32, #tpu.memory_space<vmem>>) target_semaphore(%run_scoped3A_151 : memref<!tpu.dma_semaphore, #tpu.memory_space<semaphore_mem>>)
      %dma_wait3A = tpu.memref_slice %arg8[%run_scoped3A_119, %mul3A_16] : memref<16x10240xf32, #tpu.memory_space<vmem_shared>> -> memref<1x640xf32, #tpu.memory_space<vmem_shared>>
      %dma_wait3A_155 = tpu.memref_squeeze %dma_wait3A : memref<1x640xf32, #tpu.memory_space<vmem_shared>> -> memref<640xf32, #tpu.memory_space<vmem_shared>>
      %dma_wait3A_156 = tpu.memref_slice %arg8[%run_scoped3A_119, %mul3A_16] : memref<16x10240xf32, #tpu.memory_space<vmem_shared>> -> memref<1x640xf32, #tpu.memory_space<vmem_shared>>
      %dma_wait3A_157 = tpu.memref_squeeze %dma_wait3A_156 : memref<1x640xf32, #tpu.memory_space<vmem_shared>> -> memref<640xf32, #tpu.memory_space<vmem_shared>>
      tpu.wait_dma2 semaphore(%run_scoped3A_151 : memref<!tpu.dma_semaphore, #tpu.memory_space<semaphore_mem>>) src(%dma_wait3A_157 : memref<640xf32, #tpu.memory_space<vmem_shared>>) dst(%arg7 : memref<640xf32, #tpu.memory_space<vmem>>)
      tpu.yield
    }) : () -> ()
    %scan3A_120 = arith.constant 0 : i32
    %scan3A_121 = arith.constant 0 : i32
    %scan3A_122 = arith.constant 40 : i32
    %scan3A_123 = arith.addi %scan3A_121, %scan3A_122 : i32
    %scan3A_124 = arith.constant 1 : i32
    %scan3A_125 = scf.for %scan3A_151 = %scan3A_121 to %scan3A_123 step %scan3A_124 iter_args(%scan3A_152 = %scan3A_120) -> (i32)  : i32 {
      %mul3A_153 = arith.constant 16 : i32
      %mul3A_154 = arith.muli %scan3A_151, %mul3A_153 : i32
      %get3A = arith.index_cast %mul3A_154 : i32 to index
      %get3A_155 = tpu.vector_load %arg6[%get3A] {strides = array<i32>} : memref<640xf32, #tpu.memory_space<vmem>>, vector<16xf32>,
      %get3A_156 = arith.index_cast %mul3A_154 : i32 to index
      %get3A_157 = tpu.vector_load %arg7[%get3A_156] {strides = array<i32>} : memref<640xf32, #tpu.memory_space<vmem>>, vector<16xf32>,
      %add3A = arith.addf %get3A_155, %get3A_157 : vector<16xf32>
      %swap3A = arith.index_cast %mul3A_154 : i32 to index
      %swap3A_158 = tpu.vector_load %arg6[%swap3A] {strides = array<i32>} : memref<640xf32, #tpu.memory_space<vmem>>, vector<16xf32>,
      tpu.vector_store %arg6[%swap3A], %add3A {strides = array<i32>} : memref<640xf32, #tpu.memory_space<vmem>>, vector<16xf32>,
      %scan3A_159 = arith.constant 0 : i32
      scf.yield %scan3A_159 : i32
    }
    %scan3A_126 = arith.constant 40 : i32
    %run_scoped3A_127 = arith.constant 13 : i32
    "tpu.region"() ({
      %run_scoped3A_151 = tpu.sem_alloc : memref<!tpu.dma_semaphore, #tpu.memory_space<semaphore_mem>>
      %dma_start3A = tpu.memref_slice %arg8[%run_scoped3A_127, %mul3A_16] : memref<16x10240xf32, #tpu.memory_space<vmem_shared>> -> memref<1x640xf32, #tpu.memory_space<vmem_shared>>
      %dma_start3A_152 = tpu.memref_squeeze %dma_start3A : memref<1x640xf32, #tpu.memory_space<vmem_shared>> -> memref<640xf32, #tpu.memory_space<vmem_shared>>
      %dma_start3A_153 = tpu.memref_slice %arg8[%run_scoped3A_127, %mul3A_16] : memref<16x10240xf32, #tpu.memory_space<vmem_shared>> -> memref<1x640xf32, #tpu.memory_space<vmem_shared>>
      %dma_start3A_154 = tpu.memref_squeeze %dma_start3A_153 : memref<1x640xf32, #tpu.memory_space<vmem_shared>> -> memref<640xf32, #tpu.memory_space<vmem_shared>>
      tpu.enqueue_dma source(%dma_start3A_154 : memref<640xf32, #tpu.memory_space<vmem_shared>>) target(%arg7 : memref<640xf32, #tpu.memory_space<vmem>>) target_semaphore(%run_scoped3A_151 : memref<!tpu.dma_semaphore, #tpu.memory_space<semaphore_mem>>)
      %dma_wait3A = tpu.memref_slice %arg8[%run_scoped3A_127, %mul3A_16] : memref<16x10240xf32, #tpu.memory_space<vmem_shared>> -> memref<1x640xf32, #tpu.memory_space<vmem_shared>>
      %dma_wait3A_155 = tpu.memref_squeeze %dma_wait3A : memref<1x640xf32, #tpu.memory_space<vmem_shared>> -> memref<640xf32, #tpu.memory_space<vmem_shared>>
      %dma_wait3A_156 = tpu.memref_slice %arg8[%run_scoped3A_127, %mul3A_16] : memref<16x10240xf32, #tpu.memory_space<vmem_shared>> -> memref<1x640xf32, #tpu.memory_space<vmem_shared>>
      %dma_wait3A_157 = tpu.memref_squeeze %dma_wait3A_156 : memref<1x640xf32, #tpu.memory_space<vmem_shared>> -> memref<640xf32, #tpu.memory_space<vmem_shared>>
      tpu.wait_dma2 semaphore(%run_scoped3A_151 : memref<!tpu.dma_semaphore, #tpu.memory_space<semaphore_mem>>) src(%dma_wait3A_157 : memref<640xf32, #tpu.memory_space<vmem_shared>>) dst(%arg7 : memref<640xf32, #tpu.memory_space<vmem>>)
      tpu.yield
    }) : () -> ()
    %scan3A_128 = arith.constant 0 : i32
    %scan3A_129 = arith.constant 0 : i32
    %scan3A_130 = arith.constant 40 : i32
    %scan3A_131 = arith.addi %scan3A_129, %scan3A_130 : i32
    %scan3A_132 = arith.constant 1 : i32
    %scan3A_133 = scf.for %scan3A_151 = %scan3A_129 to %scan3A_131 step %scan3A_132 iter_args(%scan3A_152 = %scan3A_128) -> (i32)  : i32 {
      %mul3A_153 = arith.constant 16 : i32
      %mul3A_154 = arith.muli %scan3A_151, %mul3A_153 : i32
      %get3A = arith.index_cast %mul3A_154 : i32 to index
      %get3A_155 = tpu.vector_load %arg6[%get3A] {strides = array<i32>} : memref<640xf32, #tpu.memory_space<vmem>>, vector<16xf32>,
      %get3A_156 = arith.index_cast %mul3A_154 : i32 to index
      %get3A_157 = tpu.vector_load %arg7[%get3A_156] {strides = array<i32>} : memref<640xf32, #tpu.memory_space<vmem>>, vector<16xf32>,
      %add3A = arith.addf %get3A_155, %get3A_157 : vector<16xf32>
      %swap3A = arith.index_cast %mul3A_154 : i32 to index
      %swap3A_158 = tpu.vector_load %arg6[%swap3A] {strides = array<i32>} : memref<640xf32, #tpu.memory_space<vmem>>, vector<16xf32>,
      tpu.vector_store %arg6[%swap3A], %add3A {strides = array<i32>} : memref<640xf32, #tpu.memory_space<vmem>>, vector<16xf32>,
      %scan3A_159 = arith.constant 0 : i32
      scf.yield %scan3A_159 : i32
    }
    %scan3A_134 = arith.constant 40 : i32
    %run_scoped3A_135 = arith.constant 14 : i32
    "tpu.region"() ({
      %run_scoped3A_151 = tpu.sem_alloc : memref<!tpu.dma_semaphore, #tpu.memory_space<semaphore_mem>>
      %dma_start3A = tpu.memref_slice %arg8[%run_scoped3A_135, %mul3A_16] : memref<16x10240xf32, #tpu.memory_space<vmem_shared>> -> memref<1x640xf32, #tpu.memory_space<vmem_shared>>
      %dma_start3A_152 = tpu.memref_squeeze %dma_start3A : memref<1x640xf32, #tpu.memory_space<vmem_shared>> -> memref<640xf32, #tpu.memory_space<vmem_shared>>
      %dma_start3A_153 = tpu.memref_slice %arg8[%run_scoped3A_135, %mul3A_16] : memref<16x10240xf32, #tpu.memory_space<vmem_shared>> -> memref<1x640xf32, #tpu.memory_space<vmem_shared>>
      %dma_start3A_154 = tpu.memref_squeeze %dma_start3A_153 : memref<1x640xf32, #tpu.memory_space<vmem_shared>> -> memref<640xf32, #tpu.memory_space<vmem_shared>>
      tpu.enqueue_dma source(%dma_start3A_154 : memref<640xf32, #tpu.memory_space<vmem_shared>>) target(%arg7 : memref<640xf32, #tpu.memory_space<vmem>>) target_semaphore(%run_scoped3A_151 : memref<!tpu.dma_semaphore, #tpu.memory_space<semaphore_mem>>)
      %dma_wait3A = tpu.memref_slice %arg8[%run_scoped3A_135, %mul3A_16] : memref<16x10240xf32, #tpu.memory_space<vmem_shared>> -> memref<1x640xf32, #tpu.memory_space<vmem_shared>>
      %dma_wait3A_155 = tpu.memref_squeeze %dma_wait3A : memref<1x640xf32, #tpu.memory_space<vmem_shared>> -> memref<640xf32, #tpu.memory_space<vmem_shared>>
      %dma_wait3A_156 = tpu.memref_slice %arg8[%run_scoped3A_135, %mul3A_16] : memref<16x10240xf32, #tpu.memory_space<vmem_shared>> -> memref<1x640xf32, #tpu.memory_space<vmem_shared>>
      %dma_wait3A_157 = tpu.memref_squeeze %dma_wait3A_156 : memref<1x640xf32, #tpu.memory_space<vmem_shared>> -> memref<640xf32, #tpu.memory_space<vmem_shared>>
      tpu.wait_dma2 semaphore(%run_scoped3A_151 : memref<!tpu.dma_semaphore, #tpu.memory_space<semaphore_mem>>) src(%dma_wait3A_157 : memref<640xf32, #tpu.memory_space<vmem_shared>>) dst(%arg7 : memref<640xf32, #tpu.memory_space<vmem>>)
      tpu.yield
    }) : () -> ()
    %scan3A_136 = arith.constant 0 : i32
    %scan3A_137 = arith.constant 0 : i32
    %scan3A_138 = arith.constant 40 : i32
    %scan3A_139 = arith.addi %scan3A_137, %scan3A_138 : i32
    %scan3A_140 = arith.constant 1 : i32
    %scan3A_141 = scf.for %scan3A_151 = %scan3A_137 to %scan3A_139 step %scan3A_140 iter_args(%scan3A_152 = %scan3A_136) -> (i32)  : i32 {
      %mul3A_153 = arith.constant 16 : i32
      %mul3A_154 = arith.muli %scan3A_151, %mul3A_153 : i32
      %get3A = arith.index_cast %mul3A_154 : i32 to index
      %get3A_155 = tpu.vector_load %arg6[%get3A] {strides = array<i32>} : memref<640xf32, #tpu.memory_space<vmem>>, vector<16xf32>,
      %get3A_156 = arith.index_cast %mul3A_154 : i32 to index
      %get3A_157 = tpu.vector_load %arg7[%get3A_156] {strides = array<i32>} : memref<640xf32, #tpu.memory_space<vmem>>, vector<16xf32>,
      %add3A = arith.addf %get3A_155, %get3A_157 : vector<16xf32>
      %swap3A = arith.index_cast %mul3A_154 : i32 to index
      %swap3A_158 = tpu.vector_load %arg6[%swap3A] {strides = array<i32>} : memref<640xf32, #tpu.memory_space<vmem>>, vector<16xf32>,
      tpu.vector_store %arg6[%swap3A], %add3A {strides = array<i32>} : memref<640xf32, #tpu.memory_space<vmem>>, vector<16xf32>,
      %scan3A_159 = arith.constant 0 : i32
      scf.yield %scan3A_159 : i32
    }
    %scan3A_142 = arith.constant 40 : i32
    %run_scoped3A_143 = arith.constant 15 : i32
    "tpu.region"() ({
      %run_scoped3A_151 = tpu.sem_alloc : memref<!tpu.dma_semaphore, #tpu.memory_space<semaphore_mem>>
      %dma_start3A = tpu.memref_slice %arg8[%run_scoped3A_143, %mul3A_16] : memref<16x10240xf32, #tpu.memory_space<vmem_shared>> -> memref<1x640xf32, #tpu.memory_space<vmem_shared>>
      %dma_start3A_152 = tpu.memref_squeeze %dma_start3A : memref<1x640xf32, #tpu.memory_space<vmem_shared>> -> memref<640xf32, #tpu.memory_space<vmem_shared>>
      %dma_start3A_153 = tpu.memref_slice %arg8[%run_scoped3A_143, %mul3A_16] : memref<16x10240xf32, #tpu.memory_space<vmem_shared>> -> memref<1x640xf32, #tpu.memory_space<vmem_shared>>
      %dma_start3A_154 = tpu.memref_squeeze %dma_start3A_153 : memref<1x640xf32, #tpu.memory_space<vmem_shared>> -> memref<640xf32, #tpu.memory_space<vmem_shared>>
      tpu.enqueue_dma source(%dma_start3A_154 : memref<640xf32, #tpu.memory_space<vmem_shared>>) target(%arg7 : memref<640xf32, #tpu.memory_space<vmem>>) target_semaphore(%run_scoped3A_151 : memref<!tpu.dma_semaphore, #tpu.memory_space<semaphore_mem>>)
      %dma_wait3A = tpu.memref_slice %arg8[%run_scoped3A_143, %mul3A_16] : memref<16x10240xf32, #tpu.memory_space<vmem_shared>> -> memref<1x640xf32, #tpu.memory_space<vmem_shared>>
      %dma_wait3A_155 = tpu.memref_squeeze %dma_wait3A : memref<1x640xf32, #tpu.memory_space<vmem_shared>> -> memref<640xf32, #tpu.memory_space<vmem_shared>>
      %dma_wait3A_156 = tpu.memref_slice %arg8[%run_scoped3A_143, %mul3A_16] : memref<16x10240xf32, #tpu.memory_space<vmem_shared>> -> memref<1x640xf32, #tpu.memory_space<vmem_shared>>
      %dma_wait3A_157 = tpu.memref_squeeze %dma_wait3A_156 : memref<1x640xf32, #tpu.memory_space<vmem_shared>> -> memref<640xf32, #tpu.memory_space<vmem_shared>>
      tpu.wait_dma2 semaphore(%run_scoped3A_151 : memref<!tpu.dma_semaphore, #tpu.memory_space<semaphore_mem>>) src(%dma_wait3A_157 : memref<640xf32, #tpu.memory_space<vmem_shared>>) dst(%arg7 : memref<640xf32, #tpu.memory_space<vmem>>)
      tpu.yield
    }) : () -> ()
    %scan3A_144 = arith.constant 0 : i32
    %scan3A_145 = arith.constant 0 : i32
    %scan3A_146 = arith.constant 40 : i32
    %scan3A_147 = arith.addi %scan3A_145, %scan3A_146 : i32
    %scan3A_148 = arith.constant 1 : i32
    %scan3A_149 = scf.for %scan3A_151 = %scan3A_145 to %scan3A_147 step %scan3A_148 iter_args(%scan3A_152 = %scan3A_144) -> (i32)  : i32 {
      %mul3A_153 = arith.constant 16 : i32
      %mul3A_154 = arith.muli %scan3A_151, %mul3A_153 : i32
      %get3A = arith.index_cast %mul3A_154 : i32 to index
      %get3A_155 = tpu.vector_load %arg6[%get3A] {strides = array<i32>} : memref<640xf32, #tpu.memory_space<vmem>>, vector<16xf32>,
      %get3A_156 = arith.index_cast %mul3A_154 : i32 to index
      %get3A_157 = tpu.vector_load %arg7[%get3A_156] {strides = array<i32>} : memref<640xf32, #tpu.memory_space<vmem>>, vector<16xf32>,
      %add3A = arith.addf %get3A_155, %get3A_157 : vector<16xf32>
      %swap3A = arith.index_cast %mul3A_154 : i32 to index
      %swap3A_158 = tpu.vector_load %arg6[%swap3A] {strides = array<i32>} : memref<640xf32, #tpu.memory_space<vmem>>, vector<16xf32>,
      tpu.vector_store %arg6[%swap3A], %add3A {strides = array<i32>} : memref<640xf32, #tpu.memory_space<vmem>>, vector<16xf32>,
      %scan3A_159 = arith.constant 0 : i32
      scf.yield %scan3A_159 : i32
    }
    %scan3A_150 = arith.constant 40 : i32
    "tpu.region"() ({
      %run_scoped3A_151 = tpu.sem_alloc : memref<!tpu.dma_semaphore, #tpu.memory_space<semaphore_mem>>
      %dma_start3A = tpu.memref_slice %arg3[%arg0, %mul3A_16] : memref<2x10240xf32, #tpu.memory_space<hbm>> -> memref<1x640xf32, #tpu.memory_space<hbm>>
      %dma_start3A_152 = tpu.memref_squeeze %dma_start3A : memref<1x640xf32, #tpu.memory_space<hbm>> -> memref<640xf32, #tpu.memory_space<hbm>>
      %dma_start3A_153 = tpu.memref_slice %arg3[%arg0, %mul3A_16] : memref<2x10240xf32, #tpu.memory_space<hbm>> -> memref<1x640xf32, #tpu.memory_space<hbm>>
      %dma_start3A_154 = tpu.memref_squeeze %dma_start3A_153 : memref<1x640xf32, #tpu.memory_space<hbm>> -> memref<640xf32, #tpu.memory_space<hbm>>
      tpu.enqueue_dma source(%arg6 : memref<640xf32, #tpu.memory_space<vmem>>) target(%dma_start3A_154 : memref<640xf32, #tpu.memory_space<hbm>>) target_semaphore(%run_scoped3A_151 : memref<!tpu.dma_semaphore, #tpu.memory_space<semaphore_mem>>)
      %dma_wait3A = tpu.memref_slice %arg3[%arg0, %mul3A_16] : memref<2x10240xf32, #tpu.memory_space<hbm>> -> memref<1x640xf32, #tpu.memory_space<hbm>>
      %dma_wait3A_155 = tpu.memref_squeeze %dma_wait3A : memref<1x640xf32, #tpu.memory_space<hbm>> -> memref<640xf32, #tpu.memory_space<hbm>>
      %dma_wait3A_156 = tpu.memref_slice %arg3[%arg0, %mul3A_16] : memref<2x10240xf32, #tpu.memory_space<hbm>> -> memref<1x640xf32, #tpu.memory_space<hbm>>
      %dma_wait3A_157 = tpu.memref_squeeze %dma_wait3A_156 : memref<1x640xf32, #tpu.memory_space<hbm>> -> memref<640xf32, #tpu.memory_space<hbm>>
      tpu.wait_dma2 semaphore(%run_scoped3A_151 : memref<!tpu.dma_semaphore, #tpu.memory_space<semaphore_mem>>) src(%arg6 : memref<640xf32, #tpu.memory_space<vmem>>) dst(%dma_wait3A_157 : memref<640xf32, #tpu.memory_space<hbm>>)
      tpu.yield
    }) : () -> ()
    return
  }
}

#map = affine_map<(d0, d1) -> (0, 0)>
#map1 = affine_map<(d0, d1) -> (0, 0, 0, 0)>
#map2 = affine_map<(d0, d1) -> (0, 0, 0)>
module attributes {stable_mosaic.version = 14 : i64} {
  func.func @_edge_pass(%arg0: i32, %arg1: i32, %arg2: memref<10240x128xf32, #tpu.memory_space<hbm>>, %arg3: memref<2x16x80x128xi32, #tpu.memory_space<hbm>>, %arg4: memref<2x16x80x128xi32, #tpu.memory_space<hbm>>, %arg5: memref<2x10240x128xf32, #tpu.memory_space<hbm>>, %arg6: memref<80x128xi32, #tpu.memory_space<vmem>>, %arg7: memref<80x128xi32, #tpu.memory_space<vmem>>, %arg8: memref<128x128xf32, #tpu.memory_space<vmem>>, %arg9: memref<10240x128xf32, #tpu.memory_space<vmem_shared>>, %arg10: memref<!tpu.dma_semaphore, #tpu.memory_space<semaphore_mem>>, %arg11: memref<!tpu.dma_semaphore, #tpu.memory_space<semaphore_mem>>) attributes {dimension_semantics = [#tpu.dimension_semantics<core_parallel>, #tpu.dimension_semantics<subcore_parallel>], iteration_bounds = array<i64: 2, 16>, scalar_prefetch = 0 : i64, scratch_operands = 6 : i64, tpu.core_type = #tpu.core_type<sc_vector_subcore>, window_params = [{transform_indices = #map}, {transform_indices = #map1}, {transform_indices = #map1}, {transform_indices = #map2}]} {
    "tpu.region"() ({
      %run_scoped3A = tpu.sem_alloc : memref<!tpu.dma_semaphore, #tpu.memory_space<semaphore_mem>>
      %dma_start3A = arith.constant 0 : i32
      %dma_start3A_37 = arith.constant 0 : i32
      %dma_start3A_38 = tpu.memref_slice %arg3[%arg0, %arg1, %dma_start3A, %dma_start3A_37] : memref<2x16x80x128xi32, #tpu.memory_space<hbm>> -> memref<1x1x80x128xi32, #tpu.memory_space<hbm>>
      %dma_start3A_39 = tpu.memref_squeeze %dma_start3A_38 : memref<1x1x80x128xi32, #tpu.memory_space<hbm>> -> memref<80x128xi32, #tpu.memory_space<hbm>>
      %dma_start3A_40 = arith.constant 0 : i32
      %dma_start3A_41 = arith.constant 0 : i32
      %dma_start3A_42 = tpu.memref_slice %arg3[%arg0, %arg1, %dma_start3A_40, %dma_start3A_41] : memref<2x16x80x128xi32, #tpu.memory_space<hbm>> -> memref<1x1x80x128xi32, #tpu.memory_space<hbm>>
      %dma_start3A_43 = tpu.memref_squeeze %dma_start3A_42 : memref<1x1x80x128xi32, #tpu.memory_space<hbm>> -> memref<80x128xi32, #tpu.memory_space<hbm>>
      tpu.enqueue_dma source(%dma_start3A_43 : memref<80x128xi32, #tpu.memory_space<hbm>>) target(%arg6 : memref<80x128xi32, #tpu.memory_space<vmem>>) target_semaphore(%run_scoped3A : memref<!tpu.dma_semaphore, #tpu.memory_space<semaphore_mem>>)
      %dma_wait3A = arith.constant 0 : i32
      %dma_wait3A_44 = arith.constant 0 : i32
      %dma_wait3A_45 = tpu.memref_slice %arg3[%arg0, %arg1, %dma_wait3A, %dma_wait3A_44] : memref<2x16x80x128xi32, #tpu.memory_space<hbm>> -> memref<1x1x80x128xi32, #tpu.memory_space<hbm>>
      %dma_wait3A_46 = tpu.memref_squeeze %dma_wait3A_45 : memref<1x1x80x128xi32, #tpu.memory_space<hbm>> -> memref<80x128xi32, #tpu.memory_space<hbm>>
      %dma_wait3A_47 = arith.constant 0 : i32
      %dma_wait3A_48 = arith.constant 0 : i32
      %dma_wait3A_49 = tpu.memref_slice %arg3[%arg0, %arg1, %dma_wait3A_47, %dma_wait3A_48] : memref<2x16x80x128xi32, #tpu.memory_space<hbm>> -> memref<1x1x80x128xi32, #tpu.memory_space<hbm>>
      %dma_wait3A_50 = tpu.memref_squeeze %dma_wait3A_49 : memref<1x1x80x128xi32, #tpu.memory_space<hbm>> -> memref<80x128xi32, #tpu.memory_space<hbm>>
      tpu.wait_dma2 semaphore(%run_scoped3A : memref<!tpu.dma_semaphore, #tpu.memory_space<semaphore_mem>>) src(%dma_wait3A_50 : memref<80x128xi32, #tpu.memory_space<hbm>>) dst(%arg6 : memref<80x128xi32, #tpu.memory_space<vmem>>)
      tpu.yield
    }) : () -> ()
    "tpu.region"() ({
      %run_scoped3A = tpu.sem_alloc : memref<!tpu.dma_semaphore, #tpu.memory_space<semaphore_mem>>
      %dma_start3A = arith.constant 0 : i32
      %dma_start3A_37 = arith.constant 0 : i32
      %dma_start3A_38 = tpu.memref_slice %arg4[%arg0, %arg1, %dma_start3A, %dma_start3A_37] : memref<2x16x80x128xi32, #tpu.memory_space<hbm>> -> memref<1x1x80x128xi32, #tpu.memory_space<hbm>>
      %dma_start3A_39 = tpu.memref_squeeze %dma_start3A_38 : memref<1x1x80x128xi32, #tpu.memory_space<hbm>> -> memref<80x128xi32, #tpu.memory_space<hbm>>
      %dma_start3A_40 = arith.constant 0 : i32
      %dma_start3A_41 = arith.constant 0 : i32
      %dma_start3A_42 = tpu.memref_slice %arg4[%arg0, %arg1, %dma_start3A_40, %dma_start3A_41] : memref<2x16x80x128xi32, #tpu.memory_space<hbm>> -> memref<1x1x80x128xi32, #tpu.memory_space<hbm>>
      %dma_start3A_43 = tpu.memref_squeeze %dma_start3A_42 : memref<1x1x80x128xi32, #tpu.memory_space<hbm>> -> memref<80x128xi32, #tpu.memory_space<hbm>>
      tpu.enqueue_dma source(%dma_start3A_43 : memref<80x128xi32, #tpu.memory_space<hbm>>) target(%arg7 : memref<80x128xi32, #tpu.memory_space<vmem>>) target_semaphore(%run_scoped3A : memref<!tpu.dma_semaphore, #tpu.memory_space<semaphore_mem>>)
      %dma_wait3A = arith.constant 0 : i32
      %dma_wait3A_44 = arith.constant 0 : i32
      %dma_wait3A_45 = tpu.memref_slice %arg4[%arg0, %arg1, %dma_wait3A, %dma_wait3A_44] : memref<2x16x80x128xi32, #tpu.memory_space<hbm>> -> memref<1x1x80x128xi32, #tpu.memory_space<hbm>>
      %dma_wait3A_46 = tpu.memref_squeeze %dma_wait3A_45 : memref<1x1x80x128xi32, #tpu.memory_space<hbm>> -> memref<80x128xi32, #tpu.memory_space<hbm>>
      %dma_wait3A_47 = arith.constant 0 : i32
      %dma_wait3A_48 = arith.constant 0 : i32
      %dma_wait3A_49 = tpu.memref_slice %arg4[%arg0, %arg1, %dma_wait3A_47, %dma_wait3A_48] : memref<2x16x80x128xi32, #tpu.memory_space<hbm>> -> memref<1x1x80x128xi32, #tpu.memory_space<hbm>>
      %dma_wait3A_50 = tpu.memref_squeeze %dma_wait3A_49 : memref<1x1x80x128xi32, #tpu.memory_space<hbm>> -> memref<80x128xi32, #tpu.memory_space<hbm>>
      tpu.wait_dma2 semaphore(%run_scoped3A : memref<!tpu.dma_semaphore, #tpu.memory_space<semaphore_mem>>) src(%dma_wait3A_50 : memref<80x128xi32, #tpu.memory_space<hbm>>) dst(%arg7 : memref<80x128xi32, #tpu.memory_space<vmem>>)
      tpu.yield
    }) : () -> ()
    %broadcast_in_dim3A = arith.constant 0.000000e+00 : f32
    %broadcast_in_dim3A_0 = vector.broadcast %broadcast_in_dim3A : f32 to vector<16xf32>
    %scan3A = arith.constant 0 : i32
    %scan3A_1 = arith.constant 0 : i32
    %scan3A_2 = arith.constant 128 : i32
    %scan3A_3 = arith.addi %scan3A_1, %scan3A_2 : i32
    %scan3A_4 = arith.constant 1 : i32
    %scan3A_5 = scf.for %scan3A_37 = %scan3A_1 to %scan3A_3 step %scan3A_4 iter_args(%scan3A_38 = %scan3A) -> (i32)  : i32 {
      %swap3A = arith.index_cast %scan3A_37 : i32 to index
      %swap3A_39 = arith.constant 0 : index
      %swap3A_40 = tpu.vector_load %arg8[%swap3A, %swap3A_39] {strides = array<i32>} : memref<128x128xf32, #tpu.memory_space<vmem>>, vector<1x16xf32>,
      %swap3A_41 = vector.shape_cast %swap3A_40 : vector<1x16xf32> to vector<16xf32>
      %swap3A_42 = vector.shape_cast %broadcast_in_dim3A_0 : vector<16xf32> to vector<1x16xf32>
      tpu.vector_store %arg8[%swap3A, %swap3A_39], %swap3A_42 {strides = array<i32>} : memref<128x128xf32, #tpu.memory_space<vmem>>, vector<1x16xf32>,
      %swap3A_43 = arith.index_cast %scan3A_37 : i32 to index
      %swap3A_44 = arith.constant 16 : index
      %swap3A_45 = tpu.vector_load %arg8[%swap3A_43, %swap3A_44] {strides = array<i32>} : memref<128x128xf32, #tpu.memory_space<vmem>>, vector<1x16xf32>,
      %swap3A_46 = vector.shape_cast %swap3A_45 : vector<1x16xf32> to vector<16xf32>
      %swap3A_47 = vector.shape_cast %broadcast_in_dim3A_0 : vector<16xf32> to vector<1x16xf32>
      tpu.vector_store %arg8[%swap3A_43, %swap3A_44], %swap3A_47 {strides = array<i32>} : memref<128x128xf32, #tpu.memory_space<vmem>>, vector<1x16xf32>,
      %swap3A_48 = arith.index_cast %scan3A_37 : i32 to index
      %swap3A_49 = arith.constant 32 : index
      %swap3A_50 = tpu.vector_load %arg8[%swap3A_48, %swap3A_49] {strides = array<i32>} : memref<128x128xf32, #tpu.memory_space<vmem>>, vector<1x16xf32>,
      %swap3A_51 = vector.shape_cast %swap3A_50 : vector<1x16xf32> to vector<16xf32>
      %swap3A_52 = vector.shape_cast %broadcast_in_dim3A_0 : vector<16xf32> to vector<1x16xf32>
      tpu.vector_store %arg8[%swap3A_48, %swap3A_49], %swap3A_52 {strides = array<i32>} : memref<128x128xf32, #tpu.memory_space<vmem>>, vector<1x16xf32>,
      %swap3A_53 = arith.index_cast %scan3A_37 : i32 to index
      %swap3A_54 = arith.constant 48 : index
      %swap3A_55 = tpu.vector_load %arg8[%swap3A_53, %swap3A_54] {strides = array<i32>} : memref<128x128xf32, #tpu.memory_space<vmem>>, vector<1x16xf32>,
      %swap3A_56 = vector.shape_cast %swap3A_55 : vector<1x16xf32> to vector<16xf32>
      %swap3A_57 = vector.shape_cast %broadcast_in_dim3A_0 : vector<16xf32> to vector<1x16xf32>
      tpu.vector_store %arg8[%swap3A_53, %swap3A_54], %swap3A_57 {strides = array<i32>} : memref<128x128xf32, #tpu.memory_space<vmem>>, vector<1x16xf32>,
      %swap3A_58 = arith.index_cast %scan3A_37 : i32 to index
      %swap3A_59 = arith.constant 64 : index
      %swap3A_60 = tpu.vector_load %arg8[%swap3A_58, %swap3A_59] {strides = array<i32>} : memref<128x128xf32, #tpu.memory_space<vmem>>, vector<1x16xf32>,
      %swap3A_61 = vector.shape_cast %swap3A_60 : vector<1x16xf32> to vector<16xf32>
      %swap3A_62 = vector.shape_cast %broadcast_in_dim3A_0 : vector<16xf32> to vector<1x16xf32>
      tpu.vector_store %arg8[%swap3A_58, %swap3A_59], %swap3A_62 {strides = array<i32>} : memref<128x128xf32, #tpu.memory_space<vmem>>, vector<1x16xf32>,
      %swap3A_63 = arith.index_cast %scan3A_37 : i32 to index
      %swap3A_64 = arith.constant 80 : index
      %swap3A_65 = tpu.vector_load %arg8[%swap3A_63, %swap3A_64] {strides = array<i32>} : memref<128x128xf32, #tpu.memory_space<vmem>>, vector<1x16xf32>,
      %swap3A_66 = vector.shape_cast %swap3A_65 : vector<1x16xf32> to vector<16xf32>
      %swap3A_67 = vector.shape_cast %broadcast_in_dim3A_0 : vector<16xf32> to vector<1x16xf32>
      tpu.vector_store %arg8[%swap3A_63, %swap3A_64], %swap3A_67 {strides = array<i32>} : memref<128x128xf32, #tpu.memory_space<vmem>>, vector<1x16xf32>,
      %swap3A_68 = arith.index_cast %scan3A_37 : i32 to index
      %swap3A_69 = arith.constant 96 : index
      %swap3A_70 = tpu.vector_load %arg8[%swap3A_68, %swap3A_69] {strides = array<i32>} : memref<128x128xf32, #tpu.memory_space<vmem>>, vector<1x16xf32>,
      %swap3A_71 = vector.shape_cast %swap3A_70 : vector<1x16xf32> to vector<16xf32>
      %swap3A_72 = vector.shape_cast %broadcast_in_dim3A_0 : vector<16xf32> to vector<1x16xf32>
      tpu.vector_store %arg8[%swap3A_68, %swap3A_69], %swap3A_72 {strides = array<i32>} : memref<128x128xf32, #tpu.memory_space<vmem>>, vector<1x16xf32>,
      %swap3A_73 = arith.index_cast %scan3A_37 : i32 to index
      %swap3A_74 = arith.constant 112 : index
      %swap3A_75 = tpu.vector_load %arg8[%swap3A_73, %swap3A_74] {strides = array<i32>} : memref<128x128xf32, #tpu.memory_space<vmem>>, vector<1x16xf32>,
      %swap3A_76 = vector.shape_cast %swap3A_75 : vector<1x16xf32> to vector<16xf32>
      %swap3A_77 = vector.shape_cast %broadcast_in_dim3A_0 : vector<16xf32> to vector<1x16xf32>
      tpu.vector_store %arg8[%swap3A_73, %swap3A_74], %swap3A_77 {strides = array<i32>} : memref<128x128xf32, #tpu.memory_space<vmem>>, vector<1x16xf32>,
      %scan3A_78 = arith.constant 0 : i32
      scf.yield %scan3A_78 : i32
    }
    %scan3A_6 = arith.constant 128 : i32
    %mul3A = arith.constant 640 : i32
    %mul3A_7 = arith.muli %arg1, %mul3A : i32
    %add3A = arith.constant 0 : i32
    %add3A_8 = arith.addi %mul3A_7, %add3A : i32
    "tpu.region"() ({
      %run_scoped3A = tpu.sem_alloc : memref<!tpu.dma_semaphore, #tpu.memory_space<semaphore_mem>>
      %dma_start3A = arith.constant 0 : i32
      %dma_start3A_37 = tpu.memref_slice %arg9[%add3A_8, %dma_start3A] : memref<10240x128xf32, #tpu.memory_space<vmem_shared>> -> memref<128x128xf32, #tpu.memory_space<vmem_shared>>
      %dma_start3A_38 = arith.constant 0 : i32
      %dma_start3A_39 = tpu.memref_slice %arg9[%add3A_8, %dma_start3A_38] : memref<10240x128xf32, #tpu.memory_space<vmem_shared>> -> memref<128x128xf32, #tpu.memory_space<vmem_shared>>
      tpu.enqueue_dma source(%arg8 : memref<128x128xf32, #tpu.memory_space<vmem>>) target(%dma_start3A_39 : memref<128x128xf32, #tpu.memory_space<vmem_shared>>) target_semaphore(%run_scoped3A : memref<!tpu.dma_semaphore, #tpu.memory_space<semaphore_mem>>)
      %dma_wait3A = arith.constant 0 : i32
      %dma_wait3A_40 = tpu.memref_slice %arg9[%add3A_8, %dma_wait3A] : memref<10240x128xf32, #tpu.memory_space<vmem_shared>> -> memref<128x128xf32, #tpu.memory_space<vmem_shared>>
      %dma_wait3A_41 = arith.constant 0 : i32
      %dma_wait3A_42 = tpu.memref_slice %arg9[%add3A_8, %dma_wait3A_41] : memref<10240x128xf32, #tpu.memory_space<vmem_shared>> -> memref<128x128xf32, #tpu.memory_space<vmem_shared>>
      tpu.wait_dma2 semaphore(%run_scoped3A : memref<!tpu.dma_semaphore, #tpu.memory_space<semaphore_mem>>) src(%arg8 : memref<128x128xf32, #tpu.memory_space<vmem>>) dst(%dma_wait3A_42 : memref<128x128xf32, #tpu.memory_space<vmem_shared>>)
      tpu.yield
    }) : () -> ()
    %mul3A_9 = arith.constant 640 : i32
    %mul3A_10 = arith.muli %arg1, %mul3A_9 : i32
    %add3A_11 = arith.constant 128 : i32
    %add3A_12 = arith.addi %mul3A_10, %add3A_11 : i32
    "tpu.region"() ({
      %run_scoped3A = tpu.sem_alloc : memref<!tpu.dma_semaphore, #tpu.memory_space<semaphore_mem>>
      %dma_start3A = arith.constant 0 : i32
      %dma_start3A_37 = tpu.memref_slice %arg9[%add3A_12, %dma_start3A] : memref<10240x128xf32, #tpu.memory_space<vmem_shared>> -> memref<128x128xf32, #tpu.memory_space<vmem_shared>>
      %dma_start3A_38 = arith.constant 0 : i32
      %dma_start3A_39 = tpu.memref_slice %arg9[%add3A_12, %dma_start3A_38] : memref<10240x128xf32, #tpu.memory_space<vmem_shared>> -> memref<128x128xf32, #tpu.memory_space<vmem_shared>>
      tpu.enqueue_dma source(%arg8 : memref<128x128xf32, #tpu.memory_space<vmem>>) target(%dma_start3A_39 : memref<128x128xf32, #tpu.memory_space<vmem_shared>>) target_semaphore(%run_scoped3A : memref<!tpu.dma_semaphore, #tpu.memory_space<semaphore_mem>>)
      %dma_wait3A = arith.constant 0 : i32
      %dma_wait3A_40 = tpu.memref_slice %arg9[%add3A_12, %dma_wait3A] : memref<10240x128xf32, #tpu.memory_space<vmem_shared>> -> memref<128x128xf32, #tpu.memory_space<vmem_shared>>
      %dma_wait3A_41 = arith.constant 0 : i32
      %dma_wait3A_42 = tpu.memref_slice %arg9[%add3A_12, %dma_wait3A_41] : memref<10240x128xf32, #tpu.memory_space<vmem_shared>> -> memref<128x128xf32, #tpu.memory_space<vmem_shared>>
      tpu.wait_dma2 semaphore(%run_scoped3A : memref<!tpu.dma_semaphore, #tpu.memory_space<semaphore_mem>>) src(%arg8 : memref<128x128xf32, #tpu.memory_space<vmem>>) dst(%dma_wait3A_42 : memref<128x128xf32, #tpu.memory_space<vmem_shared>>)
      tpu.yield
    }) : () -> ()
    %mul3A_13 = arith.constant 640 : i32
    %mul3A_14 = arith.muli %arg1, %mul3A_13 : i32
    %add3A_15 = arith.constant 256 : i32
    %add3A_16 = arith.addi %mul3A_14, %add3A_15 : i32
    "tpu.region"() ({
      %run_scoped3A = tpu.sem_alloc : memref<!tpu.dma_semaphore, #tpu.memory_space<semaphore_mem>>
      %dma_start3A = arith.constant 0 : i32
      %dma_start3A_37 = tpu.memref_slice %arg9[%add3A_16, %dma_start3A] : memref<10240x128xf32, #tpu.memory_space<vmem_shared>> -> memref<128x128xf32, #tpu.memory_space<vmem_shared>>
      %dma_start3A_38 = arith.constant 0 : i32
      %dma_start3A_39 = tpu.memref_slice %arg9[%add3A_16, %dma_start3A_38] : memref<10240x128xf32, #tpu.memory_space<vmem_shared>> -> memref<128x128xf32, #tpu.memory_space<vmem_shared>>
      tpu.enqueue_dma source(%arg8 : memref<128x128xf32, #tpu.memory_space<vmem>>) target(%dma_start3A_39 : memref<128x128xf32, #tpu.memory_space<vmem_shared>>) target_semaphore(%run_scoped3A : memref<!tpu.dma_semaphore, #tpu.memory_space<semaphore_mem>>)
      %dma_wait3A = arith.constant 0 : i32
      %dma_wait3A_40 = tpu.memref_slice %arg9[%add3A_16, %dma_wait3A] : memref<10240x128xf32, #tpu.memory_space<vmem_shared>> -> memref<128x128xf32, #tpu.memory_space<vmem_shared>>
      %dma_wait3A_41 = arith.constant 0 : i32
      %dma_wait3A_42 = tpu.memref_slice %arg9[%add3A_16, %dma_wait3A_41] : memref<10240x128xf32, #tpu.memory_space<vmem_shared>> -> memref<128x128xf32, #tpu.memory_space<vmem_shared>>
      tpu.wait_dma2 semaphore(%run_scoped3A : memref<!tpu.dma_semaphore, #tpu.memory_space<semaphore_mem>>) src(%arg8 : memref<128x128xf32, #tpu.memory_space<vmem>>) dst(%dma_wait3A_42 : memref<128x128xf32, #tpu.memory_space<vmem_shared>>)
      tpu.yield
    }) : () -> ()
    %mul3A_17 = arith.constant 640 : i32
    %mul3A_18 = arith.muli %arg1, %mul3A_17 : i32
    %add3A_19 = arith.constant 384 : i32
    %add3A_20 = arith.addi %mul3A_18, %add3A_19 : i32
    "tpu.region"() ({
      %run_scoped3A = tpu.sem_alloc : memref<!tpu.dma_semaphore, #tpu.memory_space<semaphore_mem>>
      %dma_start3A = arith.constant 0 : i32
      %dma_start3A_37 = tpu.memref_slice %arg9[%add3A_20, %dma_start3A] : memref<10240x128xf32, #tpu.memory_space<vmem_shared>> -> memref<128x128xf32, #tpu.memory_space<vmem_shared>>
      %dma_start3A_38 = arith.constant 0 : i32
      %dma_start3A_39 = tpu.memref_slice %arg9[%add3A_20, %dma_start3A_38] : memref<10240x128xf32, #tpu.memory_space<vmem_shared>> -> memref<128x128xf32, #tpu.memory_space<vmem_shared>>
      tpu.enqueue_dma source(%arg8 : memref<128x128xf32, #tpu.memory_space<vmem>>) target(%dma_start3A_39 : memref<128x128xf32, #tpu.memory_space<vmem_shared>>) target_semaphore(%run_scoped3A : memref<!tpu.dma_semaphore, #tpu.memory_space<semaphore_mem>>)
      %dma_wait3A = arith.constant 0 : i32
      %dma_wait3A_40 = tpu.memref_slice %arg9[%add3A_20, %dma_wait3A] : memref<10240x128xf32, #tpu.memory_space<vmem_shared>> -> memref<128x128xf32, #tpu.memory_space<vmem_shared>>
      %dma_wait3A_41 = arith.constant 0 : i32
      %dma_wait3A_42 = tpu.memref_slice %arg9[%add3A_20, %dma_wait3A_41] : memref<10240x128xf32, #tpu.memory_space<vmem_shared>> -> memref<128x128xf32, #tpu.memory_space<vmem_shared>>
      tpu.wait_dma2 semaphore(%run_scoped3A : memref<!tpu.dma_semaphore, #tpu.memory_space<semaphore_mem>>) src(%arg8 : memref<128x128xf32, #tpu.memory_space<vmem>>) dst(%dma_wait3A_42 : memref<128x128xf32, #tpu.memory_space<vmem_shared>>)
      tpu.yield
    }) : () -> ()
    %mul3A_21 = arith.constant 640 : i32
    %mul3A_22 = arith.muli %arg1, %mul3A_21 : i32
    %add3A_23 = arith.constant 512 : i32
    %add3A_24 = arith.addi %mul3A_22, %add3A_23 : i32
    "tpu.region"() ({
      %run_scoped3A = tpu.sem_alloc : memref<!tpu.dma_semaphore, #tpu.memory_space<semaphore_mem>>
      %dma_start3A = arith.constant 0 : i32
      %dma_start3A_37 = tpu.memref_slice %arg9[%add3A_24, %dma_start3A] : memref<10240x128xf32, #tpu.memory_space<vmem_shared>> -> memref<128x128xf32, #tpu.memory_space<vmem_shared>>
      %dma_start3A_38 = arith.constant 0 : i32
      %dma_start3A_39 = tpu.memref_slice %arg9[%add3A_24, %dma_start3A_38] : memref<10240x128xf32, #tpu.memory_space<vmem_shared>> -> memref<128x128xf32, #tpu.memory_space<vmem_shared>>
      tpu.enqueue_dma source(%arg8 : memref<128x128xf32, #tpu.memory_space<vmem>>) target(%dma_start3A_39 : memref<128x128xf32, #tpu.memory_space<vmem_shared>>) target_semaphore(%run_scoped3A : memref<!tpu.dma_semaphore, #tpu.memory_space<semaphore_mem>>)
      %dma_wait3A = arith.constant 0 : i32
      %dma_wait3A_40 = tpu.memref_slice %arg9[%add3A_24, %dma_wait3A] : memref<10240x128xf32, #tpu.memory_space<vmem_shared>> -> memref<128x128xf32, #tpu.memory_space<vmem_shared>>
      %dma_wait3A_41 = arith.constant 0 : i32
      %dma_wait3A_42 = tpu.memref_slice %arg9[%add3A_24, %dma_wait3A_41] : memref<10240x128xf32, #tpu.memory_space<vmem_shared>> -> memref<128x128xf32, #tpu.memory_space<vmem_shared>>
      tpu.wait_dma2 semaphore(%run_scoped3A : memref<!tpu.dma_semaphore, #tpu.memory_space<semaphore_mem>>) src(%arg8 : memref<128x128xf32, #tpu.memory_space<vmem>>) dst(%dma_wait3A_42 : memref<128x128xf32, #tpu.memory_space<vmem_shared>>)
      tpu.yield
    }) : () -> ()
    %barrier3A = arith.constant 0 : index
    tpu.barrier barrier_id(%barrier3A)
    %scan3A_25 = arith.constant 0 : i32
    %scan3A_26 = arith.constant 0 : i32
    %scan3A_27 = arith.constant 80 : i32
    %scan3A_28 = arith.addi %scan3A_26, %scan3A_27 : i32
    %scan3A_29 = arith.constant 1 : i32
    %scan3A_30 = scf.for %scan3A_37 = %scan3A_26 to %scan3A_28 step %scan3A_29 iter_args(%scan3A_38 = %scan3A_25) -> (i32)  : i32 {
      %dma_start3A = arith.constant 0 : i32
      %dma_start3A_39 = tpu.memref_slice %arg6[%scan3A_37, %dma_start3A] : memref<80x128xi32, #tpu.memory_space<vmem>> -> memref<1x128xi32, #tpu.memory_space<vmem>>
      %dma_start3A_40 = tpu.memref_squeeze %dma_start3A_39 : memref<1x128xi32, #tpu.memory_space<vmem>> -> memref<128xi32, #tpu.memory_space<vmem>>
      %dma_start3A_41 = arith.constant 0 : i32
      %dma_start3A_42 = arith.constant 0 : i32
      %dma_start3A_43 = tpu.memref_slice %arg2[%dma_start3A_41, %dma_start3A_42] : memref<10240x128xf32, #tpu.memory_space<hbm>> -> memref<10240x128xf32, #tpu.memory_space<hbm>>
      tpu.enqueue_indirect_dma source(%dma_start3A_43 : memref<10240x128xf32, #tpu.memory_space<hbm>>) target(%arg8 : memref<128x128xf32, #tpu.memory_space<vmem>>) offsets(%dma_start3A_40 : memref<128xi32, #tpu.memory_space<vmem>>) semaphore(%arg10 : memref<!tpu.dma_semaphore, #tpu.memory_space<semaphore_mem>>)
      %dma_wait3A = arith.constant 0 : i32
      %dma_wait3A_44 = tpu.memref_slice %arg6[%scan3A_37, %dma_wait3A] : memref<80x128xi32, #tpu.memory_space<vmem>> -> memref<1x128xi32, #tpu.memory_space<vmem>>
      %dma_wait3A_45 = tpu.memref_squeeze %dma_wait3A_44 : memref<1x128xi32, #tpu.memory_space<vmem>> -> memref<128xi32, #tpu.memory_space<vmem>>
      %dma_wait3A_46 = arith.constant 0 : i32
      %dma_wait3A_47 = arith.constant 0 : i32
      %dma_wait3A_48 = tpu.memref_slice %arg2[%dma_wait3A_46, %dma_wait3A_47] : memref<10240x128xf32, #tpu.memory_space<hbm>> -> memref<10240x128xf32, #tpu.memory_space<hbm>>
      tpu.wait_indirect_dma semaphore(%arg10 : memref<!tpu.dma_semaphore, #tpu.memory_space<semaphore_mem>>) src(%dma_wait3A_48 : memref<10240x128xf32, #tpu.memory_space<hbm>>) dst(%arg8 : memref<128x128xf32, #tpu.memory_space<vmem>>)
      %dma_start3A_49 = arith.constant 0 : i32
      %dma_start3A_50 = tpu.memref_slice %arg7[%scan3A_37, %dma_start3A_49] : memref<80x128xi32, #tpu.memory_space<vmem>> -> memref<1x128xi32, #tpu.memory_space<vmem>>
      %dma_start3A_51 = tpu.memref_squeeze %dma_start3A_50 : memref<1x128xi32, #tpu.memory_space<vmem>> -> memref<128xi32, #tpu.memory_space<vmem>>
      %dma_start3A_52 = arith.constant 0 : i32
      %dma_start3A_53 = arith.constant 0 : i32
      %dma_start3A_54 = tpu.memref_slice %arg9[%dma_start3A_52, %dma_start3A_53] : memref<10240x128xf32, #tpu.memory_space<vmem_shared>> -> memref<10240x128xf32, #tpu.memory_space<vmem_shared>>
      tpu.enqueue_indirect_dma source(%arg8 : memref<128x128xf32, #tpu.memory_space<vmem>>) target(%dma_start3A_54 : memref<10240x128xf32, #tpu.memory_space<vmem_shared>>) offsets(%dma_start3A_51 : memref<128xi32, #tpu.memory_space<vmem>>) semaphore(%arg11 : memref<!tpu.dma_semaphore, #tpu.memory_space<semaphore_mem>>) {add = true}
      %dma_wait3A_55 = arith.constant 0 : i32
      %dma_wait3A_56 = tpu.memref_slice %arg7[%scan3A_37, %dma_wait3A_55] : memref<80x128xi32, #tpu.memory_space<vmem>> -> memref<1x128xi32, #tpu.memory_space<vmem>>
      %dma_wait3A_57 = tpu.memref_squeeze %dma_wait3A_56 : memref<1x128xi32, #tpu.memory_space<vmem>> -> memref<128xi32, #tpu.memory_space<vmem>>
      %dma_wait3A_58 = arith.constant 0 : i32
      %dma_wait3A_59 = arith.constant 0 : i32
      %dma_wait3A_60 = tpu.memref_slice %arg9[%dma_wait3A_58, %dma_wait3A_59] : memref<10240x128xf32, #tpu.memory_space<vmem_shared>> -> memref<10240x128xf32, #tpu.memory_space<vmem_shared>>
      tpu.wait_indirect_dma semaphore(%arg11 : memref<!tpu.dma_semaphore, #tpu.memory_space<semaphore_mem>>) src(%arg8 : memref<128x128xf32, #tpu.memory_space<vmem>>) dst(%dma_wait3A_60 : memref<10240x128xf32, #tpu.memory_space<vmem_shared>>)
      %scan3A_61 = arith.constant 0 : i32
      scf.yield %scan3A_61 : i32
    }
    %scan3A_31 = arith.constant 80 : i32
    %barrier3A_32 = arith.constant 0 : index
    tpu.barrier barrier_id(%barrier3A_32)
    %mul3A_33 = arith.constant 640 : i32
    %mul3A_34 = arith.muli %arg1, %mul3A_33 : i32
    %mul3A_35 = arith.constant 640 : i32
    %mul3A_36 = arith.muli %arg1, %mul3A_35 : i32
    "tpu.region"() ({
      %run_scoped3A = tpu.sem_alloc : memref<!tpu.dma_semaphore, #tpu.memory_space<semaphore_mem>>
      %dma_start3A = arith.constant 0 : i32
      %dma_start3A_37 = tpu.memref_slice %arg5[%arg0, %mul3A_36, %dma_start3A] : memref<2x10240x128xf32, #tpu.memory_space<hbm>> -> memref<1x640x128xf32, #tpu.memory_space<hbm>>
      %dma_start3A_38 = tpu.memref_squeeze %dma_start3A_37 : memref<1x640x128xf32, #tpu.memory_space<hbm>> -> memref<640x128xf32, #tpu.memory_space<hbm>>
      %dma_start3A_39 = arith.constant 0 : i32
      %dma_start3A_40 = tpu.memref_slice %arg9[%mul3A_34, %dma_start3A_39] : memref<10240x128xf32, #tpu.memory_space<vmem_shared>> -> memref<640x128xf32, #tpu.memory_space<vmem_shared>>
      tpu.enqueue_dma source(%dma_start3A_40 : memref<640x128xf32, #tpu.memory_space<vmem_shared>>) target(%dma_start3A_38 : memref<640x128xf32, #tpu.memory_space<hbm>>) target_semaphore(%run_scoped3A : memref<!tpu.dma_semaphore, #tpu.memory_space<semaphore_mem>>)
      %dma_wait3A = arith.constant 0 : i32
      %dma_wait3A_41 = tpu.memref_slice %arg5[%arg0, %mul3A_36, %dma_wait3A] : memref<2x10240x128xf32, #tpu.memory_space<hbm>> -> memref<1x640x128xf32, #tpu.memory_space<hbm>>
      %dma_wait3A_42 = tpu.memref_squeeze %dma_wait3A_41 : memref<1x640x128xf32, #tpu.memory_space<hbm>> -> memref<640x128xf32, #tpu.memory_space<hbm>>
      %dma_wait3A_43 = arith.constant 0 : i32
      %dma_wait3A_44 = tpu.memref_slice %arg9[%mul3A_34, %dma_wait3A_43] : memref<10240x128xf32, #tpu.memory_space<vmem_shared>> -> memref<640x128xf32, #tpu.memory_space<vmem_shared>>
      tpu.wait_dma2 semaphore(%run_scoped3A : memref<!tpu.dma_semaphore, #tpu.memory_space<semaphore_mem>>) src(%dma_wait3A_44 : memref<640x128xf32, #tpu.memory_space<vmem_shared>>) dst(%dma_wait3A_42 : memref<640x128xf32, #tpu.memory_space<hbm>>)
      tpu.yield
    }) : () -> ()
    return
  }
}

#map = affine_map<(d0, d1) -> (0, 0)>
#map1 = affine_map<(d0, d1) -> (0, 0, 0, 0)>
#map2 = affine_map<(d0, d1) -> (0, 0, 0)>
module attributes {stable_mosaic.version = 14 : i64} {
  func.func @_edge_pass(%arg0: i32, %arg1: i32, %arg2: memref<10240x128xf32, #tpu.memory_space<hbm>>, %arg3: memref<2x16x80x128xi32, #tpu.memory_space<hbm>>, %arg4: memref<2x16x80x128xi32, #tpu.memory_space<hbm>>, %arg5: memref<2x10240x128xf32, #tpu.memory_space<hbm>>, %arg6: memref<80x128xi32, #tpu.memory_space<vmem>>, %arg7: memref<80x128xi32, #tpu.memory_space<vmem>>, %arg8: memref<128x128xf32, #tpu.memory_space<vmem>>, %arg9: memref<10240x128xf32, #tpu.memory_space<vmem_shared>>, %arg10: memref<!tpu.dma_semaphore, #tpu.memory_space<semaphore_mem>>, %arg11: memref<!tpu.dma_semaphore, #tpu.memory_space<semaphore_mem>>) attributes {dimension_semantics = [#tpu.dimension_semantics<core_parallel>, #tpu.dimension_semantics<subcore_parallel>], iteration_bounds = array<i64: 2, 16>, scalar_prefetch = 0 : i64, scratch_operands = 6 : i64, tpu.core_type = #tpu.core_type<sc_vector_subcore>, window_params = [{transform_indices = #map}, {transform_indices = #map1}, {transform_indices = #map1}, {transform_indices = #map2}]} {
    "tpu.region"() ({
      %run_scoped3A = tpu.sem_alloc : memref<!tpu.dma_semaphore, #tpu.memory_space<semaphore_mem>>
      %dma_start3A = arith.constant 0 : i32
      %dma_start3A_37 = arith.constant 0 : i32
      %dma_start3A_38 = tpu.memref_slice %arg3[%arg0, %arg1, %dma_start3A, %dma_start3A_37] : memref<2x16x80x128xi32, #tpu.memory_space<hbm>> -> memref<1x1x80x128xi32, #tpu.memory_space<hbm>>
      %dma_start3A_39 = tpu.memref_squeeze %dma_start3A_38 : memref<1x1x80x128xi32, #tpu.memory_space<hbm>> -> memref<80x128xi32, #tpu.memory_space<hbm>>
      %dma_start3A_40 = arith.constant 0 : i32
      %dma_start3A_41 = arith.constant 0 : i32
      %dma_start3A_42 = tpu.memref_slice %arg3[%arg0, %arg1, %dma_start3A_40, %dma_start3A_41] : memref<2x16x80x128xi32, #tpu.memory_space<hbm>> -> memref<1x1x80x128xi32, #tpu.memory_space<hbm>>
      %dma_start3A_43 = tpu.memref_squeeze %dma_start3A_42 : memref<1x1x80x128xi32, #tpu.memory_space<hbm>> -> memref<80x128xi32, #tpu.memory_space<hbm>>
      tpu.enqueue_dma source(%dma_start3A_43 : memref<80x128xi32, #tpu.memory_space<hbm>>) target(%arg6 : memref<80x128xi32, #tpu.memory_space<vmem>>) target_semaphore(%run_scoped3A : memref<!tpu.dma_semaphore, #tpu.memory_space<semaphore_mem>>)
      %dma_wait3A = arith.constant 0 : i32
      %dma_wait3A_44 = arith.constant 0 : i32
      %dma_wait3A_45 = tpu.memref_slice %arg3[%arg0, %arg1, %dma_wait3A, %dma_wait3A_44] : memref<2x16x80x128xi32, #tpu.memory_space<hbm>> -> memref<1x1x80x128xi32, #tpu.memory_space<hbm>>
      %dma_wait3A_46 = tpu.memref_squeeze %dma_wait3A_45 : memref<1x1x80x128xi32, #tpu.memory_space<hbm>> -> memref<80x128xi32, #tpu.memory_space<hbm>>
      %dma_wait3A_47 = arith.constant 0 : i32
      %dma_wait3A_48 = arith.constant 0 : i32
      %dma_wait3A_49 = tpu.memref_slice %arg3[%arg0, %arg1, %dma_wait3A_47, %dma_wait3A_48] : memref<2x16x80x128xi32, #tpu.memory_space<hbm>> -> memref<1x1x80x128xi32, #tpu.memory_space<hbm>>
      %dma_wait3A_50 = tpu.memref_squeeze %dma_wait3A_49 : memref<1x1x80x128xi32, #tpu.memory_space<hbm>> -> memref<80x128xi32, #tpu.memory_space<hbm>>
      tpu.wait_dma2 semaphore(%run_scoped3A : memref<!tpu.dma_semaphore, #tpu.memory_space<semaphore_mem>>) src(%dma_wait3A_50 : memref<80x128xi32, #tpu.memory_space<hbm>>) dst(%arg6 : memref<80x128xi32, #tpu.memory_space<vmem>>)
      tpu.yield
    }) : () -> ()
    "tpu.region"() ({
      %run_scoped3A = tpu.sem_alloc : memref<!tpu.dma_semaphore, #tpu.memory_space<semaphore_mem>>
      %dma_start3A = arith.constant 0 : i32
      %dma_start3A_37 = arith.constant 0 : i32
      %dma_start3A_38 = tpu.memref_slice %arg4[%arg0, %arg1, %dma_start3A, %dma_start3A_37] : memref<2x16x80x128xi32, #tpu.memory_space<hbm>> -> memref<1x1x80x128xi32, #tpu.memory_space<hbm>>
      %dma_start3A_39 = tpu.memref_squeeze %dma_start3A_38 : memref<1x1x80x128xi32, #tpu.memory_space<hbm>> -> memref<80x128xi32, #tpu.memory_space<hbm>>
      %dma_start3A_40 = arith.constant 0 : i32
      %dma_start3A_41 = arith.constant 0 : i32
      %dma_start3A_42 = tpu.memref_slice %arg4[%arg0, %arg1, %dma_start3A_40, %dma_start3A_41] : memref<2x16x80x128xi32, #tpu.memory_space<hbm>> -> memref<1x1x80x128xi32, #tpu.memory_space<hbm>>
      %dma_start3A_43 = tpu.memref_squeeze %dma_start3A_42 : memref<1x1x80x128xi32, #tpu.memory_space<hbm>> -> memref<80x128xi32, #tpu.memory_space<hbm>>
      tpu.enqueue_dma source(%dma_start3A_43 : memref<80x128xi32, #tpu.memory_space<hbm>>) target(%arg7 : memref<80x128xi32, #tpu.memory_space<vmem>>) target_semaphore(%run_scoped3A : memref<!tpu.dma_semaphore, #tpu.memory_space<semaphore_mem>>)
      %dma_wait3A = arith.constant 0 : i32
      %dma_wait3A_44 = arith.constant 0 : i32
      %dma_wait3A_45 = tpu.memref_slice %arg4[%arg0, %arg1, %dma_wait3A, %dma_wait3A_44] : memref<2x16x80x128xi32, #tpu.memory_space<hbm>> -> memref<1x1x80x128xi32, #tpu.memory_space<hbm>>
      %dma_wait3A_46 = tpu.memref_squeeze %dma_wait3A_45 : memref<1x1x80x128xi32, #tpu.memory_space<hbm>> -> memref<80x128xi32, #tpu.memory_space<hbm>>
      %dma_wait3A_47 = arith.constant 0 : i32
      %dma_wait3A_48 = arith.constant 0 : i32
      %dma_wait3A_49 = tpu.memref_slice %arg4[%arg0, %arg1, %dma_wait3A_47, %dma_wait3A_48] : memref<2x16x80x128xi32, #tpu.memory_space<hbm>> -> memref<1x1x80x128xi32, #tpu.memory_space<hbm>>
      %dma_wait3A_50 = tpu.memref_squeeze %dma_wait3A_49 : memref<1x1x80x128xi32, #tpu.memory_space<hbm>> -> memref<80x128xi32, #tpu.memory_space<hbm>>
      tpu.wait_dma2 semaphore(%run_scoped3A : memref<!tpu.dma_semaphore, #tpu.memory_space<semaphore_mem>>) src(%dma_wait3A_50 : memref<80x128xi32, #tpu.memory_space<hbm>>) dst(%arg7 : memref<80x128xi32, #tpu.memory_space<vmem>>)
      tpu.yield
    }) : () -> ()
    %broadcast_in_dim3A = arith.constant 0.000000e+00 : f32
    %broadcast_in_dim3A_0 = vector.broadcast %broadcast_in_dim3A : f32 to vector<16xf32>
    %scan3A = arith.constant 0 : i32
    %scan3A_1 = arith.constant 0 : i32
    %scan3A_2 = arith.constant 128 : i32
    %scan3A_3 = arith.addi %scan3A_1, %scan3A_2 : i32
    %scan3A_4 = arith.constant 1 : i32
    %scan3A_5 = scf.for %scan3A_37 = %scan3A_1 to %scan3A_3 step %scan3A_4 iter_args(%scan3A_38 = %scan3A) -> (i32)  : i32 {
      %swap3A = arith.index_cast %scan3A_37 : i32 to index
      %swap3A_39 = arith.constant 0 : index
      %swap3A_40 = tpu.vector_load %arg8[%swap3A, %swap3A_39] {strides = array<i32>} : memref<128x128xf32, #tpu.memory_space<vmem>>, vector<1x16xf32>,
      %swap3A_41 = vector.shape_cast %swap3A_40 : vector<1x16xf32> to vector<16xf32>
      %swap3A_42 = vector.shape_cast %broadcast_in_dim3A_0 : vector<16xf32> to vector<1x16xf32>
      tpu.vector_store %arg8[%swap3A, %swap3A_39], %swap3A_42 {strides = array<i32>} : memref<128x128xf32, #tpu.memory_space<vmem>>, vector<1x16xf32>,
      %swap3A_43 = arith.index_cast %scan3A_37 : i32 to index
      %swap3A_44 = arith.constant 16 : index
      %swap3A_45 = tpu.vector_load %arg8[%swap3A_43, %swap3A_44] {strides = array<i32>} : memref<128x128xf32, #tpu.memory_space<vmem>>, vector<1x16xf32>,
      %swap3A_46 = vector.shape_cast %swap3A_45 : vector<1x16xf32> to vector<16xf32>
      %swap3A_47 = vector.shape_cast %broadcast_in_dim3A_0 : vector<16xf32> to vector<1x16xf32>
      tpu.vector_store %arg8[%swap3A_43, %swap3A_44], %swap3A_47 {strides = array<i32>} : memref<128x128xf32, #tpu.memory_space<vmem>>, vector<1x16xf32>,
      %swap3A_48 = arith.index_cast %scan3A_37 : i32 to index
      %swap3A_49 = arith.constant 32 : index
      %swap3A_50 = tpu.vector_load %arg8[%swap3A_48, %swap3A_49] {strides = array<i32>} : memref<128x128xf32, #tpu.memory_space<vmem>>, vector<1x16xf32>,
      %swap3A_51 = vector.shape_cast %swap3A_50 : vector<1x16xf32> to vector<16xf32>
      %swap3A_52 = vector.shape_cast %broadcast_in_dim3A_0 : vector<16xf32> to vector<1x16xf32>
      tpu.vector_store %arg8[%swap3A_48, %swap3A_49], %swap3A_52 {strides = array<i32>} : memref<128x128xf32, #tpu.memory_space<vmem>>, vector<1x16xf32>,
      %swap3A_53 = arith.index_cast %scan3A_37 : i32 to index
      %swap3A_54 = arith.constant 48 : index
      %swap3A_55 = tpu.vector_load %arg8[%swap3A_53, %swap3A_54] {strides = array<i32>} : memref<128x128xf32, #tpu.memory_space<vmem>>, vector<1x16xf32>,
      %swap3A_56 = vector.shape_cast %swap3A_55 : vector<1x16xf32> to vector<16xf32>
      %swap3A_57 = vector.shape_cast %broadcast_in_dim3A_0 : vector<16xf32> to vector<1x16xf32>
      tpu.vector_store %arg8[%swap3A_53, %swap3A_54], %swap3A_57 {strides = array<i32>} : memref<128x128xf32, #tpu.memory_space<vmem>>, vector<1x16xf32>,
      %swap3A_58 = arith.index_cast %scan3A_37 : i32 to index
      %swap3A_59 = arith.constant 64 : index
      %swap3A_60 = tpu.vector_load %arg8[%swap3A_58, %swap3A_59] {strides = array<i32>} : memref<128x128xf32, #tpu.memory_space<vmem>>, vector<1x16xf32>,
      %swap3A_61 = vector.shape_cast %swap3A_60 : vector<1x16xf32> to vector<16xf32>
      %swap3A_62 = vector.shape_cast %broadcast_in_dim3A_0 : vector<16xf32> to vector<1x16xf32>
      tpu.vector_store %arg8[%swap3A_58, %swap3A_59], %swap3A_62 {strides = array<i32>} : memref<128x128xf32, #tpu.memory_space<vmem>>, vector<1x16xf32>,
      %swap3A_63 = arith.index_cast %scan3A_37 : i32 to index
      %swap3A_64 = arith.constant 80 : index
      %swap3A_65 = tpu.vector_load %arg8[%swap3A_63, %swap3A_64] {strides = array<i32>} : memref<128x128xf32, #tpu.memory_space<vmem>>, vector<1x16xf32>,
      %swap3A_66 = vector.shape_cast %swap3A_65 : vector<1x16xf32> to vector<16xf32>
      %swap3A_67 = vector.shape_cast %broadcast_in_dim3A_0 : vector<16xf32> to vector<1x16xf32>
      tpu.vector_store %arg8[%swap3A_63, %swap3A_64], %swap3A_67 {strides = array<i32>} : memref<128x128xf32, #tpu.memory_space<vmem>>, vector<1x16xf32>,
      %swap3A_68 = arith.index_cast %scan3A_37 : i32 to index
      %swap3A_69 = arith.constant 96 : index
      %swap3A_70 = tpu.vector_load %arg8[%swap3A_68, %swap3A_69] {strides = array<i32>} : memref<128x128xf32, #tpu.memory_space<vmem>>, vector<1x16xf32>,
      %swap3A_71 = vector.shape_cast %swap3A_70 : vector<1x16xf32> to vector<16xf32>
      %swap3A_72 = vector.shape_cast %broadcast_in_dim3A_0 : vector<16xf32> to vector<1x16xf32>
      tpu.vector_store %arg8[%swap3A_68, %swap3A_69], %swap3A_72 {strides = array<i32>} : memref<128x128xf32, #tpu.memory_space<vmem>>, vector<1x16xf32>,
      %swap3A_73 = arith.index_cast %scan3A_37 : i32 to index
      %swap3A_74 = arith.constant 112 : index
      %swap3A_75 = tpu.vector_load %arg8[%swap3A_73, %swap3A_74] {strides = array<i32>} : memref<128x128xf32, #tpu.memory_space<vmem>>, vector<1x16xf32>,
      %swap3A_76 = vector.shape_cast %swap3A_75 : vector<1x16xf32> to vector<16xf32>
      %swap3A_77 = vector.shape_cast %broadcast_in_dim3A_0 : vector<16xf32> to vector<1x16xf32>
      tpu.vector_store %arg8[%swap3A_73, %swap3A_74], %swap3A_77 {strides = array<i32>} : memref<128x128xf32, #tpu.memory_space<vmem>>, vector<1x16xf32>,
      %scan3A_78 = arith.constant 0 : i32
      scf.yield %scan3A_78 : i32
    }
    %scan3A_6 = arith.constant 128 : i32
    %mul3A = arith.constant 640 : i32
    %mul3A_7 = arith.muli %arg1, %mul3A : i32
    %add3A = arith.constant 0 : i32
    %add3A_8 = arith.addi %mul3A_7, %add3A : i32
    "tpu.region"() ({
      %run_scoped3A = tpu.sem_alloc : memref<!tpu.dma_semaphore, #tpu.memory_space<semaphore_mem>>
      %dma_start3A = arith.constant 0 : i32
      %dma_start3A_37 = tpu.memref_slice %arg9[%add3A_8, %dma_start3A] : memref<10240x128xf32, #tpu.memory_space<vmem_shared>> -> memref<128x128xf32, #tpu.memory_space<vmem_shared>>
      %dma_start3A_38 = arith.constant 0 : i32
      %dma_start3A_39 = tpu.memref_slice %arg9[%add3A_8, %dma_start3A_38] : memref<10240x128xf32, #tpu.memory_space<vmem_shared>> -> memref<128x128xf32, #tpu.memory_space<vmem_shared>>
      tpu.enqueue_dma source(%arg8 : memref<128x128xf32, #tpu.memory_space<vmem>>) target(%dma_start3A_39 : memref<128x128xf32, #tpu.memory_space<vmem_shared>>) target_semaphore(%run_scoped3A : memref<!tpu.dma_semaphore, #tpu.memory_space<semaphore_mem>>)
      %dma_wait3A = arith.constant 0 : i32
      %dma_wait3A_40 = tpu.memref_slice %arg9[%add3A_8, %dma_wait3A] : memref<10240x128xf32, #tpu.memory_space<vmem_shared>> -> memref<128x128xf32, #tpu.memory_space<vmem_shared>>
      %dma_wait3A_41 = arith.constant 0 : i32
      %dma_wait3A_42 = tpu.memref_slice %arg9[%add3A_8, %dma_wait3A_41] : memref<10240x128xf32, #tpu.memory_space<vmem_shared>> -> memref<128x128xf32, #tpu.memory_space<vmem_shared>>
      tpu.wait_dma2 semaphore(%run_scoped3A : memref<!tpu.dma_semaphore, #tpu.memory_space<semaphore_mem>>) src(%arg8 : memref<128x128xf32, #tpu.memory_space<vmem>>) dst(%dma_wait3A_42 : memref<128x128xf32, #tpu.memory_space<vmem_shared>>)
      tpu.yield
    }) : () -> ()
    %mul3A_9 = arith.constant 640 : i32
    %mul3A_10 = arith.muli %arg1, %mul3A_9 : i32
    %add3A_11 = arith.constant 128 : i32
    %add3A_12 = arith.addi %mul3A_10, %add3A_11 : i32
    "tpu.region"() ({
      %run_scoped3A = tpu.sem_alloc : memref<!tpu.dma_semaphore, #tpu.memory_space<semaphore_mem>>
      %dma_start3A = arith.constant 0 : i32
      %dma_start3A_37 = tpu.memref_slice %arg9[%add3A_12, %dma_start3A] : memref<10240x128xf32, #tpu.memory_space<vmem_shared>> -> memref<128x128xf32, #tpu.memory_space<vmem_shared>>
      %dma_start3A_38 = arith.constant 0 : i32
      %dma_start3A_39 = tpu.memref_slice %arg9[%add3A_12, %dma_start3A_38] : memref<10240x128xf32, #tpu.memory_space<vmem_shared>> -> memref<128x128xf32, #tpu.memory_space<vmem_shared>>
      tpu.enqueue_dma source(%arg8 : memref<128x128xf32, #tpu.memory_space<vmem>>) target(%dma_start3A_39 : memref<128x128xf32, #tpu.memory_space<vmem_shared>>) target_semaphore(%run_scoped3A : memref<!tpu.dma_semaphore, #tpu.memory_space<semaphore_mem>>)
      %dma_wait3A = arith.constant 0 : i32
      %dma_wait3A_40 = tpu.memref_slice %arg9[%add3A_12, %dma_wait3A] : memref<10240x128xf32, #tpu.memory_space<vmem_shared>> -> memref<128x128xf32, #tpu.memory_space<vmem_shared>>
      %dma_wait3A_41 = arith.constant 0 : i32
      %dma_wait3A_42 = tpu.memref_slice %arg9[%add3A_12, %dma_wait3A_41] : memref<10240x128xf32, #tpu.memory_space<vmem_shared>> -> memref<128x128xf32, #tpu.memory_space<vmem_shared>>
      tpu.wait_dma2 semaphore(%run_scoped3A : memref<!tpu.dma_semaphore, #tpu.memory_space<semaphore_mem>>) src(%arg8 : memref<128x128xf32, #tpu.memory_space<vmem>>) dst(%dma_wait3A_42 : memref<128x128xf32, #tpu.memory_space<vmem_shared>>)
      tpu.yield
    }) : () -> ()
    %mul3A_13 = arith.constant 640 : i32
    %mul3A_14 = arith.muli %arg1, %mul3A_13 : i32
    %add3A_15 = arith.constant 256 : i32
    %add3A_16 = arith.addi %mul3A_14, %add3A_15 : i32
    "tpu.region"() ({
      %run_scoped3A = tpu.sem_alloc : memref<!tpu.dma_semaphore, #tpu.memory_space<semaphore_mem>>
      %dma_start3A = arith.constant 0 : i32
      %dma_start3A_37 = tpu.memref_slice %arg9[%add3A_16, %dma_start3A] : memref<10240x128xf32, #tpu.memory_space<vmem_shared>> -> memref<128x128xf32, #tpu.memory_space<vmem_shared>>
      %dma_start3A_38 = arith.constant 0 : i32
      %dma_start3A_39 = tpu.memref_slice %arg9[%add3A_16, %dma_start3A_38] : memref<10240x128xf32, #tpu.memory_space<vmem_shared>> -> memref<128x128xf32, #tpu.memory_space<vmem_shared>>
      tpu.enqueue_dma source(%arg8 : memref<128x128xf32, #tpu.memory_space<vmem>>) target(%dma_start3A_39 : memref<128x128xf32, #tpu.memory_space<vmem_shared>>) target_semaphore(%run_scoped3A : memref<!tpu.dma_semaphore, #tpu.memory_space<semaphore_mem>>)
      %dma_wait3A = arith.constant 0 : i32
      %dma_wait3A_40 = tpu.memref_slice %arg9[%add3A_16, %dma_wait3A] : memref<10240x128xf32, #tpu.memory_space<vmem_shared>> -> memref<128x128xf32, #tpu.memory_space<vmem_shared>>
      %dma_wait3A_41 = arith.constant 0 : i32
      %dma_wait3A_42 = tpu.memref_slice %arg9[%add3A_16, %dma_wait3A_41] : memref<10240x128xf32, #tpu.memory_space<vmem_shared>> -> memref<128x128xf32, #tpu.memory_space<vmem_shared>>
      tpu.wait_dma2 semaphore(%run_scoped3A : memref<!tpu.dma_semaphore, #tpu.memory_space<semaphore_mem>>) src(%arg8 : memref<128x128xf32, #tpu.memory_space<vmem>>) dst(%dma_wait3A_42 : memref<128x128xf32, #tpu.memory_space<vmem_shared>>)
      tpu.yield
    }) : () -> ()
    %mul3A_17 = arith.constant 640 : i32
    %mul3A_18 = arith.muli %arg1, %mul3A_17 : i32
    %add3A_19 = arith.constant 384 : i32
    %add3A_20 = arith.addi %mul3A_18, %add3A_19 : i32
    "tpu.region"() ({
      %run_scoped3A = tpu.sem_alloc : memref<!tpu.dma_semaphore, #tpu.memory_space<semaphore_mem>>
      %dma_start3A = arith.constant 0 : i32
      %dma_start3A_37 = tpu.memref_slice %arg9[%add3A_20, %dma_start3A] : memref<10240x128xf32, #tpu.memory_space<vmem_shared>> -> memref<128x128xf32, #tpu.memory_space<vmem_shared>>
      %dma_start3A_38 = arith.constant 0 : i32
      %dma_start3A_39 = tpu.memref_slice %arg9[%add3A_20, %dma_start3A_38] : memref<10240x128xf32, #tpu.memory_space<vmem_shared>> -> memref<128x128xf32, #tpu.memory_space<vmem_shared>>
      tpu.enqueue_dma source(%arg8 : memref<128x128xf32, #tpu.memory_space<vmem>>) target(%dma_start3A_39 : memref<128x128xf32, #tpu.memory_space<vmem_shared>>) target_semaphore(%run_scoped3A : memref<!tpu.dma_semaphore, #tpu.memory_space<semaphore_mem>>)
      %dma_wait3A = arith.constant 0 : i32
      %dma_wait3A_40 = tpu.memref_slice %arg9[%add3A_20, %dma_wait3A] : memref<10240x128xf32, #tpu.memory_space<vmem_shared>> -> memref<128x128xf32, #tpu.memory_space<vmem_shared>>
      %dma_wait3A_41 = arith.constant 0 : i32
      %dma_wait3A_42 = tpu.memref_slice %arg9[%add3A_20, %dma_wait3A_41] : memref<10240x128xf32, #tpu.memory_space<vmem_shared>> -> memref<128x128xf32, #tpu.memory_space<vmem_shared>>
      tpu.wait_dma2 semaphore(%run_scoped3A : memref<!tpu.dma_semaphore, #tpu.memory_space<semaphore_mem>>) src(%arg8 : memref<128x128xf32, #tpu.memory_space<vmem>>) dst(%dma_wait3A_42 : memref<128x128xf32, #tpu.memory_space<vmem_shared>>)
      tpu.yield
    }) : () -> ()
    %mul3A_21 = arith.constant 640 : i32
    %mul3A_22 = arith.muli %arg1, %mul3A_21 : i32
    %add3A_23 = arith.constant 512 : i32
    %add3A_24 = arith.addi %mul3A_22, %add3A_23 : i32
    "tpu.region"() ({
      %run_scoped3A = tpu.sem_alloc : memref<!tpu.dma_semaphore, #tpu.memory_space<semaphore_mem>>
      %dma_start3A = arith.constant 0 : i32
      %dma_start3A_37 = tpu.memref_slice %arg9[%add3A_24, %dma_start3A] : memref<10240x128xf32, #tpu.memory_space<vmem_shared>> -> memref<128x128xf32, #tpu.memory_space<vmem_shared>>
      %dma_start3A_38 = arith.constant 0 : i32
      %dma_start3A_39 = tpu.memref_slice %arg9[%add3A_24, %dma_start3A_38] : memref<10240x128xf32, #tpu.memory_space<vmem_shared>> -> memref<128x128xf32, #tpu.memory_space<vmem_shared>>
      tpu.enqueue_dma source(%arg8 : memref<128x128xf32, #tpu.memory_space<vmem>>) target(%dma_start3A_39 : memref<128x128xf32, #tpu.memory_space<vmem_shared>>) target_semaphore(%run_scoped3A : memref<!tpu.dma_semaphore, #tpu.memory_space<semaphore_mem>>)
      %dma_wait3A = arith.constant 0 : i32
      %dma_wait3A_40 = tpu.memref_slice %arg9[%add3A_24, %dma_wait3A] : memref<10240x128xf32, #tpu.memory_space<vmem_shared>> -> memref<128x128xf32, #tpu.memory_space<vmem_shared>>
      %dma_wait3A_41 = arith.constant 0 : i32
      %dma_wait3A_42 = tpu.memref_slice %arg9[%add3A_24, %dma_wait3A_41] : memref<10240x128xf32, #tpu.memory_space<vmem_shared>> -> memref<128x128xf32, #tpu.memory_space<vmem_shared>>
      tpu.wait_dma2 semaphore(%run_scoped3A : memref<!tpu.dma_semaphore, #tpu.memory_space<semaphore_mem>>) src(%arg8 : memref<128x128xf32, #tpu.memory_space<vmem>>) dst(%dma_wait3A_42 : memref<128x128xf32, #tpu.memory_space<vmem_shared>>)
      tpu.yield
    }) : () -> ()
    %barrier3A = arith.constant 0 : index
    tpu.barrier barrier_id(%barrier3A)
    %scan3A_25 = arith.constant 0 : i32
    %scan3A_26 = arith.constant 0 : i32
    %scan3A_27 = arith.constant 80 : i32
    %scan3A_28 = arith.addi %scan3A_26, %scan3A_27 : i32
    %scan3A_29 = arith.constant 1 : i32
    %scan3A_30 = scf.for %scan3A_37 = %scan3A_26 to %scan3A_28 step %scan3A_29 iter_args(%scan3A_38 = %scan3A_25) -> (i32)  : i32 {
      %dma_start3A = arith.constant 0 : i32
      %dma_start3A_39 = tpu.memref_slice %arg6[%scan3A_37, %dma_start3A] : memref<80x128xi32, #tpu.memory_space<vmem>> -> memref<1x128xi32, #tpu.memory_space<vmem>>
      %dma_start3A_40 = tpu.memref_squeeze %dma_start3A_39 : memref<1x128xi32, #tpu.memory_space<vmem>> -> memref<128xi32, #tpu.memory_space<vmem>>
      %dma_start3A_41 = arith.constant 0 : i32
      %dma_start3A_42 = arith.constant 0 : i32
      %dma_start3A_43 = tpu.memref_slice %arg2[%dma_start3A_41, %dma_start3A_42] : memref<10240x128xf32, #tpu.memory_space<hbm>> -> memref<10240x128xf32, #tpu.memory_space<hbm>>
      tpu.enqueue_indirect_dma source(%dma_start3A_43 : memref<10240x128xf32, #tpu.memory_space<hbm>>) target(%arg8 : memref<128x128xf32, #tpu.memory_space<vmem>>) offsets(%dma_start3A_40 : memref<128xi32, #tpu.memory_space<vmem>>) semaphore(%arg10 : memref<!tpu.dma_semaphore, #tpu.memory_space<semaphore_mem>>)
      %dma_wait3A = arith.constant 0 : i32
      %dma_wait3A_44 = tpu.memref_slice %arg6[%scan3A_37, %dma_wait3A] : memref<80x128xi32, #tpu.memory_space<vmem>> -> memref<1x128xi32, #tpu.memory_space<vmem>>
      %dma_wait3A_45 = tpu.memref_squeeze %dma_wait3A_44 : memref<1x128xi32, #tpu.memory_space<vmem>> -> memref<128xi32, #tpu.memory_space<vmem>>
      %dma_wait3A_46 = arith.constant 0 : i32
      %dma_wait3A_47 = arith.constant 0 : i32
      %dma_wait3A_48 = tpu.memref_slice %arg2[%dma_wait3A_46, %dma_wait3A_47] : memref<10240x128xf32, #tpu.memory_space<hbm>> -> memref<10240x128xf32, #tpu.memory_space<hbm>>
      tpu.wait_indirect_dma semaphore(%arg10 : memref<!tpu.dma_semaphore, #tpu.memory_space<semaphore_mem>>) src(%dma_wait3A_48 : memref<10240x128xf32, #tpu.memory_space<hbm>>) dst(%arg8 : memref<128x128xf32, #tpu.memory_space<vmem>>)
      %dma_start3A_49 = arith.constant 0 : i32
      %dma_start3A_50 = tpu.memref_slice %arg7[%scan3A_37, %dma_start3A_49] : memref<80x128xi32, #tpu.memory_space<vmem>> -> memref<1x128xi32, #tpu.memory_space<vmem>>
      %dma_start3A_51 = tpu.memref_squeeze %dma_start3A_50 : memref<1x128xi32, #tpu.memory_space<vmem>> -> memref<128xi32, #tpu.memory_space<vmem>>
      %dma_start3A_52 = arith.constant 0 : i32
      %dma_start3A_53 = arith.constant 0 : i32
      %dma_start3A_54 = tpu.memref_slice %arg9[%dma_start3A_52, %dma_start3A_53] : memref<10240x128xf32, #tpu.memory_space<vmem_shared>> -> memref<10240x128xf32, #tpu.memory_space<vmem_shared>>
      tpu.enqueue_indirect_dma source(%arg8 : memref<128x128xf32, #tpu.memory_space<vmem>>) target(%dma_start3A_54 : memref<10240x128xf32, #tpu.memory_space<vmem_shared>>) offsets(%dma_start3A_51 : memref<128xi32, #tpu.memory_space<vmem>>) semaphore(%arg11 : memref<!tpu.dma_semaphore, #tpu.memory_space<semaphore_mem>>) {add = true}
      %dma_wait3A_55 = arith.constant 0 : i32
      %dma_wait3A_56 = tpu.memref_slice %arg7[%scan3A_37, %dma_wait3A_55] : memref<80x128xi32, #tpu.memory_space<vmem>> -> memref<1x128xi32, #tpu.memory_space<vmem>>
      %dma_wait3A_57 = tpu.memref_squeeze %dma_wait3A_56 : memref<1x128xi32, #tpu.memory_space<vmem>> -> memref<128xi32, #tpu.memory_space<vmem>>
      %dma_wait3A_58 = arith.constant 0 : i32
      %dma_wait3A_59 = arith.constant 0 : i32
      %dma_wait3A_60 = tpu.memref_slice %arg9[%dma_wait3A_58, %dma_wait3A_59] : memref<10240x128xf32, #tpu.memory_space<vmem_shared>> -> memref<10240x128xf32, #tpu.memory_space<vmem_shared>>
      tpu.wait_indirect_dma semaphore(%arg11 : memref<!tpu.dma_semaphore, #tpu.memory_space<semaphore_mem>>) src(%arg8 : memref<128x128xf32, #tpu.memory_space<vmem>>) dst(%dma_wait3A_60 : memref<10240x128xf32, #tpu.memory_space<vmem_shared>>)
      %scan3A_61 = arith.constant 0 : i32
      scf.yield %scan3A_61 : i32
    }
    %scan3A_31 = arith.constant 80 : i32
    %barrier3A_32 = arith.constant 0 : index
    tpu.barrier barrier_id(%barrier3A_32)
    %mul3A_33 = arith.constant 640 : i32
    %mul3A_34 = arith.muli %arg1, %mul3A_33 : i32
    %mul3A_35 = arith.constant 640 : i32
    %mul3A_36 = arith.muli %arg1, %mul3A_35 : i32
    "tpu.region"() ({
      %run_scoped3A = tpu.sem_alloc : memref<!tpu.dma_semaphore, #tpu.memory_space<semaphore_mem>>
      %dma_start3A = arith.constant 0 : i32
      %dma_start3A_37 = tpu.memref_slice %arg5[%arg0, %mul3A_36, %dma_start3A] : memref<2x10240x128xf32, #tpu.memory_space<hbm>> -> memref<1x640x128xf32, #tpu.memory_space<hbm>>
      %dma_start3A_38 = tpu.memref_squeeze %dma_start3A_37 : memref<1x640x128xf32, #tpu.memory_space<hbm>> -> memref<640x128xf32, #tpu.memory_space<hbm>>
      %dma_start3A_39 = arith.constant 0 : i32
      %dma_start3A_40 = tpu.memref_slice %arg9[%mul3A_34, %dma_start3A_39] : memref<10240x128xf32, #tpu.memory_space<vmem_shared>> -> memref<640x128xf32, #tpu.memory_space<vmem_shared>>
      tpu.enqueue_dma source(%dma_start3A_40 : memref<640x128xf32, #tpu.memory_space<vmem_shared>>) target(%dma_start3A_38 : memref<640x128xf32, #tpu.memory_space<hbm>>) target_semaphore(%run_scoped3A : memref<!tpu.dma_semaphore, #tpu.memory_space<semaphore_mem>>)
      %dma_wait3A = arith.constant 0 : i32
      %dma_wait3A_41 = tpu.memref_slice %arg5[%arg0, %mul3A_36, %dma_wait3A] : memref<2x10240x128xf32, #tpu.memory_space<hbm>> -> memref<1x640x128xf32, #tpu.memory_space<hbm>>
      %dma_wait3A_42 = tpu.memref_squeeze %dma_wait3A_41 : memref<1x640x128xf32, #tpu.memory_space<hbm>> -> memref<640x128xf32, #tpu.memory_space<hbm>>
      %dma_wait3A_43 = arith.constant 0 : i32
      %dma_wait3A_44 = tpu.memref_slice %arg9[%mul3A_34, %dma_wait3A_43] : memref<10240x128xf32, #tpu.memory_space<vmem_shared>> -> memref<640x128xf32, #tpu.memory_space<vmem_shared>>
      tpu.wait_dma2 semaphore(%run_scoped3A : memref<!tpu.dma_semaphore, #tpu.memory_space<semaphore_mem>>) src(%dma_wait3A_44 : memref<640x128xf32, #tpu.memory_space<vmem_shared>>) dst(%dma_wait3A_42 : memref<640x128xf32, #tpu.memory_space<hbm>>)
      tpu.yield
    }) : () -> ()
    return
  }
}

#map = affine_map<(d0, d1) -> (0, 0)>
#map1 = affine_map<(d0, d1) -> (0, 0, 0)>
module attributes {stable_mosaic.version = 14 : i64} {
  func.func @_emb_gather(%arg0: i32, %arg1: i32, %arg2: memref<100000x128xf32, #tpu.memory_space<hbm>>, %arg3: memref<32x4x80xi32, #tpu.memory_space<hbm>>, %arg4: memref<10240x128xf32, #tpu.memory_space<hbm>>, %arg5: memref<4x80xi32, #tpu.memory_space<vmem>>, %arg6: memref<80x128xf32, #tpu.memory_space<vmem>>, %arg7: memref<!tpu.dma_semaphore, #tpu.memory_space<semaphore_mem>>) attributes {dimension_semantics = [#tpu.dimension_semantics<core_parallel>, #tpu.dimension_semantics<subcore_parallel>], iteration_bounds = array<i64: 2, 16>, scalar_prefetch = 0 : i64, scratch_operands = 3 : i64, tpu.core_type = #tpu.core_type<sc_vector_subcore>, window_params = [{transform_indices = #map}, {transform_indices = #map1}, {transform_indices = #map}]} {
    %mul3A = arith.constant 2 : i32
    %mul3A_0 = arith.muli %arg1, %mul3A : i32
    %add3A = arith.addi %mul3A_0, %arg0 : i32
    "tpu.region"() ({
      %run_scoped3A = tpu.sem_alloc : memref<!tpu.dma_semaphore, #tpu.memory_space<semaphore_mem>>
      %dma_start3A = arith.constant 0 : i32
      %dma_start3A_9 = arith.constant 0 : i32
      %dma_start3A_10 = tpu.memref_slice %arg3[%add3A, %dma_start3A, %dma_start3A_9] : memref<32x4x80xi32, #tpu.memory_space<hbm>> -> memref<1x4x80xi32, #tpu.memory_space<hbm>>
      %dma_start3A_11 = tpu.memref_squeeze %dma_start3A_10 : memref<1x4x80xi32, #tpu.memory_space<hbm>> -> memref<4x80xi32, #tpu.memory_space<hbm>>
      %dma_start3A_12 = arith.constant 0 : i32
      %dma_start3A_13 = arith.constant 0 : i32
      %dma_start3A_14 = tpu.memref_slice %arg3[%add3A, %dma_start3A_12, %dma_start3A_13] : memref<32x4x80xi32, #tpu.memory_space<hbm>> -> memref<1x4x80xi32, #tpu.memory_space<hbm>>
      %dma_start3A_15 = tpu.memref_squeeze %dma_start3A_14 : memref<1x4x80xi32, #tpu.memory_space<hbm>> -> memref<4x80xi32, #tpu.memory_space<hbm>>
      tpu.enqueue_dma source(%dma_start3A_15 : memref<4x80xi32, #tpu.memory_space<hbm>>) target(%arg5 : memref<4x80xi32, #tpu.memory_space<vmem>>) target_semaphore(%run_scoped3A : memref<!tpu.dma_semaphore, #tpu.memory_space<semaphore_mem>>)
      %dma_wait3A = arith.constant 0 : i32
      %dma_wait3A_16 = arith.constant 0 : i32
      %dma_wait3A_17 = tpu.memref_slice %arg3[%add3A, %dma_wait3A, %dma_wait3A_16] : memref<32x4x80xi32, #tpu.memory_space<hbm>> -> memref<1x4x80xi32, #tpu.memory_space<hbm>>
      %dma_wait3A_18 = tpu.memref_squeeze %dma_wait3A_17 : memref<1x4x80xi32, #tpu.memory_space<hbm>> -> memref<4x80xi32, #tpu.memory_space<hbm>>
      %dma_wait3A_19 = arith.constant 0 : i32
      %dma_wait3A_20 = arith.constant 0 : i32
      %dma_wait3A_21 = tpu.memref_slice %arg3[%add3A, %dma_wait3A_19, %dma_wait3A_20] : memref<32x4x80xi32, #tpu.memory_space<hbm>> -> memref<1x4x80xi32, #tpu.memory_space<hbm>>
      %dma_wait3A_22 = tpu.memref_squeeze %dma_wait3A_21 : memref<1x4x80xi32, #tpu.memory_space<hbm>> -> memref<4x80xi32, #tpu.memory_space<hbm>>
      tpu.wait_dma2 semaphore(%run_scoped3A : memref<!tpu.dma_semaphore, #tpu.memory_space<semaphore_mem>>) src(%dma_wait3A_22 : memref<4x80xi32, #tpu.memory_space<hbm>>) dst(%arg5 : memref<4x80xi32, #tpu.memory_space<vmem>>)
      tpu.yield
    }) : () -> ()
    %mul3A_1 = arith.constant 320 : i32
    %mul3A_2 = arith.muli %add3A, %mul3A_1 : i32
    %scan3A = arith.constant 0 : i32
    %scan3A_3 = arith.constant 0 : i32
    %scan3A_4 = arith.constant 4 : i32
    %scan3A_5 = arith.addi %scan3A_3, %scan3A_4 : i32
    %scan3A_6 = arith.constant 1 : i32
    %scan3A_7 = scf.for %scan3A_9 = %scan3A_3 to %scan3A_5 step %scan3A_6 iter_args(%scan3A_10 = %scan3A) -> (i32)  : i32 {
      %dma_start3A = arith.constant 0 : i32
      %dma_start3A_11 = tpu.memref_slice %arg5[%scan3A_9, %dma_start3A] : memref<4x80xi32, #tpu.memory_space<vmem>> -> memref<1x80xi32, #tpu.memory_space<vmem>>
      %dma_start3A_12 = tpu.memref_squeeze %dma_start3A_11 : memref<1x80xi32, #tpu.memory_space<vmem>> -> memref<80xi32, #tpu.memory_space<vmem>>
      %dma_start3A_13 = arith.constant 0 : i32
      %dma_start3A_14 = arith.constant 0 : i32
      %dma_start3A_15 = tpu.memref_slice %arg2[%dma_start3A_13, %dma_start3A_14] : memref<100000x128xf32, #tpu.memory_space<hbm>> -> memref<100000x128xf32, #tpu.memory_space<hbm>>
      tpu.enqueue_indirect_dma source(%dma_start3A_15 : memref<100000x128xf32, #tpu.memory_space<hbm>>) target(%arg6 : memref<80x128xf32, #tpu.memory_space<vmem>>) offsets(%dma_start3A_12 : memref<80xi32, #tpu.memory_space<vmem>>) semaphore(%arg7 : memref<!tpu.dma_semaphore, #tpu.memory_space<semaphore_mem>>)
      %dma_wait3A = arith.constant 0 : i32
      %dma_wait3A_16 = tpu.memref_slice %arg5[%scan3A_9, %dma_wait3A] : memref<4x80xi32, #tpu.memory_space<vmem>> -> memref<1x80xi32, #tpu.memory_space<vmem>>
      %dma_wait3A_17 = tpu.memref_squeeze %dma_wait3A_16 : memref<1x80xi32, #tpu.memory_space<vmem>> -> memref<80xi32, #tpu.memory_space<vmem>>
      %dma_wait3A_18 = arith.constant 0 : i32
      %dma_wait3A_19 = arith.constant 0 : i32
      %dma_wait3A_20 = tpu.memref_slice %arg2[%dma_wait3A_18, %dma_wait3A_19] : memref<100000x128xf32, #tpu.memory_space<hbm>> -> memref<100000x128xf32, #tpu.memory_space<hbm>>
      tpu.wait_indirect_dma semaphore(%arg7 : memref<!tpu.dma_semaphore, #tpu.memory_space<semaphore_mem>>) src(%dma_wait3A_20 : memref<100000x128xf32, #tpu.memory_space<hbm>>) dst(%arg6 : memref<80x128xf32, #tpu.memory_space<vmem>>)
      %mul3A_21 = arith.constant 80 : i32
      %mul3A_22 = arith.muli %scan3A_9, %mul3A_21 : i32
      %add3A_23 = arith.addi %mul3A_2, %mul3A_22 : i32
      "tpu.region"() ({
        %run_scoped3A = tpu.sem_alloc : memref<!tpu.dma_semaphore, #tpu.memory_space<semaphore_mem>>
        %dma_start3A_25 = arith.constant 0 : i32
        %dma_start3A_26 = tpu.memref_slice %arg4[%add3A_23, %dma_start3A_25] : memref<10240x128xf32, #tpu.memory_space<hbm>> -> memref<80x128xf32, #tpu.memory_space<hbm>>
        %dma_start3A_27 = arith.constant 0 : i32
        %dma_start3A_28 = tpu.memref_slice %arg4[%add3A_23, %dma_start3A_27] : memref<10240x128xf32, #tpu.memory_space<hbm>> -> memref<80x128xf32, #tpu.memory_space<hbm>>
        tpu.enqueue_dma source(%arg6 : memref<80x128xf32, #tpu.memory_space<vmem>>) target(%dma_start3A_28 : memref<80x128xf32, #tpu.memory_space<hbm>>) target_semaphore(%run_scoped3A : memref<!tpu.dma_semaphore, #tpu.memory_space<semaphore_mem>>)
        %dma_wait3A_29 = arith.constant 0 : i32
        %dma_wait3A_30 = tpu.memref_slice %arg4[%add3A_23, %dma_wait3A_29] : memref<10240x128xf32, #tpu.memory_space<hbm>> -> memref<80x128xf32, #tpu.memory_space<hbm>>
        %dma_wait3A_31 = arith.constant 0 : i32
        %dma_wait3A_32 = tpu.memref_slice %arg4[%add3A_23, %dma_wait3A_31] : memref<10240x128xf32, #tpu.memory_space<hbm>> -> memref<80x128xf32, #tpu.memory_space<hbm>>
        tpu.wait_dma2 semaphore(%run_scoped3A : memref<!tpu.dma_semaphore, #tpu.memory_space<semaphore_mem>>) src(%arg6 : memref<80x128xf32, #tpu.memory_space<vmem>>) dst(%dma_wait3A_32 : memref<80x128xf32, #tpu.memory_space<hbm>>)
        tpu.yield
      }) : () -> ()
      %scan3A_24 = arith.constant 0 : i32
      scf.yield %scan3A_24 : i32
    }
    %scan3A_8 = arith.constant 4 : i32
    return
  }
}

#map = affine_map<(d0, d1) -> (0, 0)>
#map1 = affine_map<(d0, d1) -> (0, 0, 0, 0)>
#map2 = affine_map<(d0, d1) -> (0, 0, 0)>
module attributes {stable_mosaic.version = 14 : i64} {
  func.func @_edge_pass(%arg0: i32, %arg1: i32, %arg2: memref<10240x128xf32, #tpu.memory_space<hbm>>, %arg3: memref<2x16x80x128xi32, #tpu.memory_space<hbm>>, %arg4: memref<2x16x80x128xi32, #tpu.memory_space<hbm>>, %arg5: memref<2x10240x128xf32, #tpu.memory_space<hbm>>, %arg6: memref<80x128xi32, #tpu.memory_space<vmem>>, %arg7: memref<80x128xi32, #tpu.memory_space<vmem>>, %arg8: memref<128x128xf32, #tpu.memory_space<vmem>>, %arg9: memref<10240x128xf32, #tpu.memory_space<vmem_shared>>, %arg10: memref<!tpu.dma_semaphore, #tpu.memory_space<semaphore_mem>>, %arg11: memref<!tpu.dma_semaphore, #tpu.memory_space<semaphore_mem>>) attributes {dimension_semantics = [#tpu.dimension_semantics<core_parallel>, #tpu.dimension_semantics<subcore_parallel>], iteration_bounds = array<i64: 2, 16>, scalar_prefetch = 0 : i64, scratch_operands = 6 : i64, tpu.core_type = #tpu.core_type<sc_vector_subcore>, window_params = [{transform_indices = #map}, {transform_indices = #map1}, {transform_indices = #map1}, {transform_indices = #map2}]} {
    "tpu.region"() ({
      %run_scoped3A = tpu.sem_alloc : memref<!tpu.dma_semaphore, #tpu.memory_space<semaphore_mem>>
      %dma_start3A = arith.constant 0 : i32
      %dma_start3A_37 = arith.constant 0 : i32
      %dma_start3A_38 = tpu.memref_slice %arg3[%arg0, %arg1, %dma_start3A, %dma_start3A_37] : memref<2x16x80x128xi32, #tpu.memory_space<hbm>> -> memref<1x1x80x128xi32, #tpu.memory_space<hbm>>
      %dma_start3A_39 = tpu.memref_squeeze %dma_start3A_38 : memref<1x1x80x128xi32, #tpu.memory_space<hbm>> -> memref<80x128xi32, #tpu.memory_space<hbm>>
      %dma_start3A_40 = arith.constant 0 : i32
      %dma_start3A_41 = arith.constant 0 : i32
      %dma_start3A_42 = tpu.memref_slice %arg3[%arg0, %arg1, %dma_start3A_40, %dma_start3A_41] : memref<2x16x80x128xi32, #tpu.memory_space<hbm>> -> memref<1x1x80x128xi32, #tpu.memory_space<hbm>>
      %dma_start3A_43 = tpu.memref_squeeze %dma_start3A_42 : memref<1x1x80x128xi32, #tpu.memory_space<hbm>> -> memref<80x128xi32, #tpu.memory_space<hbm>>
      tpu.enqueue_dma source(%dma_start3A_43 : memref<80x128xi32, #tpu.memory_space<hbm>>) target(%arg6 : memref<80x128xi32, #tpu.memory_space<vmem>>) target_semaphore(%run_scoped3A : memref<!tpu.dma_semaphore, #tpu.memory_space<semaphore_mem>>)
      %dma_wait3A = arith.constant 0 : i32
      %dma_wait3A_44 = arith.constant 0 : i32
      %dma_wait3A_45 = tpu.memref_slice %arg3[%arg0, %arg1, %dma_wait3A, %dma_wait3A_44] : memref<2x16x80x128xi32, #tpu.memory_space<hbm>> -> memref<1x1x80x128xi32, #tpu.memory_space<hbm>>
      %dma_wait3A_46 = tpu.memref_squeeze %dma_wait3A_45 : memref<1x1x80x128xi32, #tpu.memory_space<hbm>> -> memref<80x128xi32, #tpu.memory_space<hbm>>
      %dma_wait3A_47 = arith.constant 0 : i32
      %dma_wait3A_48 = arith.constant 0 : i32
      %dma_wait3A_49 = tpu.memref_slice %arg3[%arg0, %arg1, %dma_wait3A_47, %dma_wait3A_48] : memref<2x16x80x128xi32, #tpu.memory_space<hbm>> -> memref<1x1x80x128xi32, #tpu.memory_space<hbm>>
      %dma_wait3A_50 = tpu.memref_squeeze %dma_wait3A_49 : memref<1x1x80x128xi32, #tpu.memory_space<hbm>> -> memref<80x128xi32, #tpu.memory_space<hbm>>
      tpu.wait_dma2 semaphore(%run_scoped3A : memref<!tpu.dma_semaphore, #tpu.memory_space<semaphore_mem>>) src(%dma_wait3A_50 : memref<80x128xi32, #tpu.memory_space<hbm>>) dst(%arg6 : memref<80x128xi32, #tpu.memory_space<vmem>>)
      tpu.yield
    }) : () -> ()
    "tpu.region"() ({
      %run_scoped3A = tpu.sem_alloc : memref<!tpu.dma_semaphore, #tpu.memory_space<semaphore_mem>>
      %dma_start3A = arith.constant 0 : i32
      %dma_start3A_37 = arith.constant 0 : i32
      %dma_start3A_38 = tpu.memref_slice %arg4[%arg0, %arg1, %dma_start3A, %dma_start3A_37] : memref<2x16x80x128xi32, #tpu.memory_space<hbm>> -> memref<1x1x80x128xi32, #tpu.memory_space<hbm>>
      %dma_start3A_39 = tpu.memref_squeeze %dma_start3A_38 : memref<1x1x80x128xi32, #tpu.memory_space<hbm>> -> memref<80x128xi32, #tpu.memory_space<hbm>>
      %dma_start3A_40 = arith.constant 0 : i32
      %dma_start3A_41 = arith.constant 0 : i32
      %dma_start3A_42 = tpu.memref_slice %arg4[%arg0, %arg1, %dma_start3A_40, %dma_start3A_41] : memref<2x16x80x128xi32, #tpu.memory_space<hbm>> -> memref<1x1x80x128xi32, #tpu.memory_space<hbm>>
      %dma_start3A_43 = tpu.memref_squeeze %dma_start3A_42 : memref<1x1x80x128xi32, #tpu.memory_space<hbm>> -> memref<80x128xi32, #tpu.memory_space<hbm>>
      tpu.enqueue_dma source(%dma_start3A_43 : memref<80x128xi32, #tpu.memory_space<hbm>>) target(%arg7 : memref<80x128xi32, #tpu.memory_space<vmem>>) target_semaphore(%run_scoped3A : memref<!tpu.dma_semaphore, #tpu.memory_space<semaphore_mem>>)
      %dma_wait3A = arith.constant 0 : i32
      %dma_wait3A_44 = arith.constant 0 : i32
      %dma_wait3A_45 = tpu.memref_slice %arg4[%arg0, %arg1, %dma_wait3A, %dma_wait3A_44] : memref<2x16x80x128xi32, #tpu.memory_space<hbm>> -> memref<1x1x80x128xi32, #tpu.memory_space<hbm>>
      %dma_wait3A_46 = tpu.memref_squeeze %dma_wait3A_45 : memref<1x1x80x128xi32, #tpu.memory_space<hbm>> -> memref<80x128xi32, #tpu.memory_space<hbm>>
      %dma_wait3A_47 = arith.constant 0 : i32
      %dma_wait3A_48 = arith.constant 0 : i32
      %dma_wait3A_49 = tpu.memref_slice %arg4[%arg0, %arg1, %dma_wait3A_47, %dma_wait3A_48] : memref<2x16x80x128xi32, #tpu.memory_space<hbm>> -> memref<1x1x80x128xi32, #tpu.memory_space<hbm>>
      %dma_wait3A_50 = tpu.memref_squeeze %dma_wait3A_49 : memref<1x1x80x128xi32, #tpu.memory_space<hbm>> -> memref<80x128xi32, #tpu.memory_space<hbm>>
      tpu.wait_dma2 semaphore(%run_scoped3A : memref<!tpu.dma_semaphore, #tpu.memory_space<semaphore_mem>>) src(%dma_wait3A_50 : memref<80x128xi32, #tpu.memory_space<hbm>>) dst(%arg7 : memref<80x128xi32, #tpu.memory_space<vmem>>)
      tpu.yield
    }) : () -> ()
    %broadcast_in_dim3A = arith.constant 0.000000e+00 : f32
    %broadcast_in_dim3A_0 = vector.broadcast %broadcast_in_dim3A : f32 to vector<16xf32>
    %scan3A = arith.constant 0 : i32
    %scan3A_1 = arith.constant 0 : i32
    %scan3A_2 = arith.constant 128 : i32
    %scan3A_3 = arith.addi %scan3A_1, %scan3A_2 : i32
    %scan3A_4 = arith.constant 1 : i32
    %scan3A_5 = scf.for %scan3A_37 = %scan3A_1 to %scan3A_3 step %scan3A_4 iter_args(%scan3A_38 = %scan3A) -> (i32)  : i32 {
      %swap3A = arith.index_cast %scan3A_37 : i32 to index
      %swap3A_39 = arith.constant 0 : index
      %swap3A_40 = tpu.vector_load %arg8[%swap3A, %swap3A_39] {strides = array<i32>} : memref<128x128xf32, #tpu.memory_space<vmem>>, vector<1x16xf32>,
      %swap3A_41 = vector.shape_cast %swap3A_40 : vector<1x16xf32> to vector<16xf32>
      %swap3A_42 = vector.shape_cast %broadcast_in_dim3A_0 : vector<16xf32> to vector<1x16xf32>
      tpu.vector_store %arg8[%swap3A, %swap3A_39], %swap3A_42 {strides = array<i32>} : memref<128x128xf32, #tpu.memory_space<vmem>>, vector<1x16xf32>,
      %swap3A_43 = arith.index_cast %scan3A_37 : i32 to index
      %swap3A_44 = arith.constant 16 : index
      %swap3A_45 = tpu.vector_load %arg8[%swap3A_43, %swap3A_44] {strides = array<i32>} : memref<128x128xf32, #tpu.memory_space<vmem>>, vector<1x16xf32>,
      %swap3A_46 = vector.shape_cast %swap3A_45 : vector<1x16xf32> to vector<16xf32>
      %swap3A_47 = vector.shape_cast %broadcast_in_dim3A_0 : vector<16xf32> to vector<1x16xf32>
      tpu.vector_store %arg8[%swap3A_43, %swap3A_44], %swap3A_47 {strides = array<i32>} : memref<128x128xf32, #tpu.memory_space<vmem>>, vector<1x16xf32>,
      %swap3A_48 = arith.index_cast %scan3A_37 : i32 to index
      %swap3A_49 = arith.constant 32 : index
      %swap3A_50 = tpu.vector_load %arg8[%swap3A_48, %swap3A_49] {strides = array<i32>} : memref<128x128xf32, #tpu.memory_space<vmem>>, vector<1x16xf32>,
      %swap3A_51 = vector.shape_cast %swap3A_50 : vector<1x16xf32> to vector<16xf32>
      %swap3A_52 = vector.shape_cast %broadcast_in_dim3A_0 : vector<16xf32> to vector<1x16xf32>
      tpu.vector_store %arg8[%swap3A_48, %swap3A_49], %swap3A_52 {strides = array<i32>} : memref<128x128xf32, #tpu.memory_space<vmem>>, vector<1x16xf32>,
      %swap3A_53 = arith.index_cast %scan3A_37 : i32 to index
      %swap3A_54 = arith.constant 48 : index
      %swap3A_55 = tpu.vector_load %arg8[%swap3A_53, %swap3A_54] {strides = array<i32>} : memref<128x128xf32, #tpu.memory_space<vmem>>, vector<1x16xf32>,
      %swap3A_56 = vector.shape_cast %swap3A_55 : vector<1x16xf32> to vector<16xf32>
      %swap3A_57 = vector.shape_cast %broadcast_in_dim3A_0 : vector<16xf32> to vector<1x16xf32>
      tpu.vector_store %arg8[%swap3A_53, %swap3A_54], %swap3A_57 {strides = array<i32>} : memref<128x128xf32, #tpu.memory_space<vmem>>, vector<1x16xf32>,
      %swap3A_58 = arith.index_cast %scan3A_37 : i32 to index
      %swap3A_59 = arith.constant 64 : index
      %swap3A_60 = tpu.vector_load %arg8[%swap3A_58, %swap3A_59] {strides = array<i32>} : memref<128x128xf32, #tpu.memory_space<vmem>>, vector<1x16xf32>,
      %swap3A_61 = vector.shape_cast %swap3A_60 : vector<1x16xf32> to vector<16xf32>
      %swap3A_62 = vector.shape_cast %broadcast_in_dim3A_0 : vector<16xf32> to vector<1x16xf32>
      tpu.vector_store %arg8[%swap3A_58, %swap3A_59], %swap3A_62 {strides = array<i32>} : memref<128x128xf32, #tpu.memory_space<vmem>>, vector<1x16xf32>,
      %swap3A_63 = arith.index_cast %scan3A_37 : i32 to index
      %swap3A_64 = arith.constant 80 : index
      %swap3A_65 = tpu.vector_load %arg8[%swap3A_63, %swap3A_64] {strides = array<i32>} : memref<128x128xf32, #tpu.memory_space<vmem>>, vector<1x16xf32>,
      %swap3A_66 = vector.shape_cast %swap3A_65 : vector<1x16xf32> to vector<16xf32>
      %swap3A_67 = vector.shape_cast %broadcast_in_dim3A_0 : vector<16xf32> to vector<1x16xf32>
      tpu.vector_store %arg8[%swap3A_63, %swap3A_64], %swap3A_67 {strides = array<i32>} : memref<128x128xf32, #tpu.memory_space<vmem>>, vector<1x16xf32>,
      %swap3A_68 = arith.index_cast %scan3A_37 : i32 to index
      %swap3A_69 = arith.constant 96 : index
      %swap3A_70 = tpu.vector_load %arg8[%swap3A_68, %swap3A_69] {strides = array<i32>} : memref<128x128xf32, #tpu.memory_space<vmem>>, vector<1x16xf32>,
      %swap3A_71 = vector.shape_cast %swap3A_70 : vector<1x16xf32> to vector<16xf32>
      %swap3A_72 = vector.shape_cast %broadcast_in_dim3A_0 : vector<16xf32> to vector<1x16xf32>
      tpu.vector_store %arg8[%swap3A_68, %swap3A_69], %swap3A_72 {strides = array<i32>} : memref<128x128xf32, #tpu.memory_space<vmem>>, vector<1x16xf32>,
      %swap3A_73 = arith.index_cast %scan3A_37 : i32 to index
      %swap3A_74 = arith.constant 112 : index
      %swap3A_75 = tpu.vector_load %arg8[%swap3A_73, %swap3A_74] {strides = array<i32>} : memref<128x128xf32, #tpu.memory_space<vmem>>, vector<1x16xf32>,
      %swap3A_76 = vector.shape_cast %swap3A_75 : vector<1x16xf32> to vector<16xf32>
      %swap3A_77 = vector.shape_cast %broadcast_in_dim3A_0 : vector<16xf32> to vector<1x16xf32>
      tpu.vector_store %arg8[%swap3A_73, %swap3A_74], %swap3A_77 {strides = array<i32>} : memref<128x128xf32, #tpu.memory_space<vmem>>, vector<1x16xf32>,
      %scan3A_78 = arith.constant 0 : i32
      scf.yield %scan3A_78 : i32
    }
    %scan3A_6 = arith.constant 128 : i32
    %mul3A = arith.constant 640 : i32
    %mul3A_7 = arith.muli %arg1, %mul3A : i32
    %add3A = arith.constant 0 : i32
    %add3A_8 = arith.addi %mul3A_7, %add3A : i32
    "tpu.region"() ({
      %run_scoped3A = tpu.sem_alloc : memref<!tpu.dma_semaphore, #tpu.memory_space<semaphore_mem>>
      %dma_start3A = arith.constant 0 : i32
      %dma_start3A_37 = tpu.memref_slice %arg9[%add3A_8, %dma_start3A] : memref<10240x128xf32, #tpu.memory_space<vmem_shared>> -> memref<128x128xf32, #tpu.memory_space<vmem_shared>>
      %dma_start3A_38 = arith.constant 0 : i32
      %dma_start3A_39 = tpu.memref_slice %arg9[%add3A_8, %dma_start3A_38] : memref<10240x128xf32, #tpu.memory_space<vmem_shared>> -> memref<128x128xf32, #tpu.memory_space<vmem_shared>>
      tpu.enqueue_dma source(%arg8 : memref<128x128xf32, #tpu.memory_space<vmem>>) target(%dma_start3A_39 : memref<128x128xf32, #tpu.memory_space<vmem_shared>>) target_semaphore(%run_scoped3A : memref<!tpu.dma_semaphore, #tpu.memory_space<semaphore_mem>>)
      %dma_wait3A = arith.constant 0 : i32
      %dma_wait3A_40 = tpu.memref_slice %arg9[%add3A_8, %dma_wait3A] : memref<10240x128xf32, #tpu.memory_space<vmem_shared>> -> memref<128x128xf32, #tpu.memory_space<vmem_shared>>
      %dma_wait3A_41 = arith.constant 0 : i32
      %dma_wait3A_42 = tpu.memref_slice %arg9[%add3A_8, %dma_wait3A_41] : memref<10240x128xf32, #tpu.memory_space<vmem_shared>> -> memref<128x128xf32, #tpu.memory_space<vmem_shared>>
      tpu.wait_dma2 semaphore(%run_scoped3A : memref<!tpu.dma_semaphore, #tpu.memory_space<semaphore_mem>>) src(%arg8 : memref<128x128xf32, #tpu.memory_space<vmem>>) dst(%dma_wait3A_42 : memref<128x128xf32, #tpu.memory_space<vmem_shared>>)
      tpu.yield
    }) : () -> ()
    %mul3A_9 = arith.constant 640 : i32
    %mul3A_10 = arith.muli %arg1, %mul3A_9 : i32
    %add3A_11 = arith.constant 128 : i32
    %add3A_12 = arith.addi %mul3A_10, %add3A_11 : i32
    "tpu.region"() ({
      %run_scoped3A = tpu.sem_alloc : memref<!tpu.dma_semaphore, #tpu.memory_space<semaphore_mem>>
      %dma_start3A = arith.constant 0 : i32
      %dma_start3A_37 = tpu.memref_slice %arg9[%add3A_12, %dma_start3A] : memref<10240x128xf32, #tpu.memory_space<vmem_shared>> -> memref<128x128xf32, #tpu.memory_space<vmem_shared>>
      %dma_start3A_38 = arith.constant 0 : i32
      %dma_start3A_39 = tpu.memref_slice %arg9[%add3A_12, %dma_start3A_38] : memref<10240x128xf32, #tpu.memory_space<vmem_shared>> -> memref<128x128xf32, #tpu.memory_space<vmem_shared>>
      tpu.enqueue_dma source(%arg8 : memref<128x128xf32, #tpu.memory_space<vmem>>) target(%dma_start3A_39 : memref<128x128xf32, #tpu.memory_space<vmem_shared>>) target_semaphore(%run_scoped3A : memref<!tpu.dma_semaphore, #tpu.memory_space<semaphore_mem>>)
      %dma_wait3A = arith.constant 0 : i32
      %dma_wait3A_40 = tpu.memref_slice %arg9[%add3A_12, %dma_wait3A] : memref<10240x128xf32, #tpu.memory_space<vmem_shared>> -> memref<128x128xf32, #tpu.memory_space<vmem_shared>>
      %dma_wait3A_41 = arith.constant 0 : i32
      %dma_wait3A_42 = tpu.memref_slice %arg9[%add3A_12, %dma_wait3A_41] : memref<10240x128xf32, #tpu.memory_space<vmem_shared>> -> memref<128x128xf32, #tpu.memory_space<vmem_shared>>
      tpu.wait_dma2 semaphore(%run_scoped3A : memref<!tpu.dma_semaphore, #tpu.memory_space<semaphore_mem>>) src(%arg8 : memref<128x128xf32, #tpu.memory_space<vmem>>) dst(%dma_wait3A_42 : memref<128x128xf32, #tpu.memory_space<vmem_shared>>)
      tpu.yield
    }) : () -> ()
    %mul3A_13 = arith.constant 640 : i32
    %mul3A_14 = arith.muli %arg1, %mul3A_13 : i32
    %add3A_15 = arith.constant 256 : i32
    %add3A_16 = arith.addi %mul3A_14, %add3A_15 : i32
    "tpu.region"() ({
      %run_scoped3A = tpu.sem_alloc : memref<!tpu.dma_semaphore, #tpu.memory_space<semaphore_mem>>
      %dma_start3A = arith.constant 0 : i32
      %dma_start3A_37 = tpu.memref_slice %arg9[%add3A_16, %dma_start3A] : memref<10240x128xf32, #tpu.memory_space<vmem_shared>> -> memref<128x128xf32, #tpu.memory_space<vmem_shared>>
      %dma_start3A_38 = arith.constant 0 : i32
      %dma_start3A_39 = tpu.memref_slice %arg9[%add3A_16, %dma_start3A_38] : memref<10240x128xf32, #tpu.memory_space<vmem_shared>> -> memref<128x128xf32, #tpu.memory_space<vmem_shared>>
      tpu.enqueue_dma source(%arg8 : memref<128x128xf32, #tpu.memory_space<vmem>>) target(%dma_start3A_39 : memref<128x128xf32, #tpu.memory_space<vmem_shared>>) target_semaphore(%run_scoped3A : memref<!tpu.dma_semaphore, #tpu.memory_space<semaphore_mem>>)
      %dma_wait3A = arith.constant 0 : i32
      %dma_wait3A_40 = tpu.memref_slice %arg9[%add3A_16, %dma_wait3A] : memref<10240x128xf32, #tpu.memory_space<vmem_shared>> -> memref<128x128xf32, #tpu.memory_space<vmem_shared>>
      %dma_wait3A_41 = arith.constant 0 : i32
      %dma_wait3A_42 = tpu.memref_slice %arg9[%add3A_16, %dma_wait3A_41] : memref<10240x128xf32, #tpu.memory_space<vmem_shared>> -> memref<128x128xf32, #tpu.memory_space<vmem_shared>>
      tpu.wait_dma2 semaphore(%run_scoped3A : memref<!tpu.dma_semaphore, #tpu.memory_space<semaphore_mem>>) src(%arg8 : memref<128x128xf32, #tpu.memory_space<vmem>>) dst(%dma_wait3A_42 : memref<128x128xf32, #tpu.memory_space<vmem_shared>>)
      tpu.yield
    }) : () -> ()
    %mul3A_17 = arith.constant 640 : i32
    %mul3A_18 = arith.muli %arg1, %mul3A_17 : i32
    %add3A_19 = arith.constant 384 : i32
    %add3A_20 = arith.addi %mul3A_18, %add3A_19 : i32
    "tpu.region"() ({
      %run_scoped3A = tpu.sem_alloc : memref<!tpu.dma_semaphore, #tpu.memory_space<semaphore_mem>>
      %dma_start3A = arith.constant 0 : i32
      %dma_start3A_37 = tpu.memref_slice %arg9[%add3A_20, %dma_start3A] : memref<10240x128xf32, #tpu.memory_space<vmem_shared>> -> memref<128x128xf32, #tpu.memory_space<vmem_shared>>
      %dma_start3A_38 = arith.constant 0 : i32
      %dma_start3A_39 = tpu.memref_slice %arg9[%add3A_20, %dma_start3A_38] : memref<10240x128xf32, #tpu.memory_space<vmem_shared>> -> memref<128x128xf32, #tpu.memory_space<vmem_shared>>
      tpu.enqueue_dma source(%arg8 : memref<128x128xf32, #tpu.memory_space<vmem>>) target(%dma_start3A_39 : memref<128x128xf32, #tpu.memory_space<vmem_shared>>) target_semaphore(%run_scoped3A : memref<!tpu.dma_semaphore, #tpu.memory_space<semaphore_mem>>)
      %dma_wait3A = arith.constant 0 : i32
      %dma_wait3A_40 = tpu.memref_slice %arg9[%add3A_20, %dma_wait3A] : memref<10240x128xf32, #tpu.memory_space<vmem_shared>> -> memref<128x128xf32, #tpu.memory_space<vmem_shared>>
      %dma_wait3A_41 = arith.constant 0 : i32
      %dma_wait3A_42 = tpu.memref_slice %arg9[%add3A_20, %dma_wait3A_41] : memref<10240x128xf32, #tpu.memory_space<vmem_shared>> -> memref<128x128xf32, #tpu.memory_space<vmem_shared>>
      tpu.wait_dma2 semaphore(%run_scoped3A : memref<!tpu.dma_semaphore, #tpu.memory_space<semaphore_mem>>) src(%arg8 : memref<128x128xf32, #tpu.memory_space<vmem>>) dst(%dma_wait3A_42 : memref<128x128xf32, #tpu.memory_space<vmem_shared>>)
      tpu.yield
    }) : () -> ()
    %mul3A_21 = arith.constant 640 : i32
    %mul3A_22 = arith.muli %arg1, %mul3A_21 : i32
    %add3A_23 = arith.constant 512 : i32
    %add3A_24 = arith.addi %mul3A_22, %add3A_23 : i32
    "tpu.region"() ({
      %run_scoped3A = tpu.sem_alloc : memref<!tpu.dma_semaphore, #tpu.memory_space<semaphore_mem>>
      %dma_start3A = arith.constant 0 : i32
      %dma_start3A_37 = tpu.memref_slice %arg9[%add3A_24, %dma_start3A] : memref<10240x128xf32, #tpu.memory_space<vmem_shared>> -> memref<128x128xf32, #tpu.memory_space<vmem_shared>>
      %dma_start3A_38 = arith.constant 0 : i32
      %dma_start3A_39 = tpu.memref_slice %arg9[%add3A_24, %dma_start3A_38] : memref<10240x128xf32, #tpu.memory_space<vmem_shared>> -> memref<128x128xf32, #tpu.memory_space<vmem_shared>>
      tpu.enqueue_dma source(%arg8 : memref<128x128xf32, #tpu.memory_space<vmem>>) target(%dma_start3A_39 : memref<128x128xf32, #tpu.memory_space<vmem_shared>>) target_semaphore(%run_scoped3A : memref<!tpu.dma_semaphore, #tpu.memory_space<semaphore_mem>>)
      %dma_wait3A = arith.constant 0 : i32
      %dma_wait3A_40 = tpu.memref_slice %arg9[%add3A_24, %dma_wait3A] : memref<10240x128xf32, #tpu.memory_space<vmem_shared>> -> memref<128x128xf32, #tpu.memory_space<vmem_shared>>
      %dma_wait3A_41 = arith.constant 0 : i32
      %dma_wait3A_42 = tpu.memref_slice %arg9[%add3A_24, %dma_wait3A_41] : memref<10240x128xf32, #tpu.memory_space<vmem_shared>> -> memref<128x128xf32, #tpu.memory_space<vmem_shared>>
      tpu.wait_dma2 semaphore(%run_scoped3A : memref<!tpu.dma_semaphore, #tpu.memory_space<semaphore_mem>>) src(%arg8 : memref<128x128xf32, #tpu.memory_space<vmem>>) dst(%dma_wait3A_42 : memref<128x128xf32, #tpu.memory_space<vmem_shared>>)
      tpu.yield
    }) : () -> ()
    %barrier3A = arith.constant 0 : index
    tpu.barrier barrier_id(%barrier3A)
    %scan3A_25 = arith.constant 0 : i32
    %scan3A_26 = arith.constant 0 : i32
    %scan3A_27 = arith.constant 80 : i32
    %scan3A_28 = arith.addi %scan3A_26, %scan3A_27 : i32
    %scan3A_29 = arith.constant 1 : i32
    %scan3A_30 = scf.for %scan3A_37 = %scan3A_26 to %scan3A_28 step %scan3A_29 iter_args(%scan3A_38 = %scan3A_25) -> (i32)  : i32 {
      %dma_start3A = arith.constant 0 : i32
      %dma_start3A_39 = tpu.memref_slice %arg6[%scan3A_37, %dma_start3A] : memref<80x128xi32, #tpu.memory_space<vmem>> -> memref<1x128xi32, #tpu.memory_space<vmem>>
      %dma_start3A_40 = tpu.memref_squeeze %dma_start3A_39 : memref<1x128xi32, #tpu.memory_space<vmem>> -> memref<128xi32, #tpu.memory_space<vmem>>
      %dma_start3A_41 = arith.constant 0 : i32
      %dma_start3A_42 = arith.constant 0 : i32
      %dma_start3A_43 = tpu.memref_slice %arg2[%dma_start3A_41, %dma_start3A_42] : memref<10240x128xf32, #tpu.memory_space<hbm>> -> memref<10240x128xf32, #tpu.memory_space<hbm>>
      tpu.enqueue_indirect_dma source(%dma_start3A_43 : memref<10240x128xf32, #tpu.memory_space<hbm>>) target(%arg8 : memref<128x128xf32, #tpu.memory_space<vmem>>) offsets(%dma_start3A_40 : memref<128xi32, #tpu.memory_space<vmem>>) semaphore(%arg10 : memref<!tpu.dma_semaphore, #tpu.memory_space<semaphore_mem>>)
      %dma_wait3A = arith.constant 0 : i32
      %dma_wait3A_44 = tpu.memref_slice %arg6[%scan3A_37, %dma_wait3A] : memref<80x128xi32, #tpu.memory_space<vmem>> -> memref<1x128xi32, #tpu.memory_space<vmem>>
      %dma_wait3A_45 = tpu.memref_squeeze %dma_wait3A_44 : memref<1x128xi32, #tpu.memory_space<vmem>> -> memref<128xi32, #tpu.memory_space<vmem>>
      %dma_wait3A_46 = arith.constant 0 : i32
      %dma_wait3A_47 = arith.constant 0 : i32
      %dma_wait3A_48 = tpu.memref_slice %arg2[%dma_wait3A_46, %dma_wait3A_47] : memref<10240x128xf32, #tpu.memory_space<hbm>> -> memref<10240x128xf32, #tpu.memory_space<hbm>>
      tpu.wait_indirect_dma semaphore(%arg10 : memref<!tpu.dma_semaphore, #tpu.memory_space<semaphore_mem>>) src(%dma_wait3A_48 : memref<10240x128xf32, #tpu.memory_space<hbm>>) dst(%arg8 : memref<128x128xf32, #tpu.memory_space<vmem>>)
      %dma_start3A_49 = arith.constant 0 : i32
      %dma_start3A_50 = tpu.memref_slice %arg7[%scan3A_37, %dma_start3A_49] : memref<80x128xi32, #tpu.memory_space<vmem>> -> memref<1x128xi32, #tpu.memory_space<vmem>>
      %dma_start3A_51 = tpu.memref_squeeze %dma_start3A_50 : memref<1x128xi32, #tpu.memory_space<vmem>> -> memref<128xi32, #tpu.memory_space<vmem>>
      %dma_start3A_52 = arith.constant 0 : i32
      %dma_start3A_53 = arith.constant 0 : i32
      %dma_start3A_54 = tpu.memref_slice %arg9[%dma_start3A_52, %dma_start3A_53] : memref<10240x128xf32, #tpu.memory_space<vmem_shared>> -> memref<10240x128xf32, #tpu.memory_space<vmem_shared>>
      tpu.enqueue_indirect_dma source(%arg8 : memref<128x128xf32, #tpu.memory_space<vmem>>) target(%dma_start3A_54 : memref<10240x128xf32, #tpu.memory_space<vmem_shared>>) offsets(%dma_start3A_51 : memref<128xi32, #tpu.memory_space<vmem>>) semaphore(%arg11 : memref<!tpu.dma_semaphore, #tpu.memory_space<semaphore_mem>>) {add = true}
      %dma_wait3A_55 = arith.constant 0 : i32
      %dma_wait3A_56 = tpu.memref_slice %arg7[%scan3A_37, %dma_wait3A_55] : memref<80x128xi32, #tpu.memory_space<vmem>> -> memref<1x128xi32, #tpu.memory_space<vmem>>
      %dma_wait3A_57 = tpu.memref_squeeze %dma_wait3A_56 : memref<1x128xi32, #tpu.memory_space<vmem>> -> memref<128xi32, #tpu.memory_space<vmem>>
      %dma_wait3A_58 = arith.constant 0 : i32
      %dma_wait3A_59 = arith.constant 0 : i32
      %dma_wait3A_60 = tpu.memref_slice %arg9[%dma_wait3A_58, %dma_wait3A_59] : memref<10240x128xf32, #tpu.memory_space<vmem_shared>> -> memref<10240x128xf32, #tpu.memory_space<vmem_shared>>
      tpu.wait_indirect_dma semaphore(%arg11 : memref<!tpu.dma_semaphore, #tpu.memory_space<semaphore_mem>>) src(%arg8 : memref<128x128xf32, #tpu.memory_space<vmem>>) dst(%dma_wait3A_60 : memref<10240x128xf32, #tpu.memory_space<vmem_shared>>)
      %scan3A_61 = arith.constant 0 : i32
      scf.yield %scan3A_61 : i32
    }
    %scan3A_31 = arith.constant 80 : i32
    %barrier3A_32 = arith.constant 0 : index
    tpu.barrier barrier_id(%barrier3A_32)
    %mul3A_33 = arith.constant 640 : i32
    %mul3A_34 = arith.muli %arg1, %mul3A_33 : i32
    %mul3A_35 = arith.constant 640 : i32
    %mul3A_36 = arith.muli %arg1, %mul3A_35 : i32
    "tpu.region"() ({
      %run_scoped3A = tpu.sem_alloc : memref<!tpu.dma_semaphore, #tpu.memory_space<semaphore_mem>>
      %dma_start3A = arith.constant 0 : i32
      %dma_start3A_37 = tpu.memref_slice %arg5[%arg0, %mul3A_36, %dma_start3A] : memref<2x10240x128xf32, #tpu.memory_space<hbm>> -> memref<1x640x128xf32, #tpu.memory_space<hbm>>
      %dma_start3A_38 = tpu.memref_squeeze %dma_start3A_37 : memref<1x640x128xf32, #tpu.memory_space<hbm>> -> memref<640x128xf32, #tpu.memory_space<hbm>>
      %dma_start3A_39 = arith.constant 0 : i32
      %dma_start3A_40 = tpu.memref_slice %arg9[%mul3A_34, %dma_start3A_39] : memref<10240x128xf32, #tpu.memory_space<vmem_shared>> -> memref<640x128xf32, #tpu.memory_space<vmem_shared>>
      tpu.enqueue_dma source(%dma_start3A_40 : memref<640x128xf32, #tpu.memory_space<vmem_shared>>) target(%dma_start3A_38 : memref<640x128xf32, #tpu.memory_space<hbm>>) target_semaphore(%run_scoped3A : memref<!tpu.dma_semaphore, #tpu.memory_space<semaphore_mem>>)
      %dma_wait3A = arith.constant 0 : i32
      %dma_wait3A_41 = tpu.memref_slice %arg5[%arg0, %mul3A_36, %dma_wait3A] : memref<2x10240x128xf32, #tpu.memory_space<hbm>> -> memref<1x640x128xf32, #tpu.memory_space<hbm>>
      %dma_wait3A_42 = tpu.memref_squeeze %dma_wait3A_41 : memref<1x640x128xf32, #tpu.memory_space<hbm>> -> memref<640x128xf32, #tpu.memory_space<hbm>>
      %dma_wait3A_43 = arith.constant 0 : i32
      %dma_wait3A_44 = tpu.memref_slice %arg9[%mul3A_34, %dma_wait3A_43] : memref<10240x128xf32, #tpu.memory_space<vmem_shared>> -> memref<640x128xf32, #tpu.memory_space<vmem_shared>>
      tpu.wait_dma2 semaphore(%run_scoped3A : memref<!tpu.dma_semaphore, #tpu.memory_space<semaphore_mem>>) src(%dma_wait3A_44 : memref<640x128xf32, #tpu.memory_space<vmem_shared>>) dst(%dma_wait3A_42 : memref<640x128xf32, #tpu.memory_space<hbm>>)
      tpu.yield
    }) : () -> ()
    return
  }
}

module attributes {stable_mosaic.version = 14 : i64} {
  func.func @_mm0_body(%arg0: i32, %arg1: memref<1024x128xf32, #tpu.memory_space<vmem>>, %arg2: memref<128x128xf32, #tpu.memory_space<vmem>>, %arg3: memref<1x128xf32, #tpu.memory_space<vmem>>, %arg4: memref<128x128xf32, #tpu.memory_space<vmem>>, %arg5: memref<1024x128xf32, #tpu.memory_space<vmem>>, %arg6: memref<1024x128xf32, #tpu.memory_space<vmem>>) attributes {dimension_semantics = [#tpu.dimension_semantics<arbitrary>], iteration_bounds = array<i64: 10>, scalar_prefetch = 0 : i64, scratch_operands = 0 : i64, tpu.core_type = #tpu.core_type<tc>, window_params = [{transform_indices = @transform_0, window_bounds = array<i64: 1024, 128>}, {pipeline_mode = #tpu.pipeline_mode<synchronous>, transform_indices = @transform_1, window_bounds = array<i64: 128, 128>}, {pipeline_mode = #tpu.pipeline_mode<synchronous>, transform_indices = @transform_2, window_bounds = array<i64: 1, 128>}, {pipeline_mode = #tpu.pipeline_mode<synchronous>, transform_indices = @transform_3, window_bounds = array<i64: 128, 128>}, {transform_indices = @transform_4, window_bounds = array<i64: 1024, 128>}, {transform_indices = @transform_5, window_bounds = array<i64: 1024, 128>}]} {
    %get3A = arith.constant 0 : index
    %get3A_0 = arith.constant 0 : index
    %get3A_1 = vector.load %arg1[%get3A, %get3A_0] : memref<1024x128xf32, #tpu.memory_space<vmem>>, vector<1024x128xf32>
    %get3A_2 = arith.constant 0 : index
    %get3A_3 = arith.constant 0 : index
    %get3A_4 = vector.load %arg2[%get3A_2, %get3A_3] : memref<128x128xf32, #tpu.memory_space<vmem>>, vector<128x128xf32>
    %dot_general3A = arith.constant dense<0.000000e+00> : vector<1024x128xf32>
    %dot_general3A_5 = tpu.matmul %get3A_1, %get3A_4, %dot_general3A {dimension_numbers = #tpu.dot_dimension_numbers<[1], [0], [0], [1], [0, 0, 1, 1], [], []>, transpose_lhs_hint = false} : vector<1024x128xf32>, vector<128x128xf32>, vector<1024x128xf32> -> vector<1024x128xf32>
    %get3A_6 = arith.constant 0 : index
    %get3A_7 = arith.constant 0 : index
    %get3A_8 = vector.load %arg3[%get3A_6, %get3A_7] : memref<1x128xf32, #tpu.memory_space<vmem>>, vector<1x128xf32>
    %add3A = vector.broadcast %get3A_8 : vector<1x128xf32> to vector<1024x128xf32>
    %add3A_9 = arith.addf %dot_general3A_5, %add3A : vector<1024x128xf32>
    %swap3A = arith.constant 0 : index
    %swap3A_10 = arith.constant 0 : index
    %swap3A_11 = vector.load %arg5[%swap3A, %swap3A_10] : memref<1024x128xf32, #tpu.memory_space<vmem>>, vector<1024x128xf32>
    tpu.vector_store %arg5[%swap3A, %swap3A_10], %add3A_9 {strides = array<i32>} : memref<1024x128xf32, #tpu.memory_space<vmem>>, vector<1024x128xf32>,
    %get3A_12 = arith.constant 0 : index
    %get3A_13 = arith.constant 0 : index
    %get3A_14 = vector.load %arg4[%get3A_12, %get3A_13] : memref<128x128xf32, #tpu.memory_space<vmem>>, vector<128x128xf32>
    %dot_general3A_15 = arith.constant dense<0.000000e+00> : vector<1024x128xf32>
    %dot_general3A_16 = tpu.matmul %add3A_9, %get3A_14, %dot_general3A_15 {dimension_numbers = #tpu.dot_dimension_numbers<[1], [0], [0], [1], [0, 0, 1, 1], [], []>, transpose_lhs_hint = false} : vector<1024x128xf32>, vector<128x128xf32>, vector<1024x128xf32> -> vector<1024x128xf32>
    %swap3A_17 = arith.constant 0 : index
    %swap3A_18 = arith.constant 0 : index
    %swap3A_19 = vector.load %arg6[%swap3A_17, %swap3A_18] : memref<1024x128xf32, #tpu.memory_space<vmem>>, vector<1024x128xf32>
    tpu.vector_store %arg6[%swap3A_17, %swap3A_18], %dot_general3A_16 {strides = array<i32>} : memref<1024x128xf32, #tpu.memory_space<vmem>>, vector<1024x128xf32>,
    return
  }
  func.func @transform_0(%arg0: i32) -> (i32, i32) {
    %c0_i32 = arith.constant 0 : i32
    %c0_i32_0 = arith.constant 0 : i32
    return %arg0, %c0_i32 : i32, i32
  }
  func.func @transform_1(%arg0: i32) -> (i32, i32) {
    %c0_i32 = arith.constant 0 : i32
    %c0_i32_0 = arith.constant 0 : i32
    %c0_i32_1 = arith.constant 0 : i32
    return %c0_i32, %c0_i32_0 : i32, i32
  }
  func.func @transform_2(%arg0: i32) -> (i32, i32) {
    %c0_i32 = arith.constant 0 : i32
    %c0_i32_0 = arith.constant 0 : i32
    %c0_i32_1 = arith.constant 0 : i32
    return %c0_i32, %c0_i32_0 : i32, i32
  }
  func.func @transform_3(%arg0: i32) -> (i32, i32) {
    %c0_i32 = arith.constant 0 : i32
    %c0_i32_0 = arith.constant 0 : i32
    %c0_i32_1 = arith.constant 0 : i32
    return %c0_i32, %c0_i32_0 : i32, i32
  }
  func.func @transform_4(%arg0: i32) -> (i32, i32) {
    %c0_i32 = arith.constant 0 : i32
    %c0_i32_0 = arith.constant 0 : i32
    return %arg0, %c0_i32 : i32, i32
  }
  func.func @transform_5(%arg0: i32) -> (i32, i32) {
    %c0_i32 = arith.constant 0 : i32
    %c0_i32_0 = arith.constant 0 : i32
    return %arg0, %c0_i32 : i32, i32
  }
}

module attributes {stable_mosaic.version = 14 : i64} {
  func.func @_combine_body(%arg0: i32, %arg1: memref<1024x128xf32, #tpu.memory_space<vmem>>, %arg2: memref<2x1024x128xf32, #tpu.memory_space<vmem>>, %arg3: memref<1024x1xf32, #tpu.memory_space<vmem>>, %arg4: memref<1x128xf32, #tpu.memory_space<vmem>>, %arg5: memref<128x128xf32, #tpu.memory_space<vmem>>, %arg6: memref<1024x128xf32, #tpu.memory_space<vmem>>, %arg7: memref<1024x128xf32, #tpu.memory_space<vmem>>) attributes {dimension_semantics = [#tpu.dimension_semantics<arbitrary>], iteration_bounds = array<i64: 10>, scalar_prefetch = 0 : i64, scratch_operands = 0 : i64, tpu.core_type = #tpu.core_type<tc>, window_params = [{transform_indices = @transform_0, window_bounds = array<i64: 1024, 128>}, {transform_indices = @transform_1, window_bounds = array<i64: 2, 1024, 128>}, {transform_indices = @transform_2, window_bounds = array<i64: 1024, 1>}, {pipeline_mode = #tpu.pipeline_mode<synchronous>, transform_indices = @transform_3, window_bounds = array<i64: 1, 128>}, {pipeline_mode = #tpu.pipeline_mode<synchronous>, transform_indices = @transform_4, window_bounds = array<i64: 128, 128>}, {transform_indices = @transform_5, window_bounds = array<i64: 1024, 128>}, {transform_indices = @transform_6, window_bounds = array<i64: 1024, 128>}]} {
    %get3A = arith.constant 0 : index
    %get3A_0 = arith.constant 0 : index
    %get3A_1 = vector.load %arg1[%get3A, %get3A_0] : memref<1024x128xf32, #tpu.memory_space<vmem>>, vector<1024x128xf32>
    %get3A_2 = arith.constant 0 : index
    %get3A_3 = arith.constant 0 : index
    %get3A_4 = arith.constant 0 : index
    %get3A_5 = vector.load %arg2[%get3A_2, %get3A_3, %get3A_4] : memref<2x1024x128xf32, #tpu.memory_space<vmem>>, vector<2x1024x128xf32>
    %get3A_6 = arith.constant 0 : index
    %get3A_7 = arith.constant 0 : index
    %get3A_8 = vector.load %arg3[%get3A_6, %get3A_7] : memref<1024x1xf32, #tpu.memory_space<vmem>>, vector<1024x1xf32>
    %get3A_9 = arith.constant 0 : index
    %get3A_10 = arith.constant 0 : index
    %get3A_11 = vector.load %arg4[%get3A_9, %get3A_10] : memref<1x128xf32, #tpu.memory_space<vmem>>, vector<1x128xf32>
    %slice3A = vector.extract_strided_slice %get3A_5 {offsets = [0, 0, 0], sizes = [1, 1024, 128], strides = [1, 1, 1]} : vector<2x1024x128xf32> to vector<1x1024x128xf32>
    %squeeze3A = vector.shape_cast %slice3A : vector<1x1024x128xf32> to vector<1024x128xf32>
    %slice3A_12 = vector.extract_strided_slice %get3A_5 {offsets = [1, 0, 0], sizes = [1, 1024, 128], strides = [1, 1, 1]} : vector<2x1024x128xf32> to vector<1x1024x128xf32>
    %squeeze3A_13 = vector.shape_cast %slice3A_12 : vector<1x1024x128xf32> to vector<1024x128xf32>
    %add3A = arith.addf %squeeze3A, %squeeze3A_13 : vector<1024x128xf32>
    %max3A = arith.constant 1.000000e+00 : f32
    %max3A_14 = vector.broadcast %max3A : f32 to vector<1024x1xf32>
    %max3A_15 = arith.maximumf %get3A_8, %max3A_14 : vector<1024x1xf32>
    %div3A = arith.constant 1.000000e+00 : f32
    %div3A_16 = vector.broadcast %div3A : f32 to vector<1024x1xf32>
    %div3A_17 = arith.divf %div3A_16, %max3A_15 : vector<1024x1xf32>
    %min3A = arith.constant 1.000000e+00 : f32
    %min3A_18 = vector.broadcast %min3A : f32 to vector<1024x1xf32>
    %min3A_19 = arith.minimumf %get3A_8, %min3A_18 : vector<1024x1xf32>
    %mul3A = vector.broadcast %div3A_17 : vector<1024x1xf32> to vector<1024x128xf32>
    %mul3A_20 = arith.mulf %add3A, %mul3A : vector<1024x128xf32>
    %add3A_21 = arith.addf %get3A_1, %mul3A_20 : vector<1024x128xf32>
    %mul3A_22 = vector.broadcast %min3A_19 : vector<1024x1xf32> to vector<1024x128xf32>
    %mul3A_23 = vector.broadcast %get3A_11 : vector<1x128xf32> to vector<1024x128xf32>
    %mul3A_24 = arith.mulf %mul3A_22, %mul3A_23 : vector<1024x128xf32>
    %add3A_25 = arith.addf %add3A_21, %mul3A_24 : vector<1024x128xf32>
    %max3A_26 = arith.constant 0.000000e+00 : f32
    %max3A_27 = vector.broadcast %max3A_26 : f32 to vector<1024x128xf32>
    %max3A_28 = arith.maximumf %add3A_25, %max3A_27 : vector<1024x128xf32>
    %swap3A = arith.constant 0 : index
    %swap3A_29 = arith.constant 0 : index
    %swap3A_30 = vector.load %arg6[%swap3A, %swap3A_29] : memref<1024x128xf32, #tpu.memory_space<vmem>>, vector<1024x128xf32>
    tpu.vector_store %arg6[%swap3A, %swap3A_29], %max3A_28 {strides = array<i32>} : memref<1024x128xf32, #tpu.memory_space<vmem>>, vector<1024x128xf32>,
    %get3A_31 = arith.constant 0 : index
    %get3A_32 = arith.constant 0 : index
    %get3A_33 = vector.load %arg5[%get3A_31, %get3A_32] : memref<128x128xf32, #tpu.memory_space<vmem>>, vector<128x128xf32>
    %dot_general3A = arith.constant dense<0.000000e+00> : vector<1024x128xf32>
    %dot_general3A_34 = tpu.matmul %add3A_25, %get3A_33, %dot_general3A {dimension_numbers = #tpu.dot_dimension_numbers<[1], [0], [0], [1], [0, 0, 1, 1], [], []>, transpose_lhs_hint = false} : vector<1024x128xf32>, vector<128x128xf32>, vector<1024x128xf32> -> vector<1024x128xf32>
    %swap3A_35 = arith.constant 0 : index
    %swap3A_36 = arith.constant 0 : index
    %swap3A_37 = vector.load %arg7[%swap3A_35, %swap3A_36] : memref<1024x128xf32, #tpu.memory_space<vmem>>, vector<1024x128xf32>
    tpu.vector_store %arg7[%swap3A_35, %swap3A_36], %dot_general3A_34 {strides = array<i32>} : memref<1024x128xf32, #tpu.memory_space<vmem>>, vector<1024x128xf32>,
    return
  }
  func.func @transform_0(%arg0: i32) -> (i32, i32) {
    %c0_i32 = arith.constant 0 : i32
    %c0_i32_0 = arith.constant 0 : i32
    return %arg0, %c0_i32 : i32, i32
  }
  func.func @transform_1(%arg0: i32) -> (i32, i32, i32) {
    %c0_i32 = arith.constant 0 : i32
    %c0_i32_0 = arith.constant 0 : i32
    %c0_i32_1 = arith.constant 0 : i32
    return %c0_i32, %arg0, %c0_i32_0 : i32, i32, i32
  }
  func.func @transform_2(%arg0: i32) -> (i32, i32) {
    %c0_i32 = arith.constant 0 : i32
    %c0_i32_0 = arith.constant 0 : i32
    return %arg0, %c0_i32 : i32, i32
  }
  func.func @transform_3(%arg0: i32) -> (i32, i32) {
    %c0_i32 = arith.constant 0 : i32
    %c0_i32_0 = arith.constant 0 : i32
    %c0_i32_1 = arith.constant 0 : i32
    return %c0_i32, %c0_i32_0 : i32, i32
  }
  func.func @transform_4(%arg0: i32) -> (i32, i32) {
    %c0_i32 = arith.constant 0 : i32
    %c0_i32_0 = arith.constant 0 : i32
    %c0_i32_1 = arith.constant 0 : i32
    return %c0_i32, %c0_i32_0 : i32, i32
  }
  func.func @transform_5(%arg0: i32) -> (i32, i32) {
    %c0_i32 = arith.constant 0 : i32
    %c0_i32_0 = arith.constant 0 : i32
    return %arg0, %c0_i32 : i32, i32
  }
  func.func @transform_6(%arg0: i32) -> (i32, i32) {
    %c0_i32 = arith.constant 0 : i32
    %c0_i32_0 = arith.constant 0 : i32
    return %arg0, %c0_i32 : i32, i32
  }
}

module attributes {stable_mosaic.version = 14 : i64} {
  func.func @_combine3_body(%arg0: i32, %arg1: memref<1024x128xf32, #tpu.memory_space<vmem>>, %arg2: memref<2x1024x128xf32, #tpu.memory_space<vmem>>, %arg3: memref<1024x1xf32, #tpu.memory_space<vmem>>, %arg4: memref<1x128xf32, #tpu.memory_space<vmem>>, %arg5: memref<1024x128xf32, #tpu.memory_space<vmem>>, %arg6: memref<1024x128xf32, #tpu.memory_space<vmem>>, %arg7: memref<1024x128xf32, #tpu.memory_space<vmem>>, %arg8: memref<1024x128xf32, #tpu.memory_space<vmem>>) attributes {dimension_semantics = [#tpu.dimension_semantics<arbitrary>], iteration_bounds = array<i64: 10>, scalar_prefetch = 0 : i64, scratch_operands = 0 : i64, tpu.core_type = #tpu.core_type<tc>, window_params = [{transform_indices = @transform_0, window_bounds = array<i64: 1024, 128>}, {transform_indices = @transform_1, window_bounds = array<i64: 2, 1024, 128>}, {transform_indices = @transform_2, window_bounds = array<i64: 1024, 1>}, {pipeline_mode = #tpu.pipeline_mode<synchronous>, transform_indices = @transform_3, window_bounds = array<i64: 1, 128>}, {transform_indices = @transform_4, window_bounds = array<i64: 1024, 128>}, {transform_indices = @transform_5, window_bounds = array<i64: 1024, 128>}, {transform_indices = @transform_6, window_bounds = array<i64: 1024, 128>}, {transform_indices = @transform_7, window_bounds = array<i64: 1024, 128>}]} {
    %get3A = arith.constant 0 : index
    %get3A_0 = arith.constant 0 : index
    %get3A_1 = vector.load %arg1[%get3A, %get3A_0] : memref<1024x128xf32, #tpu.memory_space<vmem>>, vector<1024x128xf32>
    %get3A_2 = arith.constant 0 : index
    %get3A_3 = arith.constant 0 : index
    %get3A_4 = arith.constant 0 : index
    %get3A_5 = vector.load %arg2[%get3A_2, %get3A_3, %get3A_4] : memref<2x1024x128xf32, #tpu.memory_space<vmem>>, vector<2x1024x128xf32>
    %get3A_6 = arith.constant 0 : index
    %get3A_7 = arith.constant 0 : index
    %get3A_8 = vector.load %arg3[%get3A_6, %get3A_7] : memref<1024x1xf32, #tpu.memory_space<vmem>>, vector<1024x1xf32>
    %get3A_9 = arith.constant 0 : index
    %get3A_10 = arith.constant 0 : index
    %get3A_11 = vector.load %arg4[%get3A_9, %get3A_10] : memref<1x128xf32, #tpu.memory_space<vmem>>, vector<1x128xf32>
    %slice3A = vector.extract_strided_slice %get3A_5 {offsets = [0, 0, 0], sizes = [1, 1024, 128], strides = [1, 1, 1]} : vector<2x1024x128xf32> to vector<1x1024x128xf32>
    %squeeze3A = vector.shape_cast %slice3A : vector<1x1024x128xf32> to vector<1024x128xf32>
    %slice3A_12 = vector.extract_strided_slice %get3A_5 {offsets = [1, 0, 0], sizes = [1, 1024, 128], strides = [1, 1, 1]} : vector<2x1024x128xf32> to vector<1x1024x128xf32>
    %squeeze3A_13 = vector.shape_cast %slice3A_12 : vector<1x1024x128xf32> to vector<1024x128xf32>
    %add3A = arith.addf %squeeze3A, %squeeze3A_13 : vector<1024x128xf32>
    %max3A = arith.constant 1.000000e+00 : f32
    %max3A_14 = vector.broadcast %max3A : f32 to vector<1024x1xf32>
    %max3A_15 = arith.maximumf %get3A_8, %max3A_14 : vector<1024x1xf32>
    %div3A = arith.constant 1.000000e+00 : f32
    %div3A_16 = vector.broadcast %div3A : f32 to vector<1024x1xf32>
    %div3A_17 = arith.divf %div3A_16, %max3A_15 : vector<1024x1xf32>
    %min3A = arith.constant 1.000000e+00 : f32
    %min3A_18 = vector.broadcast %min3A : f32 to vector<1024x1xf32>
    %min3A_19 = arith.minimumf %get3A_8, %min3A_18 : vector<1024x1xf32>
    %mul3A = vector.broadcast %div3A_17 : vector<1024x1xf32> to vector<1024x128xf32>
    %mul3A_20 = arith.mulf %add3A, %mul3A : vector<1024x128xf32>
    %add3A_21 = arith.addf %get3A_1, %mul3A_20 : vector<1024x128xf32>
    %mul3A_22 = vector.broadcast %min3A_19 : vector<1024x1xf32> to vector<1024x128xf32>
    %mul3A_23 = vector.broadcast %get3A_11 : vector<1x128xf32> to vector<1024x128xf32>
    %mul3A_24 = arith.mulf %mul3A_22, %mul3A_23 : vector<1024x128xf32>
    %add3A_25 = arith.addf %add3A_21, %mul3A_24 : vector<1024x128xf32>
    %max3A_26 = arith.constant 0.000000e+00 : f32
    %max3A_27 = vector.broadcast %max3A_26 : f32 to vector<1024x128xf32>
    %max3A_28 = arith.maximumf %add3A_25, %max3A_27 : vector<1024x128xf32>
    %swap3A = arith.constant 0 : index
    %swap3A_29 = arith.constant 0 : index
    %swap3A_30 = vector.load %arg7[%swap3A, %swap3A_29] : memref<1024x128xf32, #tpu.memory_space<vmem>>, vector<1024x128xf32>
    tpu.vector_store %arg7[%swap3A, %swap3A_29], %max3A_28 {strides = array<i32>} : memref<1024x128xf32, #tpu.memory_space<vmem>>, vector<1024x128xf32>,
    %get3A_31 = arith.constant 0 : index
    %get3A_32 = arith.constant 0 : index
    %get3A_33 = vector.load %arg5[%get3A_31, %get3A_32] : memref<1024x128xf32, #tpu.memory_space<vmem>>, vector<1024x128xf32>
    %get3A_34 = arith.constant 0 : index
    %get3A_35 = arith.constant 0 : index
    %get3A_36 = vector.load %arg6[%get3A_34, %get3A_35] : memref<1024x128xf32, #tpu.memory_space<vmem>>, vector<1024x128xf32>
    %max3A_37 = arith.maximumf %get3A_33, %get3A_36 : vector<1024x128xf32>
    %max3A_38 = arith.maximumf %max3A_37, %max3A_28 : vector<1024x128xf32>
    %swap3A_39 = arith.constant 0 : index
    %swap3A_40 = arith.constant 0 : index
    %swap3A_41 = vector.load %arg8[%swap3A_39, %swap3A_40] : memref<1024x128xf32, #tpu.memory_space<vmem>>, vector<1024x128xf32>
    tpu.vector_store %arg8[%swap3A_39, %swap3A_40], %max3A_38 {strides = array<i32>} : memref<1024x128xf32, #tpu.memory_space<vmem>>, vector<1024x128xf32>,
    return
  }
  func.func @transform_0(%arg0: i32) -> (i32, i32) {
    %c0_i32 = arith.constant 0 : i32
    %c0_i32_0 = arith.constant 0 : i32
    return %arg0, %c0_i32 : i32, i32
  }
  func.func @transform_1(%arg0: i32) -> (i32, i32, i32) {
    %c0_i32 = arith.constant 0 : i32
    %c0_i32_0 = arith.constant 0 : i32
    %c0_i32_1 = arith.constant 0 : i32
    return %c0_i32, %arg0, %c0_i32_0 : i32, i32, i32
  }
  func.func @transform_2(%arg0: i32) -> (i32, i32) {
    %c0_i32 = arith.constant 0 : i32
    %c0_i32_0 = arith.constant 0 : i32
    return %arg0, %c0_i32 : i32, i32
  }
  func.func @transform_3(%arg0: i32) -> (i32, i32) {
    %c0_i32 = arith.constant 0 : i32
    %c0_i32_0 = arith.constant 0 : i32
    %c0_i32_1 = arith.constant 0 : i32
    return %c0_i32, %c0_i32_0 : i32, i32
  }
  func.func @transform_4(%arg0: i32) -> (i32, i32) {
    %c0_i32 = arith.constant 0 : i32
    %c0_i32_0 = arith.constant 0 : i32
    return %arg0, %c0_i32 : i32, i32
  }
  func.func @transform_5(%arg0: i32) -> (i32, i32) {
    %c0_i32 = arith.constant 0 : i32
    %c0_i32_0 = arith.constant 0 : i32
    return %arg0, %c0_i32 : i32, i32
  }
  func.func @transform_6(%arg0: i32) -> (i32, i32) {
    %c0_i32 = arith.constant 0 : i32
    %c0_i32_0 = arith.constant 0 : i32
    return %arg0, %c0_i32 : i32, i32
  }
  func.func @transform_7(%arg0: i32) -> (i32, i32) {
    %c0_i32 = arith.constant 0 : i32
    %c0_i32_0 = arith.constant 0 : i32
    return %arg0, %c0_i32 : i32, i32
  }
}

</mosaic_0001>

<sc_bundles>
// kernel: kernel.11.cloned.1.call-start
scs
__scs_entry_jumppad:
0x0: {  	(pc) =	sbr.rel $0x88, $3  }
0x1: {  	(tag) =	ssettag $0x0;
	lr =	simm.s32 $0x1  }
0x2: {  	[smem:$0x3F9A] =	sst lr;
	_ =	strace $0xD0000000  }
0x3: {  	_ = 	snop  }
0x4: {  	_ = 	snop  }
0x5: {  	_ = 	snop  }
0x6: {  	_ = 	snop  }
0x7: {  	_ = 	snop  }
__scs_overlays_trampoline_lowered:
0x8: {  	[smem:$0x3FA9] =	sst s0  }
0x9: {  	[smem:$0x3FAA] =	sst s1  }
0xa: {  	[smem:$0x3FAB] =	sst s2  }
0xb: {  	[smem:$0x3FAC] =	sst s3  }
0xc: {  	[smem:$0x3FAD] =	sst s4  }
0xd: {  	[smem:$0x3FAE] =	sst s5  }
0xe: {  	[smem:$0x3FAF] =	sst s6  }
0xf: {  	[smem:$0x3FB0] =	sst s7  }
0x10: {  	[smem:$0x3FB1] =	sst s8  }
0x11: {  	[smem:$0x3FB2] =	sst s9;
	s0 =	simm.s32 @!p0 $0x0  }
0x12: {  	s1 =	sld [smem:$0x3F98];
	s0 =	simm.s32 @p0 $0x1  }
0x13: {  	[smem:$0x3FB3] =	sst s0;
	s0 =	simm.s32 @!p1 $0x0  }
0x14: {  	s2 =	sld [smem:$0x3F97];
	s0 =	simm.s32 @p1 $0x1  }
0x15: {  	[smem:$0x3FB4] =	sst s0;
	s0 =	simm.s32 @!p2 $0x0  }
0x16: {  	s3 =	sld [smem:$0x3FDB];
	s0 =	simm.s32 @p2 $0x1  }
0x17: {  	s4 =	simm.s32 $0x1BF5;
	[smem:$0x3FB6] =	sst s0  }
0x18: {  	s0 =	sld [smem:$0x3F99];
	_ =	swait.ge [sflag:s4], $0x0  }
0x19: {  	s7 =	sld [smem:$0x3F9A]  }
0x1a: {  	s8 =	sadd.s32 $0xFFFFE003, lr  }
0x1b: {  	s9 =	sadd.s32 $0xFFFFFEF7, lr;
	s5 =	simm.s32 $0xFFFFFFFF;
	p2 =	slt.u32 s8, $0xFFFFF086  }
0x1c: {  	p1 =	slt.u32 s9, $0xF7A;
	s5 =	simm.s32 @!p2 $0x0  }
0x1d: {  	s5 =	simm.s32 @p1 $0x1;
	p0 =	seq.s32 s7, s2  }
0x1e: {  	s7 =	smul.u32 @!p0 $0xF7A, s2;
	p2 =	seq.s32 @!p0 s5, $0x0  }
0x1f: {  	s9 =	smul.u32 $0xF7A, s1;
	s8 =	simm.s32 @!p0 $0x1BF5;
	p2 =	por !p2, p0  }
0x20: {  	[sflag:s8] =	ssyncset.s32 @!p0 $0xFFFFF086;
	s6 =	sadd.s32 @!p0 s3, s7;
	s7 =	simm.s32 @!p0 $0x108  }
0x21: {  	s3 =	sadd.s32 s3, s9;
	s6 =	sadd.s32 @!p0 $0x88, s6;
	s7 =	simm.s32 @p2 $0x1082  }
0x22: {  	[simem:s7], [sflag:s8] =	dma.local @!p0 [hbm:s6], $0xF7A  }
0x23: {  	s9 =	sor.u32 $0xD0000000, s2;
	s6 =	simm.s32 $0x108;
	_ =	swait.ge @!p0 [sflag:s8], $0x0  }
0x24: {  	s3 =	sadd.s32 $0x88, s3;
	s6 =	simm.s32 @!p1 $0x1082;
	[sflag:s4] =	ssyncset.s32 $0xFFFFF086  }
0x25: {  	[simem:s6], [sflag:s4] =	dma.local [hbm:s3], $0xF7A  }
0x26: {  	[smem:$0x3F9A] =	sst s1;
	(tag) =	ssettag s2;
	_ =	strace s9  }
0x27: {  	s1 =	sld [smem:$0x3FAA]  }
0x28: {  	s2 =	sld [smem:$0x3FAB]  }
0x29: {  	s4 =	sld [smem:$0x3FAD]  }
0x2a: {  	p0 =	seq.s32 s5, $0x0;
	s5 =	sld [smem:$0x3FAE]  }
0x2b: {  	s6 =	sld [smem:$0x3FAF]  }
0x2c: {  	s7 =	sld [smem:$0x3FB0]  }
0x2d: {  	s3 =	simm.s32 $0x108;
	s8 =	sld [smem:$0x3FB1]  }
0x2e: {  	s3 =	simm.s32 @!p0 $0x1082;
	s9 =	sld [smem:$0x3FB2]  }
0x2f: {  	lr =	sadd.s32 s0, s3;
	s0 =	sld [smem:$0x3FA9]  }
0x30: {  	s3 =	sld [smem:$0x3FAC]  }
0x31: {  	[smem:$0x3FB5] =	sst s10  }
0x32: {  	s10 =	sld [smem:$0x3FB3];
	_ =	sdelay $0x3  }
0x33: {  	p0 =	seq.s32 s10, $0x1;
	s10 =	sld [smem:$0x3FB5];
	_ =	sdelay $0x3  }
0x34: {  	[smem:$0x3FB5] =	sst s10  }
0x35: {  	s10 =	sld [smem:$0x3FB4];
	_ =	sdelay $0x3  }
0x36: {  	p1 =	seq.s32 s10, $0x1;
	s10 =	sld [smem:$0x3FB5];
	_ =	sdelay $0x3  }
0x37: {  	[smem:$0x3FB5] =	sst s10  }
0x38: {  	s10 =	sld [smem:$0x3FB6]  }
0x39: {  	_ = 	snop;
	(pc) =	sbr.ind lr, $3  }
0x3a: {  	_ = 	snop  }
0x3b: {  	_ = 	snop  }
0x3c: {  	p2 =	seq.s32 s10, $0x1;
	s10 =	sld [smem:$0x3FB5]  }
0x3d: {  	_ =	shalt  }
0x3e: {  	_ =	shalt  }
0x3f: {  	_ =	shalt  }
0x40: {  	_ =	shalt  }
0x41: {  	_ =	shalt  }
0x42: {  	_ =	shalt  }
0x43: {  	_ =	shalt  }
0x44: {  	_ =	shalt  }
0x45: {  	_ =	shalt  }
0x46: {  	_ =	shalt  }
0x47: {  	_ =	shalt  }
0x48: {  	_ =	shalt  }
0x49: {  	_ =	shalt  }
0x4a: {  	_ =	shalt  }
0x4b: {  	_ =	shalt  }
0x4c: {  	_ =	shalt  }
0x4d: {  	_ =	shalt  }
0x4e: {  	_ =	shalt  }
0x4f: {  	_ =	shalt  }
0x50: {  	_ =	shalt  }
0x51: {  	_ =	shalt  }
0x52: {  	_ =	shalt  }
0x53: {  	_ =	shalt  }
0x54: {  	_ =	shalt  }
0x55: {  	_ =	shalt  }
0x56: {  	_ =	shalt  }
0x57: {  	_ =	shalt  }
0x58: {  	_ =	shalt  }
0x59: {  	_ =	shalt  }
0x5a: {  	_ =	shalt  }
0x5b: {  	_ =	shalt  }
0x5c: {  	_ =	shalt  }
0x5d: {  	_ =	shalt  }
0x5e: {  	_ =	shalt  }
0x5f: {  	_ =	shalt  }
0x60: {  	_ =	shalt  }
0x61: {  	_ =	shalt  }
0x62: {  	_ =	shalt  }
0x63: {  	_ =	shalt  }
0x64: {  	_ =	shalt  }
0x65: {  	_ =	shalt  }
0x66: {  	_ =	shalt  }
0x67: {  	_ =	shalt  }
0x68: {  	_ =	shalt  }
0x69: {  	_ =	shalt  }
0x6a: {  	_ =	shalt  }
0x6b: {  	_ =	shalt  }
0x6c: {  	_ =	shalt  }
0x6d: {  	_ =	shalt  }
0x6e: {  	_ =	shalt  }
0x6f: {  	_ =	shalt  }
0x70: {  	_ =	shalt  }
0x71: {  	_ =	shalt  }
0x72: {  	_ =	shalt  }
0x73: {  	_ =	shalt  }
0x74: {  	_ =	shalt  }
0x75: {  	_ =	shalt  }
0x76: {  	_ =	shalt  }
0x77: {  	_ =	shalt  }
0x78: {  	_ =	shalt  }
0x79: {  	_ =	shalt  }
0x7a: {  	_ =	shalt  }
0x7b: {  	_ =	shalt  }
0x7c: {  	_ =	shalt  }
0x7d: {  	_ =	shalt  }
0x7e: {  	_ =	shalt  }
0x7f: {  	_ =	shalt  }
0x80: {  	_ =	shalt  }
0x81: {  	_ =	shalt  }
0x82: {  	_ =	shalt  }
0x83: {  	_ =	shalt  }
0x84: {  	_ =	shalt  }
0x85: {  	_ =	shalt  }
0x86: {  	_ =	shalt  }
0x87: {  	_ =	shalt  }
.Lfunc_end0:
.L_simem_size_0:
called_computation_lowered:
.L_overlay_start_0:
0x88: {  	s2 =	sld [smem:$0x3FD9]  }
0x89: {  	s3 =	sld [smem:$0x3FFE];
	_ =	sdelay $0x1  }
0x8a: {  	s1 =	srdreg.scid  }
0x8b: {  	s0 =	sand.u32 $0x1, s1  }
0x8c: {  	s14 =	sshll.u32 s0, $0xA;
	s2 =	sadd.s32 s3, s2  }
0x8d: {  	s2 =	sadd.s32 s2, s14  }
0x8e: {  	[smem:$0x3FC1] =	sst s2  }
0x8f: {  	_ = 	snop  }
0x90: {  	s2 =	sld [smem:$0x3FD0];
	_ =	sdelay $0x2  }
0x91: {  	s4 =	simm.s32 $0xB;
	s5 =	simm.s32 $0x10;
	s15 =	sld [smem:$0x3FC7]  }
0x92: {  	[smem:s5], [sflag:s4] =	dma.local [hbm:s2], $0x1  }
0x93: {  	_ =	swait.eq [sflag:s4], $0x1  }
0x94: {  	[sflag:s4] =	ssyncset.done $0x0  }
0x95: {  	[sflag:s4] =	ssyncadd.s32 $0xFFFFFFFF  }
0x96: {  	s16 =	sld [smem:$0x10];
	(tm) =	ssettm $0x1  }
0x97: {  	s17 =	sld [smem:$0x3FFB];
	_ =	sdelay $0x3  }
0x98: {  	_ =	strace s17  }
0x99: {  	s4 =	sld [smem:$0x3FFC];
	_ =	sdelay $0x3  }
0x9a: {  	_ =	strace s4  }
0x9b: {  	s4 =	sld [smem:$0x3FFD];
	_ =	sdelay $0x3  }
0x9c: {  	_ =	strace s4  }
0x9d: {  	_ =	strace $0x8FFFFFFF  }
0x9e: {  	s18 =	sld [smem:$0x3FDB];
	_ =	sdelay $0x1  }
0x9f: {  	s19 =	simm.s32 $_scs_section_size  }
0xa0: {  	s6 =	simm.s32 $_size__tile_overlayer_lowered;
	s7 =	simm.s32 $_tile_overlayer_lowered  }
0xa1: {  	s22 =	simm.s32 $0x1BFF;
	s21 =	sshll.u32 s7, $0x1;
	s4 =	sadd.s32 s19, s18  }
0xa2: {  	s8 =	simm.s32 $0x0;
	s20 =	sshll.u32 s6, $0x1;
	s6 =	sadd.s32 s21, s4  }
0xa3: {  	[timem:s8], [sflag:s22] =	dma.local [hbm:s6], s20  }
0xa4: {  	_ =	swait.ge [sflag:s22], s20  }
0xa5: {  	s5 =	ssub.s32 $0x0, s20;
	[sflag:s22] =	ssyncset.done $0x0  }
0xa6: {  	[sflag:s22] =	ssyncadd.s32 s5;
	_ =	sdelay $0x1  }
0xa7: {  	s23 =	simm.s32 $0x1B8B  }
0xa8: {  	_ =	swait.ge [sflag:s23], $0x1  }
0xa9: {  	[sflag:s23] =	ssyncset.done $0x0  }
0xaa: {  	s25 =	simm.s32 $0x1B8E;
	s24 =	sld [smem:$0x3FFE];
	[sflag:s23] =	ssyncadd.s32 $0xFFFFFFFF  }
0xab: {  	s26 =	simm.s32 $execute0_lowered;
	[smem:$0x3FD2] =	sst s25  }
0xac: {  	s6 =	sshll.u32 s26, $0x1;
	_ =	strace $0x80000046;
	[dreg:$0x1] =	wrdreg $0xFFFFFFFF  }
0xad: {  	s28 =	simm.s32 $_size_execute0_lowered;
	s4 =	sadd.s32 s4, s6;
	[dreg:$0x0] =	wrdreg $0x0  }
0xae: {  	s6 =	sshll.u32 s28, $0x1;
	[dreg:$0x2] =	wrdreg s4  }
0xaf: {  	[dreg:$0x3] =	wrdreg s6  }
0xb0: {  	[dreg:$0x4] =	wrdreg $0xC0  }
0xb1: {  	_ =	task [dreg:s8], $0x5FFFF  }
0xb2: {  	[dreg:$0x1] =	wrdreg $0xFFFFFFFF  }
0xb3: {  	[dreg:$0x0] =	wrdreg $0x60  }
0xb4: {  	[dreg:$0x2] =	wrdreg s15  }
0xb5: {  	[dreg:$0x3] =	wrdreg s24  }
0xb6: {  	[dreg:$0x4] =	wrdreg s16  }
0xb7: {  	[dreg:$0x5] =	wrdreg $0xA  }
0xb8: {  	_ =	task.clear_ibuf [dreg:s8], $0x6FFFF;
	_ =	strace $0x90000046  }
0xb9: {  	s29 =	simm.s32 $0xA;
	_ =	strace $0x80000048  }
0xba: {  	_ =	swait.ge [sflag:s29], $0x1  }
0xbb: {  	[sflag:s29] =	ssyncadd.s32 $0xFFFFFFFF  }
0xbc: {  	_ =	strace $0x90000048  }
0xbd: {  	_ =	sfence  }
0xbe: {  	s30 =	sld [smem:$0x0];
	_ =	sdelay $0x2  }
0xbf: {  	s31 =	sshll.u32 s1, $0xD;
	s1 =	sshrl.u32 s1, $0x2  }
0xc0: {  	s3 =	sand.u32 $0x4000, s31;
	s1 =	sadd.s32 s1, s30  }
0xc1: {  	s0 =	sor.u32 s3, s0;
	s1 =	sshll.u32 s1, $0x11  }
0xc2: {  	s0 =	sor.u32 s1, s0  }
0xc3: {  	s0 =	sadd.s32 $0x8F2B, s0  }
0xc4: {  	[sflag:s0] =	ssyncadd.remote.s32 $0x1  }
0xc5: {  	_ =	sfence.sel $0xFFFF  }
0xc6: {  	[dreg:$0x0] =	wrdreg $0xFFFFFFFF;
	(pc) =	sbr.abs _section_cstart, $3  }
0xc7: {  	[dreg:$0x1] =	wrdreg $0xFFFFFFFF  }
0xc8: {  	_ =	task.clear_ibuf [dreg:s8], $0x2FFFF;
	_ =	strace $0x9FFFFFFF  }
0xc9: {  	(tm) =	ssettm $0x7FFFFFFF  }
tec
execute0_lowered:
.L_overlay_start_1:
0x0: {  	(tag) =	ssettag $0x1  }
0x1: {  	s1 =	rddreg [dreg:$0x0]  }
0x2: {  	s2 =	srdreg.scid;
	s0 =	stileid.u32  }
0x3: {  	s4 =	rddreg [dreg:$0x1];
	s14 =	sand.u32 $0x1, s2;
	s31 =	sshll.u32 s0, $0x1  }
0x4: {  	s9 =	rddreg [dreg:$0x2];
	s10 =	sor.u32 s14, s31  }
0x5: {  	s3 =	simm.s32 $0x0;
	s2 =	rddreg [dreg:$0x3];
	s5 =	sshll.u32 s10, $0x6  }
0x6: {  	[smem:$0x7FF] =	sst s3;
	s4 =	sadd.s32 s5, s4  }
0x7: {  	_ =	strace $0x80000047;
	s5 =	sadd.s32 $0x3400, s4;
	s4 =	simm.s32 $0x2  }
0x8: {  	[tilespmem:s3], [sflag:$0x2] =	stream.linear.gather [hbm4b:s5+s3], $0x200, $0x38;
	[tilespmem:$0x2A00] =	vst v63  }
0x9: {  	_ =	swait.ge [sflag:s4], $0x200  }
0xa: {  	s6 =	simm.s32 $0x50;
	[sflag:s4] =	ssyncset.done $0x0  }
0xb: {  	s7 =	simm.s32 $0x200;
	s8 =	simm.s32 $0x1;
	[sflag:s4] =	ssyncadd.s32 $0xFFFFFE00  }
0xc: {  	[tilespmem:s7], [sflag:$0x1] =	stream.indirect.gather [hbm4b:s1+s6], $0x80, s3, s6, $0xb8;
	[tilespmem:$0x2A00] =	vst v63  }
0xd: {  	s10 =	smul.u32 $0x1400, s10;
	_ =	swait.ge [sflag:s8], $0x2800  }
0xe: {  	[sflag:s8] =	ssyncset.done $0x0  }
0xf: {  	s9 =	sadd.s32 s9, s10;
	[sflag:s8] =	ssyncadd.s32 $0xFFFFD800  }
0x10: {  	[hbm4b:s9+s3] =	stream.linear.scatter [tilespmem:s7], [sflag:$0x2], $0x2800, $0x38;
	[tilespmem:$0x2A00] =	vst v63  }
0x11: {  	_ =	swait.ge [sflag:s4], $0x2800  }
0x12: {  	[sflag:s4] =	ssyncset.done $0x0  }
0x13: {  	s10 =	simm.s32 $0x80;
	[sflag:s4] =	ssyncadd.s32 $0xFFFFD800  }
0x14: {  	[tilespmem:s7], [sflag:$0x1] =	stream.indirect.gather [hbm4b:s1+s6], $0x80, s10, s6, $0xb8;
	[tilespmem:$0x2A00] =	vst v63  }
0x15: {  	_ =	swait.ge [sflag:s8], $0x2800  }
0x16: {  	[sflag:s8] =	ssyncset.done $0x0  }
0x17: {  	s11 =	sadd.s32 $0x500, s9;
	[sflag:s8] =	ssyncadd.s32 $0xFFFFD800  }
0x18: {  	[hbm4b:s11+s3] =	stream.linear.scatter [tilespmem:s7], [sflag:$0x2], $0x2800, $0x38;
	[tilespmem:$0x2A00] =	vst v63  }
0x19: {  	_ =	swait.ge [sflag:s4], $0x2800  }
0x1a: {  	[sflag:s4] =	ssyncset.done $0x0  }
0x1b: {  	s12 =	simm.s32 $0x100;
	[sflag:s4] =	ssyncadd.s32 $0xFFFFD800  }
0x1c: {  	[tilespmem:s7], [sflag:$0x1] =	stream.indirect.gather [hbm4b:s1+s6], $0x80, s12, s6, $0xb8;
	[tilespmem:$0x2A00] =	vst v63  }
0x1d: {  	_ =	swait.ge [sflag:s8], $0x2800  }
0x1e: {  	[sflag:s8] =	ssyncset.done $0x0  }
0x1f: {  	s15 =	ssub.s32 $0x2, s14;
	s13 =	sadd.s32 $0xA00, s9;
	[sflag:s8] =	ssyncadd.s32 $0xFFFFD800  }
0x20: {  	[hbm4b:s13+s3] =	stream.linear.scatter [tilespmem:s7], [sflag:$0x2], $0x2800, $0x38;
	[tilespmem:$0x2A00] =	vst v63  }
0x21: {  	s16 =	sshrl.u32 s15, $0x1;
	_ =	swait.ge [sflag:s4], $0x2800  }
0x22: {  	s15 =	ssub.s32 s15, s16;
	[sflag:s4] =	ssyncset.done $0x0  }
0x23: {  	s14 =	simm.s32 $0x180;
	s16 =	smax.u32 s15, $0x1;
	[sflag:s4] =	ssyncadd.s32 $0xFFFFD800  }
0x24: {  	[tilespmem:s7], [sflag:$0x1] =	stream.indirect.gather [hbm4b:s1+s6], $0x80, s14, s6, $0xb8;
	[tilespmem:$0x2A00] =	vst v63  }
0x25: {  	p0 =	sne.s32 s16, $0x1;
	_ =	swait.ge [sflag:s8], $0x2800  }
.Ltmp0:
0x26: {  	[sflag:s8] =	ssyncset.done $0x0;
	(pc) =	sbr.rel @!p0 .LBB2_2-.Ltmp0, $4  }
0x27: {  	s15 =	sadd.s32 $0xF00, s9;
	[sflag:s8] =	ssyncadd.s32 $0xFFFFD800  }
0x28: {  	[hbm4b:s15+s3] =	stream.linear.scatter [tilespmem:s7], [sflag:$0x2], $0x2800, $0x38;
	[tilespmem:$0x2A00] =	vst v63  }
0x29: {  	_ =	swait.ge [sflag:s4], $0x2800  }
0x2a: {  	s16 =	sadd.s32 $0xFFFFFFFF, s16;
	[sflag:s4] =	ssyncset.done $0x0  }
.LBB2_1:
0x2b: {  	p0 =	sne.s32 s16, $0x1;
	s16 =	sadd.s32 $0xFFFFFFFF, s16;
	[sflag:s4] =	ssyncadd.s32 $0xFFFFD800  }
0x2c: {  	[tilespmem:s3], [sflag:$0x2] =	stream.linear.gather [hbm4b:s5+s3], $0x200, $0x38;
	[tilespmem:$0x2A00] =	vst v63  }
0x2d: {  	_ =	swait.ge [sflag:s4], $0x200  }
0x2e: {  	[sflag:s4] =	ssyncset.done $0x0  }
0x2f: {  	[sflag:s4] =	ssyncadd.s32 $0xFFFFFE00  }
0x30: {  	[tilespmem:s7], [sflag:$0x1] =	stream.indirect.gather [hbm4b:s1+s6], $0x80, s3, s6, $0xb8;
	[tilespmem:$0x2A00] =	vst v63  }
0x31: {  	_ =	swait.ge [sflag:s8], $0x2800  }
0x32: {  	[sflag:s8] =	ssyncset.done $0x0  }
0x33: {  	[sflag:s8] =	ssyncadd.s32 $0xFFFFD800  }
0x34: {  	[hbm4b:s9+s3] =	stream.linear.scatter [tilespmem:s7], [sflag:$0x2], $0x2800, $0x38;
	[tilespmem:$0x2A00] =	vst v63  }
0x35: {  	_ =	swait.ge [sflag:s4], $0x2800  }
0x36: {  	[sflag:s4] =	ssyncset.done $0x0  }
0x37: {  	[sflag:s4] =	ssyncadd.s32 $0xFFFFD800  }
0x38: {  	[tilespmem:s7], [sflag:$0x1] =	stream.indirect.gather [hbm4b:s1+s6], $0x80, s10, s6, $0xb8;
	[tilespmem:$0x2A00] =	vst v63  }
0x39: {  	_ =	swait.ge [sflag:s8], $0x2800  }
0x3a: {  	[sflag:s8] =	ssyncset.done $0x0  }
0x3b: {  	[sflag:s8] =	ssyncadd.s32 $0xFFFFD800  }
0x3c: {  	[hbm4b:s11+s3] =	stream.linear.scatter [tilespmem:s7], [sflag:$0x2], $0x2800, $0x38;
	[tilespmem:$0x2A00] =	vst v63  }
0x3d: {  	_ =	swait.ge [sflag:s4], $0x2800  }
0x3e: {  	[sflag:s4] =	ssyncset.done $0x0  }
0x3f: {  	[sflag:s4] =	ssyncadd.s32 $0xFFFFD800  }
0x40: {  	[tilespmem:s7], [sflag:$0x1] =	stream.indirect.gather [hbm4b:s1+s6], $0x80, s12, s6, $0xb8;
	[tilespmem:$0x2A00] =	vst v63  }
0x41: {  	_ =	swait.ge [sflag:s8], $0x2800  }
0x42: {  	[sflag:s8] =	ssyncset.done $0x0  }
0x43: {  	[sflag:s8] =	ssyncadd.s32 $0xFFFFD800  }
0x44: {  	[hbm4b:s13+s3] =	stream.linear.scatter [tilespmem:s7], [sflag:$0x2], $0x2800, $0x38;
	[tilespmem:$0x2A00] =	vst v63  }
0x45: {  	_ =	swait.ge [sflag:s4], $0x2800  }
0x46: {  	[sflag:s4] =	ssyncset.done $0x0  }
0x47: {  	[sflag:s4] =	ssyncadd.s32 $0xFFFFD800  }
0x48: {  	[tilespmem:s7], [sflag:$0x1] =	stream.indirect.gather [hbm4b:s1+s6], $0x80, s14, s6, $0xb8;
	[tilespmem:$0x2A00] =	vst v63  }
0x49: {  	_ =	swait.ge [sflag:s8], $0x2800  }
.Ltmp1:
0x4a: {  	[sflag:s8] =	ssyncset.done $0x0;
	(pc) =	sbr.rel @p0 .LBB2_1-.Ltmp1, $4  }
0x4b: {  	[sflag:s8] =	ssyncadd.s32 $0xFFFFD800  }
0x4c: {  	[hbm4b:s15+s3] =	stream.linear.scatter [tilespmem:s7], [sflag:$0x2], $0x2800, $0x38;
	[tilespmem:$0x2A00] =	vst v63  }
0x4d: {  	_ =	swait.ge [sflag:s4], $0x2800  }
0x4e: {  	[sflag:s4] =	ssyncset.done $0x0  }
.LBB2_2:
0x4f: {  	[sflag:s4] =	ssyncadd.s32 $0xFFFFD800  }
0x50: {  	_ =	sfence.sel $0x180000  }
0x51: {  	[bflag:$0x0] =	sbarrier.arrive $0xFFFF  }
0x52: {  	p0 =	sne.s32 s0, $0x0;
	_ =	strace $0x90000047  }
0x53: {  	s0 =	sadd.s32 @!p0 $0x100000, s2;
	[bflag:$0x2] =	sbarrier.arrive $0xFFFF  }
0x54: {  	[sflag:s0] =	ssyncadd.tile.s32 @!p0 $0x1;
	_ =	shalt  }
.Lfunc_end2:
_tile_overlayer_lowered:
.L_overlay_start_2:
0x55: {  	(tag) =	ssettag $0x2  }
0x56: {  	s0 =	rddreg [dreg:$0x0];
	s2 =	stileid.u32  }
0x57: {  	s1 =	rddreg [dreg:$0x1];
	p0 =	sne.s32 s2, $0x0  }
0x58: {  	s3 =	rddreg [dreg:$0x2];
	[bflag:$0x3] =	sbarrier.arrive $0xFFFF;
	s2 =	simm.s32 @!p0 $0x1C02  }
0x59: {  	[timem:s3], [sflag:s2] =	dma.local @!p0 [hbm:s0], s1  }
0x5a: {  	s0 =	simm.s32 @!p0 $0x2  }
0x5b: {  	_ =	swait.ge @!p0 [sflag:s0], s1  }
0x5c: {  	s1 =	ssub.s32 @!p0 $0x0, s1;
	[sflag:s0] =	ssyncset.done @!p0 $0x0  }
0x5d: {  	[sflag:s0] =	ssyncadd.s32 @!p0 s1  }
0x5e: {  	[bflag:$0x3] =	sbarrier.arrive $0xFFFF  }
0x5f: {  	_ =	shalt  }

// kernel: kernel.14.cloned.1.call-start
scs
__scs_entry_jumppad:
0x0: {  	(pc) =	sbr.rel $0x88, $3  }
0x1: {  	(tag) =	ssettag $0x0;
	lr =	simm.s32 $0x1  }
0x2: {  	[smem:$0x3F9A] =	sst lr;
	_ =	strace $0xD0000000  }
0x3: {  	_ = 	snop  }
0x4: {  	_ = 	snop  }
0x5: {  	_ = 	snop  }
0x6: {  	_ = 	snop  }
0x7: {  	_ = 	snop  }
__scs_overlays_trampoline_lowered:
0x8: {  	[smem:$0x3FA9] =	sst s0  }
0x9: {  	[smem:$0x3FAA] =	sst s1  }
0xa: {  	[smem:$0x3FAB] =	sst s2  }
0xb: {  	[smem:$0x3FAC] =	sst s3  }
0xc: {  	[smem:$0x3FAD] =	sst s4  }
0xd: {  	[smem:$0x3FAE] =	sst s5  }
0xe: {  	[smem:$0x3FAF] =	sst s6  }
0xf: {  	[smem:$0x3FB0] =	sst s7  }
0x10: {  	[smem:$0x3FB1] =	sst s8  }
0x11: {  	[smem:$0x3FB2] =	sst s9;
	s0 =	simm.s32 @!p0 $0x0  }
0x12: {  	s1 =	sld [smem:$0x3F98];
	s0 =	simm.s32 @p0 $0x1  }
0x13: {  	[smem:$0x3FB3] =	sst s0;
	s0 =	simm.s32 @!p1 $0x0  }
0x14: {  	s2 =	sld [smem:$0x3F97];
	s0 =	simm.s32 @p1 $0x1  }
0x15: {  	[smem:$0x3FB4] =	sst s0;
	s0 =	simm.s32 @!p2 $0x0  }
0x16: {  	s3 =	sld [smem:$0x3FDB];
	s0 =	simm.s32 @p2 $0x1  }
0x17: {  	s4 =	simm.s32 $0x1BF5;
	[smem:$0x3FB6] =	sst s0  }
0x18: {  	s0 =	sld [smem:$0x3F99];
	_ =	swait.ge [sflag:s4], $0x0  }
0x19: {  	s7 =	sld [smem:$0x3F9A]  }
0x1a: {  	s8 =	sadd.s32 $0xFFFFE003, lr  }
0x1b: {  	s9 =	sadd.s32 $0xFFFFFEF7, lr;
	s5 =	simm.s32 $0xFFFFFFFF;
	p2 =	slt.u32 s8, $0xFFFFF086  }
0x1c: {  	p1 =	slt.u32 s9, $0xF7A;
	s5 =	simm.s32 @!p2 $0x0  }
0x1d: {  	s5 =	simm.s32 @p1 $0x1;
	p0 =	seq.s32 s7, s2  }
0x1e: {  	s7 =	smul.u32 @!p0 $0xF7A, s2;
	p2 =	seq.s32 @!p0 s5, $0x0  }
0x1f: {  	s9 =	smul.u32 $0xF7A, s1;
	s8 =	simm.s32 @!p0 $0x1BF5;
	p2 =	por !p2, p0  }
0x20: {  	[sflag:s8] =	ssyncset.s32 @!p0 $0xFFFFF086;
	s6 =	sadd.s32 @!p0 s3, s7;
	s7 =	simm.s32 @!p0 $0x108  }
0x21: {  	s3 =	sadd.s32 s3, s9;
	s6 =	sadd.s32 @!p0 $0x88, s6;
	s7 =	simm.s32 @p2 $0x1082  }
0x22: {  	[simem:s7], [sflag:s8] =	dma.local @!p0 [hbm:s6], $0xF7A  }
0x23: {  	s9 =	sor.u32 $0xD0000000, s2;
	s6 =	simm.s32 $0x108;
	_ =	swait.ge @!p0 [sflag:s8], $0x0  }
0x24: {  	s3 =	sadd.s32 $0x88, s3;
	s6 =	simm.s32 @!p1 $0x1082;
	[sflag:s4] =	ssyncset.s32 $0xFFFFF086  }
0x25: {  	[simem:s6], [sflag:s4] =	dma.local [hbm:s3], $0xF7A  }
0x26: {  	[smem:$0x3F9A] =	sst s1;
	(tag) =	ssettag s2;
	_ =	strace s9  }
0x27: {  	s1 =	sld [smem:$0x3FAA]  }
0x28: {  	s2 =	sld [smem:$0x3FAB]  }
0x29: {  	s4 =	sld [smem:$0x3FAD]  }
0x2a: {  	p0 =	seq.s32 s5, $0x0;
	s5 =	sld [smem:$0x3FAE]  }
0x2b: {  	s6 =	sld [smem:$0x3FAF]  }
0x2c: {  	s7 =	sld [smem:$0x3FB0]  }
0x2d: {  	s3 =	simm.s32 $0x108;
	s8 =	sld [smem:$0x3FB1]  }
0x2e: {  	s3 =	simm.s32 @!p0 $0x1082;
	s9 =	sld [smem:$0x3FB2]  }
0x2f: {  	lr =	sadd.s32 s0, s3;
	s0 =	sld [smem:$0x3FA9]  }
0x30: {  	s3 =	sld [smem:$0x3FAC]  }
0x31: {  	[smem:$0x3FB5] =	sst s10  }
0x32: {  	s10 =	sld [smem:$0x3FB3];
	_ =	sdelay $0x3  }
0x33: {  	p0 =	seq.s32 s10, $0x1;
	s10 =	sld [smem:$0x3FB5];
	_ =	sdelay $0x3  }
0x34: {  	[smem:$0x3FB5] =	sst s10  }
0x35: {  	s10 =	sld [smem:$0x3FB4];
	_ =	sdelay $0x3  }
0x36: {  	p1 =	seq.s32 s10, $0x1;
	s10 =	sld [smem:$0x3FB5];
	_ =	sdelay $0x3  }
0x37: {  	[smem:$0x3FB5] =	sst s10  }
0x38: {  	s10 =	sld [smem:$0x3FB6]  }
0x39: {  	_ = 	snop;
	(pc) =	sbr.ind lr, $3  }
0x3a: {  	_ = 	snop  }
0x3b: {  	_ = 	snop  }
0x3c: {  	p2 =	seq.s32 s10, $0x1;
	s10 =	sld [smem:$0x3FB5]  }
0x3d: {  	_ =	shalt  }
0x3e: {  	_ =	shalt  }
0x3f: {  	_ =	shalt  }
0x40: {  	_ =	shalt  }
0x41: {  	_ =	shalt  }
0x42: {  	_ =	shalt  }
0x43: {  	_ =	shalt  }
0x44: {  	_ =	shalt  }
0x45: {  	_ =	shalt  }
0x46: {  	_ =	shalt  }
0x47: {  	_ =	shalt  }
0x48: {  	_ =	shalt  }
0x49: {  	_ =	shalt  }
0x4a: {  	_ =	shalt  }
0x4b: {  	_ =	shalt  }
0x4c: {  	_ =	shalt  }
0x4d: {  	_ =	shalt  }
0x4e: {  	_ =	shalt  }
0x4f: {  	_ =	shalt  }
0x50: {  	_ =	shalt  }
0x51: {  	_ =	shalt  }
0x52: {  	_ =	shalt  }
0x53: {  	_ =	shalt  }
0x54: {  	_ =	shalt  }
0x55: {  	_ =	shalt  }
0x56: {  	_ =	shalt  }
0x57: {  	_ =	shalt  }
0x58: {  	_ =	shalt  }
0x59: {  	_ =	shalt  }
0x5a: {  	_ =	shalt  }
0x5b: {  	_ =	shalt  }
0x5c: {  	_ =	shalt  }
0x5d: {  	_ =	shalt  }
0x5e: {  	_ =	shalt  }
0x5f: {  	_ =	shalt  }
0x60: {  	_ =	shalt  }
0x61: {  	_ =	shalt  }
0x62: {  	_ =	shalt  }
0x63: {  	_ =	shalt  }
0x64: {  	_ =	shalt  }
0x65: {  	_ =	shalt  }
0x66: {  	_ =	shalt  }
0x67: {  	_ =	shalt  }
0x68: {  	_ =	shalt  }
0x69: {  	_ =	shalt  }
0x6a: {  	_ =	shalt  }
0x6b: {  	_ =	shalt  }
0x6c: {  	_ =	shalt  }
0x6d: {  	_ =	shalt  }
0x6e: {  	_ =	shalt  }
0x6f: {  	_ =	shalt  }
0x70: {  	_ =	shalt  }
0x71: {  	_ =	shalt  }
0x72: {  	_ =	shalt  }
0x73: {  	_ =	shalt  }
0x74: {  	_ =	shalt  }
0x75: {  	_ =	shalt  }
0x76: {  	_ =	shalt  }
0x77: {  	_ =	shalt  }
0x78: {  	_ =	shalt  }
0x79: {  	_ =	shalt  }
0x7a: {  	_ =	shalt  }
0x7b: {  	_ =	shalt  }
0x7c: {  	_ =	shalt  }
0x7d: {  	_ =	shalt  }
0x7e: {  	_ =	shalt  }
0x7f: {  	_ =	shalt  }
0x80: {  	_ =	shalt  }
0x81: {  	_ =	shalt  }
0x82: {  	_ =	shalt  }
0x83: {  	_ =	shalt  }
0x84: {  	_ =	shalt  }
0x85: {  	_ =	shalt  }
0x86: {  	_ =	shalt  }
0x87: {  	_ =	shalt  }
.Lfunc_end0:
.L_simem_size_0:
called_computation.1_lowered:
.L_overlay_start_0:
0x88: {  	s2 =	sld [smem:$0x3FD9]  }
0x89: {  	s3 =	sld [smem:$0x3FFE];
	_ =	sdelay $0x1  }
0x8a: {  	s1 =	srdreg.scid  }
0x8b: {  	s0 =	sand.u32 $0x1, s1  }
0x8c: {  	s17 =	sshll.u32 s0, $0xA;
	s2 =	sadd.s32 s3, s2  }
0x8d: {  	s2 =	sadd.s32 s2, s17  }
0x8e: {  	[smem:$0x3FC1] =	sst s2  }
0x8f: {  	_ = 	snop  }
0x90: {  	(tm) =	ssettm $0x1  }
0x91: {  	s18 =	sld [smem:$0x3FFB];
	_ =	sdelay $0x3  }
0x92: {  	_ =	strace s18  }
0x93: {  	s2 =	sld [smem:$0x3FFC];
	_ =	sdelay $0x3  }
0x94: {  	_ =	strace s2  }
0x95: {  	s2 =	sld [smem:$0x3FFD];
	_ =	sdelay $0x3  }
0x96: {  	_ =	strace s2  }
0x97: {  	_ =	strace $0x8FFFFFFF  }
0x98: {  	s19 =	sld [smem:$0x3FDB];
	_ =	sdelay $0x1  }
0x99: {  	s20 =	simm.s32 $_scs_section_size  }
0x9a: {  	s4 =	simm.s32 $_size__tile_overlayer_lowered;
	s5 =	simm.s32 $_tile_overlayer_lowered  }
0x9b: {  	s6 =	simm.s32 $0x1BFF;
	s21 =	sshll.u32 s5, $0x1;
	s3 =	sadd.s32 s20, s19  }
0x9c: {  	s22 =	simm.s32 $0x0;
	s4 =	sshll.u32 s4, $0x1;
	s5 =	sadd.s32 s21, s3  }
0x9d: {  	[timem:s22], [sflag:s6] =	dma.local [hbm:s5], s4  }
0x9e: {  	_ =	swait.ge [sflag:s6], s4  }
0x9f: {  	s4 =	ssub.s32 $0x0, s4;
	[sflag:s6] =	ssyncset.done $0x0  }
0xa0: {  	[sflag:s6] =	ssyncadd.s32 s4;
	_ =	sdelay $0x1  }
0xa1: {  	s23 =	simm.s32 $0x1B8B  }
0xa2: {  	_ =	swait.ge [sflag:s23], $0x1  }
0xa3: {  	[sflag:s23] =	ssyncset.done $0x0  }
0xa4: {  	[sflag:s23] =	ssyncadd.s32 $0xFFFFFFFF  }
0xa5: {  	s4 =	sld [smem:$0x0]  }
0xa6: {  	s5 =	sand.u32 $0xFFFFFFFE, s1  }
0xa7: {  	p0 =	sne.s32 s1, s5  }
0xa8: {  	s5 =	sshll.u32 @p0 s5, $0xE  }
0xa9: {  	s5 =	sadd.s32 @p0 $0x11B8D, s5;
	s6 =	sshll.u32 @p0 s4, $0x11  }
0xaa: {  	s5 =	sor.u32 @p0 s6, s5  }
0xab: {  	[sflag:s5] =	ssyncadd.remote.s32 @p0 $0x1;
	_ =	sdelay $0x1  }
0xac: {  	s5 =	simm.s32 @p0 $0x1B8D  }
0xad: {  	_ =	swait.eq @p0 [sflag:s5], $0x1  }
0xae: {  	[sflag:s5] =	ssyncadd.s32 @p0 $0xFFFFFFFF  }
0xaf: {  	s6 =	sshll.u32 @!p0 s1, $0xE  }
0xb0: {  	s6 =	sor.u32 @!p0 $0x4000, s6;
	s5 =	simm.s32 @!p0 $0x1B8D  }
0xb1: {  	s4 =	sshll.u32 @!p0 s4, $0x11;
	s6 =	sadd.s32 @!p0 $0x11B8D, s6;
	_ =	swait.eq @!p0 [sflag:s5], $0x1  }
0xb2: {  	s4 =	sor.u32 @!p0 s4, s6;
	[sflag:s5] =	ssyncadd.s32 @!p0 $0xFFFFFFFF  }
0xb3: {  	s25 =	simm.s32 $0x1B8E;
	s24 =	sld [smem:$0x3FFE];
	[sflag:s4] =	ssyncadd.remote.s32 @!p0 $0x1  }
0xb4: {  	s26 =	simm.s32 $execute0_lowered;
	[smem:$0x3FD2] =	sst s25  }
0xb5: {  	s5 =	sshll.u32 s26, $0x1;
	_ =	strace $0x80000049;
	[dreg:$0x1] =	wrdreg $0xFFFFFFFF  }
0xb6: {  	s28 =	simm.s32 $_size_execute0_lowered;
	s3 =	sadd.s32 s3, s5;
	[dreg:$0x0] =	wrdreg $0x0  }
0xb7: {  	s5 =	sshll.u32 s28, $0x1;
	[dreg:$0x2] =	wrdreg s3  }
0xb8: {  	[dreg:$0x3] =	wrdreg s5  }
0xb9: {  	[dreg:$0x4] =	wrdreg $0xC0  }
0xba: {  	_ =	task [dreg:s22], $0x5FFFF  }
0xbb: {  	[dreg:$0x1] =	wrdreg $0xFFFFFFFF  }
0xbc: {  	[dreg:$0x0] =	wrdreg $0x60  }
0xbd: {  	[dreg:$0x2] =	wrdreg s24  }
0xbe: {  	[dreg:$0x3] =	wrdreg $0x55000  }
0xbf: {  	[dreg:$0x4] =	wrdreg $0x9  }
0xc0: {  	_ =	task.clear_ibuf [dreg:s22], $0x5FFFF;
	_ =	strace $0x90000049  }
0xc1: {  	s29 =	simm.s32 $0x9;
	_ =	strace $0x8000004B  }
0xc2: {  	_ =	swait.ge [sflag:s29], $0x1  }
0xc3: {  	[sflag:s29] =	ssyncadd.s32 $0xFFFFFFFF  }
0xc4: {  	_ =	strace $0x9000004B  }
0xc5: {  	_ =	sfence  }
0xc6: {  	s30 =	sld [smem:$0x0];
	_ =	sdelay $0x2  }
0xc7: {  	s31 =	sshll.u32 s1, $0xD;
	s1 =	sshrl.u32 s1, $0x2  }
0xc8: {  	s4 =	sand.u32 $0x4000, s31;
	s1 =	sadd.s32 s1, s30  }
0xc9: {  	s0 =	sor.u32 s4, s0;
	s1 =	sshll.u32 s1, $0x11  }
0xca: {  	s0 =	sor.u32 s1, s0  }
0xcb: {  	s0 =	sadd.s32 $0x8F2B, s0  }
0xcc: {  	[sflag:s0] =	ssyncadd.remote.s32 $0x1  }
0xcd: {  	_ =	sfence.sel $0xFFFF  }
0xce: {  	[dreg:$0x0] =	wrdreg $0xFFFFFFFF;
	(pc) =	sbr.abs _section_cstart, $3  }
0xcf: {  	[dreg:$0x1] =	wrdreg $0xFFFFFFFF  }
0xd0: {  	_ =	task.clear_ibuf [dreg:s22], $0x2FFFF;
	_ =	strace $0x9FFFFFFF  }
0xd1: {  	(tm) =	ssettm $0x7FFFFFFF  }
tec
execute0_lowered:
.L_overlay_start_1:
0x0: {  	(tag) =	ssettag $0x1  }
0x1: {  	s0 =	rddreg [dreg:$0x0]  }
0x2: {  	s1 =	srdreg.scid;
	s3 =	rddreg [dreg:$0x1]  }
0x3: {  	s2 =	stileid.u32;
	s6 =	simm.s32 $0x0;
	s28 =	simm.s32 $0x5280  }
0x4: {  	s29 =	simm.s32 $0x100;
	s30 =	simm.s32 $0x5000;
	s5 =	smul.u32 $0x2800, s2  }
0x5: {  	s31 =	simm.s32 $0x0;
	s1 =	sand.u32 $0x1, s1;
	s21 =	smul.u32 $0x500, s2  }
0x6: {  	[smem:$0x7FF] =	sst s6;
	s7 =	sshrl.u32 s2, $0x3;
	s8 =	smul.u32 $0x5000, s2  }
0x7: {  	s25 =	sshll.u32 s2, $0x7;
	s4 =	smul.u32 $0x28000, s1;
	_ =	strace $0x8000004A  }
0x8: {  	s22 =	sshll.u32 s1, $0x7;
	s1 =	ssub.s32 $0x2, s1;
	s23 =	smul.u32 $0x50000, s7  }
0x9: {  	s24 =	sshrl.u32 s1, $0x1;
	s26 =	sshrl.u32 s8, $0x2;
	s4 =	sadd.s32 s5, s4  }
0xa: {  	s5 =	sor.u32 s22, s21;
	s1 =	ssub.s32 s1, s24;
	s6 =	sshrl.u32 s23, $0x2  }
0xb: {  	s23 =	simm.s32 $0x1;
	s24 =	simm.s32 $0x2800;
	s4 =	sshrl.u32 s4, $0x3  }
0xc: {  	s5 =	sshrl.u32 s5, $0x3;
	s6 =	sadd.s32 s6, s3;
	s3 =	sadd.s32 s26, s3  }
0xd: {  	s22 =	smax.u32 s1, $0x1;
	s26 =	simm.s32 $0x400;
	s4 =	sadd.s32 s4, s0  }
0xe: {  	s0 =	sadd.s32 s5, s0;
	s5 =	sand.u32 $0x380, s25;
	s7 =	sadd.s32 $0x100, s3  }
0xf: {  	s8 =	sadd.s32 $0x180, s3;
	s9 =	sadd.s32 $0x200, s3;
	s10 =	sadd.s32 $0x280, s3  }
0x10: {  	s11 =	sadd.s32 $0x300, s3;
	s12 =	sadd.s32 $0x380, s3;
	s13 =	sadd.s32 $0x14000, s3  }
0x11: {  	s14 =	sadd.s32 $0x14080, s3;
	s15 =	sadd.s32 $0x14100, s3;
	s16 =	sadd.s32 $0x14180, s3  }
0x12: {  	s17 =	sadd.s32 $0x14200, s3;
	s18 =	sadd.s32 $0x14280, s3;
	s19 =	sadd.s32 $0x14300, s3  }
0x13: {  	s20 =	sadd.s32 $0x14380, s3;
	s25 =	simm.s32 $0x80;
	s4 =	sadd.s32 $0x3C00, s4  }
0x14: {  	v0 =	vimm.f32 $0.0e+00;
	v1 =	vimm.f32 $1.000000000e+00;
	s5 =	sadd.s32 s5, s6;
	s6 =	sadd.s32 $0x80, s3;
	s21 =	sadd.s32 $0xDC00, s0  }
.LBB2_1:
0x15: {  	s0 =	simm.s32 $0x0  }
0x16: {  	[tilespmem:s0], [sflag:$0x1] =	stream.linear.gather [hbm4b:s4+s0], $0x2800, $0x38;
	[tilespmem:$0x7D00] =	vst v63  }
0x17: {  	_ =	swait.ge [sflag:s23], $0x2800  }
0x18: {  	[sflag:s23] =	ssyncset.done $0x0  }
0x19: {  	s0 =	simm.s32 $0x0;
	[sflag:s23] =	ssyncadd.s32 $0xFFFFD800  }
.LBB2_2:
0x1a: {  	p0 =	sne.s32 s0, $0x9FC0  }
.Ltmp0:
0x1b: {  	_ = 	snop;
	(pc) =	sbr.rel @p0 .LBB2_2-.Ltmp0, $3  }
0x1c: {  	_ =	sdelay $0x1  }
0x1d: {  	s1 =	sshra.s32 s0, $0x2  }
0x1e: {  	s0 =	sadd.s32 $0x40, s0;
	[tilespmem:s1+$0x2800] =	vst v0  }
0x1f: {  	s0 =	simm.s32 $0x0  }
.LBB2_4:
0x20: {  	s1 =	sshra.s32 s0, $0x2  }
0x21: {  	v2 =	vld [tilespmem:s1+$0x0];
	_ =	sdelay $0x7  }
0x22: {  	[tilespmem:v2+s24+$0x0] =	vst.idx.add.f32.msk $0xffff, v1  }
0x23: {  	v2 =	vld [tilespmem:s1+$0x10];
	_ =	sdelay $0x7  }
0x24: {  	[tilespmem:v2+s24+$0x0] =	vst.idx.add.f32.msk $0xffff, v1  }
0x25: {  	v2 =	vld [tilespmem:s1+$0x20];
	_ =	sdelay $0x7  }
0x26: {  	[tilespmem:v2+s24+$0x0] =	vst.idx.add.f32.msk $0xffff, v1  }
0x27: {  	v2 =	vld [tilespmem:s1+$0x30];
	_ =	sdelay $0x7  }
0x28: {  	[tilespmem:v2+s24+$0x0] =	vst.idx.add.f32.msk $0xffff, v1  }
0x29: {  	v2 =	vld [tilespmem:s1+$0x40];
	_ =	sdelay $0x7  }
0x2a: {  	[tilespmem:v2+s24+$0x0] =	vst.idx.add.f32.msk $0xffff, v1  }
0x2b: {  	v2 =	vld [tilespmem:s1+$0x50];
	_ =	sdelay $0x7  }
0x2c: {  	[tilespmem:v2+s24+$0x0] =	vst.idx.add.f32.msk $0xffff, v1  }
0x2d: {  	v2 =	vld [tilespmem:s1+$0x60];
	_ =	sdelay $0x7  }
0x2e: {  	[tilespmem:v2+s24+$0x0] =	vst.idx.add.f32.msk $0xffff, v1  }
0x2f: {  	v2 =	vld [tilespmem:s1+$0x70];
	_ =	sdelay $0x2  }
0x30: {  	p0 =	sne.s32 s0, $0x9E00  }
.Ltmp1:
0x31: {  	_ = 	snop;
	(pc) =	sbr.rel @p0 .LBB2_4-.Ltmp1, $2  }
0x32: {  	_ =	sdelay $0x2  }
0x33: {  	s0 =	sadd.s32 $0x200, s0;
	[tilespmem:v2+s24+$0x0] =	vst.idx.add.f32.msk $0xffff, v1  }
0x34: {  	[spmem:s5] =	stream.strided.scatter [tilespmem:s24], [sflag:$0x1], $0x2800, s26, s25, $0x38;
	[tilespmem:$0x7D00] =	vst v63  }
0x35: {  	_ =	swait.ge [sflag:s23], $0x2800  }
0x36: {  	[sflag:s23] =	ssyncset.done $0x0  }
0x37: {  	[sflag:s23] =	ssyncadd.s32 $0xFFFFD800  }
0x38: {  	[bflag:$0x0] =	sbarrier.arrive $0xFFFF  }
0x39: {  	[tilespmem:$0x5000] =	vst v0  }
0x3a: {  	[tilespmem:$0x5010] =	vst v0  }
0x3b: {  	[tilespmem:$0x5020] =	vst v0  }
0x3c: {  	[tilespmem:$0x5030] =	vst v0  }
0x3d: {  	[tilespmem:$0x5040] =	vst v0  }
0x3e: {  	[tilespmem:$0x5050] =	vst v0  }
0x3f: {  	[tilespmem:$0x5060] =	vst v0  }
0x40: {  	[tilespmem:$0x5070] =	vst v0  }
0x41: {  	[tilespmem:$0x5080] =	vst v0  }
0x42: {  	[tilespmem:$0x5090] =	vst v0  }
0x43: {  	[tilespmem:$0x50A0] =	vst v0  }
0x44: {  	[tilespmem:$0x50B0] =	vst v0  }
0x45: {  	[tilespmem:$0x50C0] =	vst v0  }
0x46: {  	[tilespmem:$0x50D0] =	vst v0  }
0x47: {  	[tilespmem:$0x50E0] =	vst v0  }
0x48: {  	[tilespmem:$0x50F0] =	vst v0  }
0x49: {  	[tilespmem:$0x5100] =	vst v0  }
0x4a: {  	[tilespmem:$0x5110] =	vst v0  }
0x4b: {  	[tilespmem:$0x5120] =	vst v0  }
0x4c: {  	[tilespmem:$0x5130] =	vst v0  }
0x4d: {  	[tilespmem:$0x5140] =	vst v0  }
0x4e: {  	[tilespmem:$0x5150] =	vst v0  }
0x4f: {  	[tilespmem:$0x5160] =	vst v0  }
0x50: {  	[tilespmem:$0x5170] =	vst v0  }
0x51: {  	[tilespmem:$0x5180] =	vst v0  }
0x52: {  	[tilespmem:$0x5190] =	vst v0  }
0x53: {  	[tilespmem:$0x51A0] =	vst v0  }
0x54: {  	[tilespmem:$0x51B0] =	vst v0  }
0x55: {  	[tilespmem:$0x51C0] =	vst v0  }
0x56: {  	[tilespmem:$0x51D0] =	vst v0  }
0x57: {  	[tilespmem:$0x51E0] =	vst v0  }
0x58: {  	[tilespmem:$0x51F0] =	vst v0  }
0x59: {  	[tilespmem:$0x5200] =	vst v0  }
0x5a: {  	[tilespmem:$0x5210] =	vst v0  }
0x5b: {  	[tilespmem:$0x5220] =	vst v0  }
0x5c: {  	[tilespmem:$0x5230] =	vst v0  }
0x5d: {  	[tilespmem:$0x5240] =	vst v0  }
0x5e: {  	[tilespmem:$0x5250] =	vst v0  }
0x5f: {  	[tilespmem:$0x5260] =	vst v0  }
0x60: {  	[tilespmem:$0x5270] =	vst v0  }
0x61: {  	[tilespmem:s28], [sflag:$0x1] =	stream.strided.gather [spmem:s3], $0x280, s26, s25, $0x38;
	[tilespmem:$0x7D00] =	vst v63  }
0x62: {  	_ =	swait.ge [sflag:s23], $0x280  }
0x63: {  	[sflag:s23] =	ssyncset.done $0x0  }
0x64: {  	s0 =	simm.s32 $0x0;
	[sflag:s23] =	ssyncadd.s32 $0xFFFFFD80  }
0x65: {  	s1 =	simm.s32 $0x40;
	v2 =	vld [tilespmem:s0+$0x5280]  }
.LBB2_6:
0x66: {  	p0 =	sne.s32 s1, $0x9C0;
	v3 =	vld [tilespmem:s0+$0x5000];
	_ =	sdelay $0x2  }
.Ltmp2:
0x67: {  	(pc) =	sbr.rel @p0 .LBB2_6-.Ltmp2, $4  }
0x68: {  	_ = 	snop  }
0x69: {  	v3 =	vadd.f32 v2, v3  }
0x6a: {  	s2 =	sshra.s32 s1, $0x2  }
0x6b: {  	s1 =	sadd.s32 $0x40, s1;
	v2 =	vld [tilespmem:s2+$0x5280];
	[tilespmem:s0+$0x5000] =	vst v3;
	s0 =	smov.u32 s2  }
0x6c: {  	v3 =	vld [tilespmem:s0+$0x5000];
	_ =	sdelay $0x4  }
0x6d: {  	v2 =	vadd.f32 v2, v3;
	_ =	sdelay $0x1  }
0x6e: {  	[tilespmem:s0+$0x5000] =	vst v2  }
0x6f: {  	[tilespmem:s28], [sflag:$0x1] =	stream.strided.gather [spmem:s6], $0x280, s26, s25, $0x38;
	[tilespmem:$0x7D00] =	vst v63  }
0x70: {  	_ =	swait.ge [sflag:s23], $0x280  }
0x71: {  	[sflag:s23] =	ssyncset.done $0x0  }
0x72: {  	s0 =	simm.s32 $0x0;
	[sflag:s23] =	ssyncadd.s32 $0xFFFFFD80  }
0x73: {  	s1 =	simm.s32 $0x40;
	v2 =	vld [tilespmem:s0+$0x5280]  }
.LBB2_8:
0x74: {  	p0 =	sne.s32 s1, $0x9C0;
	v3 =	vld [tilespmem:s0+$0x5000];
	_ =	sdelay $0x2  }
.Ltmp3:
0x75: {  	(pc) =	sbr.rel @p0 .LBB2_8-.Ltmp3, $4  }
0x76: {  	_ = 	snop  }
0x77: {  	v3 =	vadd.f32 v2, v3  }
0x78: {  	s2 =	sshra.s32 s1, $0x2  }
0x79: {  	s1 =	sadd.s32 $0x40, s1;
	v2 =	vld [tilespmem:s2+$0x5280];
	[tilespmem:s0+$0x5000] =	vst v3;
	s0 =	smov.u32 s2  }
0x7a: {  	v3 =	vld [tilespmem:s0+$0x5000];
	_ =	sdelay $0x4  }
0x7b: {  	v2 =	vadd.f32 v2, v3;
	_ =	sdelay $0x1  }
0x7c: {  	[tilespmem:s0+$0x5000] =	vst v2  }
0x7d: {  	[tilespmem:s28], [sflag:$0x1] =	stream.strided.gather [spmem:s7], $0x280, s26, s25, $0x38;
	[tilespmem:$0x7D00] =	vst v63  }
0x7e: {  	_ =	swait.ge [sflag:s23], $0x280  }
0x7f: {  	[sflag:s23] =	ssyncset.done $0x0  }
0x80: {  	s0 =	simm.s32 $0x0;
	[sflag:s23] =	ssyncadd.s32 $0xFFFFFD80  }
0x81: {  	s1 =	simm.s32 $0x40;
	v2 =	vld [tilespmem:s0+$0x5280]  }
.LBB2_10:
0x82: {  	p0 =	sne.s32 s1, $0x9C0;
	v3 =	vld [tilespmem:s0+$0x5000];
	_ =	sdelay $0x2  }
.Ltmp4:
0x83: {  	(pc) =	sbr.rel @p0 .LBB2_10-.Ltmp4, $4  }
0x84: {  	_ = 	snop  }
0x85: {  	v3 =	vadd.f32 v2, v3  }
0x86: {  	s2 =	sshra.s32 s1, $0x2  }
0x87: {  	s1 =	sadd.s32 $0x40, s1;
	v2 =	vld [tilespmem:s2+$0x5280];
	[tilespmem:s0+$0x5000] =	vst v3;
	s0 =	smov.u32 s2  }
0x88: {  	v3 =	vld [tilespmem:s0+$0x5000];
	_ =	sdelay $0x4  }
0x89: {  	v2 =	vadd.f32 v2, v3;
	_ =	sdelay $0x1  }
0x8a: {  	[tilespmem:s0+$0x5000] =	vst v2  }
0x8b: {  	[tilespmem:s28], [sflag:$0x1] =	stream.strided.gather [spmem:s8], $0x280, s26, s25, $0x38;
	[tilespmem:$0x7D00] =	vst v63  }
0x8c: {  	_ =	swait.ge [sflag:s23], $0x280  }
0x8d: {  	[sflag:s23] =	ssyncset.done $0x0  }
0x8e: {  	s0 =	simm.s32 $0x0;
	[sflag:s23] =	ssyncadd.s32 $0xFFFFFD80  }
0x8f: {  	s1 =	simm.s32 $0x40;
	v2 =	vld [tilespmem:s0+$0x5280]  }
.LBB2_12:
0x90: {  	p0 =	sne.s32 s1, $0x9C0;
	v3 =	vld [tilespmem:s0+$0x5000];
	_ =	sdelay $0x2  }
.Ltmp5:
0x91: {  	(pc) =	sbr.rel @p0 .LBB2_12-.Ltmp5, $4  }
0x92: {  	_ = 	snop  }
0x93: {  	v3 =	vadd.f32 v2, v3  }
0x94: {  	s2 =	sshra.s32 s1, $0x2  }
0x95: {  	s1 =	sadd.s32 $0x40, s1;
	v2 =	vld [tilespmem:s2+$0x5280];
	[tilespmem:s0+$0x5000] =	vst v3;
	s0 =	smov.u32 s2  }
0x96: {  	v3 =	vld [tilespmem:s0+$0x5000];
	_ =	sdelay $0x4  }
0x97: {  	v2 =	vadd.f32 v2, v3;
	_ =	sdelay $0x1  }
0x98: {  	[tilespmem:s0+$0x5000] =	vst v2  }
0x99: {  	[tilespmem:s28], [sflag:$0x1] =	stream.strided.gather [spmem:s9], $0x280, s26, s25, $0x38;
	[tilespmem:$0x7D00] =	vst v63  }
0x9a: {  	_ =	swait.ge [sflag:s23], $0x280  }
0x9b: {  	[sflag:s23] =	ssyncset.done $0x0  }
0x9c: {  	s0 =	simm.s32 $0x0;
	[sflag:s23] =	ssyncadd.s32 $0xFFFFFD80  }
0x9d: {  	s1 =	simm.s32 $0x40;
	v2 =	vld [tilespmem:s0+$0x5280]  }
.LBB2_14:
0x9e: {  	p0 =	sne.s32 s1, $0x9C0;
	v3 =	vld [tilespmem:s0+$0x5000];
	_ =	sdelay $0x2  }
.Ltmp6:
0x9f: {  	(pc) =	sbr.rel @p0 .LBB2_14-.Ltmp6, $4  }
0xa0: {  	_ = 	snop  }
0xa1: {  	v3 =	vadd.f32 v2, v3  }
0xa2: {  	s2 =	sshra.s32 s1, $0x2  }
0xa3: {  	s1 =	sadd.s32 $0x40, s1;
	v2 =	vld [tilespmem:s2+$0x5280];
	[tilespmem:s0+$0x5000] =	vst v3;
	s0 =	smov.u32 s2  }
0xa4: {  	v3 =	vld [tilespmem:s0+$0x5000];
	_ =	sdelay $0x4  }
0xa5: {  	v2 =	vadd.f32 v2, v3;
	_ =	sdelay $0x1  }
0xa6: {  	[tilespmem:s0+$0x5000] =	vst v2  }
0xa7: {  	[tilespmem:s28], [sflag:$0x1] =	stream.strided.gather [spmem:s10], $0x280, s26, s25, $0x38;
	[tilespmem:$0x7D00] =	vst v63  }
0xa8: {  	_ =	swait.ge [sflag:s23], $0x280  }
0xa9: {  	[sflag:s23] =	ssyncset.done $0x0  }
0xaa: {  	s0 =	simm.s32 $0x0;
	[sflag:s23] =	ssyncadd.s32 $0xFFFFFD80  }
0xab: {  	s1 =	simm.s32 $0x40;
	v2 =	vld [tilespmem:s0+$0x5280]  }
.LBB2_16:
0xac: {  	p0 =	sne.s32 s1, $0x9C0;
	v3 =	vld [tilespmem:s0+$0x5000];
	_ =	sdelay $0x2  }
.Ltmp7:
0xad: {  	(pc) =	sbr.rel @p0 .LBB2_16-.Ltmp7, $4  }
0xae: {  	_ = 	snop  }
0xaf: {  	v3 =	vadd.f32 v2, v3  }
0xb0: {  	s2 =	sshra.s32 s1, $0x2  }
0xb1: {  	s1 =	sadd.s32 $0x40, s1;
	v2 =	vld [tilespmem:s2+$0x5280];
	[tilespmem:s0+$0x5000] =	vst v3;
	s0 =	smov.u32 s2  }
0xb2: {  	v3 =	vld [tilespmem:s0+$0x5000];
	_ =	sdelay $0x4  }
0xb3: {  	v2 =	vadd.f32 v2, v3;
	_ =	sdelay $0x1  }
0xb4: {  	[tilespmem:s0+$0x5000] =	vst v2  }
0xb5: {  	[tilespmem:s28], [sflag:$0x1] =	stream.strided.gather [spmem:s11], $0x280, s26, s25, $0x38;
	[tilespmem:$0x7D00] =	vst v63  }
0xb6: {  	_ =	swait.ge [sflag:s23], $0x280  }
0xb7: {  	[sflag:s23] =	ssyncset.done $0x0  }
0xb8: {  	s0 =	simm.s32 $0x0;
	[sflag:s23] =	ssyncadd.s32 $0xFFFFFD80  }
0xb9: {  	s1 =	simm.s32 $0x40;
	v2 =	vld [tilespmem:s0+$0x5280]  }
.LBB2_18:
0xba: {  	p0 =	sne.s32 s1, $0x9C0;
	v3 =	vld [tilespmem:s0+$0x5000];
	_ =	sdelay $0x2  }
.Ltmp8:
0xbb: {  	(pc) =	sbr.rel @p0 .LBB2_18-.Ltmp8, $4  }
0xbc: {  	_ = 	snop  }
0xbd: {  	v3 =	vadd.f32 v2, v3  }
0xbe: {  	s2 =	sshra.s32 s1, $0x2  }
0xbf: {  	s1 =	sadd.s32 $0x40, s1;
	v2 =	vld [tilespmem:s2+$0x5280];
	[tilespmem:s0+$0x5000] =	vst v3;
	s0 =	smov.u32 s2  }
0xc0: {  	v3 =	vld [tilespmem:s0+$0x5000];
	_ =	sdelay $0x4  }
0xc1: {  	v2 =	vadd.f32 v2, v3;
	_ =	sdelay $0x1  }
0xc2: {  	[tilespmem:s0+$0x5000] =	vst v2  }
0xc3: {  	[tilespmem:s28], [sflag:$0x1] =	stream.strided.gather [spmem:s12], $0x280, s26, s25, $0x38;
	[tilespmem:$0x7D00] =	vst v63  }
0xc4: {  	_ =	swait.ge [sflag:s23], $0x280  }
0xc5: {  	[sflag:s23] =	ssyncset.done $0x0  }
0xc6: {  	s0 =	simm.s32 $0x0;
	[sflag:s23] =	ssyncadd.s32 $0xFFFFFD80  }
0xc7: {  	s1 =	simm.s32 $0x40;
	v2 =	vld [tilespmem:s0+$0x5280]  }
.LBB2_20:
0xc8: {  	p0 =	sne.s32 s1, $0x9C0;
	v3 =	vld [tilespmem:s0+$0x5000];
	_ =	sdelay $0x2  }
.Ltmp9:
0xc9: {  	(pc) =	sbr.rel @p0 .LBB2_20-.Ltmp9, $4  }
0xca: {  	_ = 	snop  }
0xcb: {  	v3 =	vadd.f32 v2, v3  }
0xcc: {  	s2 =	sshra.s32 s1, $0x2  }
0xcd: {  	s1 =	sadd.s32 $0x40, s1;
	v2 =	vld [tilespmem:s2+$0x5280];
	[tilespmem:s0+$0x5000] =	vst v3;
	s0 =	smov.u32 s2  }
0xce: {  	v3 =	vld [tilespmem:s0+$0x5000];
	_ =	sdelay $0x4  }
0xcf: {  	v2 =	vadd.f32 v2, v3;
	_ =	sdelay $0x1  }
0xd0: {  	[tilespmem:s0+$0x5000] =	vst v2  }
0xd1: {  	[tilespmem:s28], [sflag:$0x1] =	stream.strided.gather [spmem:s13], $0x280, s26, s25, $0x38;
	[tilespmem:$0x7D00] =	vst v63  }
0xd2: {  	_ =	swait.ge [sflag:s23], $0x280  }
0xd3: {  	[sflag:s23] =	ssyncset.done $0x0  }
0xd4: {  	s0 =	simm.s32 $0x0;
	[sflag:s23] =	ssyncadd.s32 $0xFFFFFD80  }
0xd5: {  	s1 =	simm.s32 $0x40;
	v2 =	vld [tilespmem:s0+$0x5280]  }
.LBB2_22:
0xd6: {  	p0 =	sne.s32 s1, $0x9C0;
	v3 =	vld [tilespmem:s0+$0x5000];
	_ =	sdelay $0x2  }
.Ltmp10:
0xd7: {  	(pc) =	sbr.rel @p0 .LBB2_22-.Ltmp10, $4  }
0xd8: {  	_ = 	snop  }
0xd9: {  	v3 =	vadd.f32 v2, v3  }
0xda: {  	s2 =	sshra.s32 s1, $0x2  }
0xdb: {  	s1 =	sadd.s32 $0x40, s1;
	v2 =	vld [tilespmem:s2+$0x5280];
	[tilespmem:s0+$0x5000] =	vst v3;
	s0 =	smov.u32 s2  }
0xdc: {  	v3 =	vld [tilespmem:s0+$0x5000];
	_ =	sdelay $0x4  }
0xdd: {  	v2 =	vadd.f32 v2, v3;
	_ =	sdelay $0x1  }
0xde: {  	[tilespmem:s0+$0x5000] =	vst v2  }
0xdf: {  	[tilespmem:s28], [sflag:$0x1] =	stream.strided.gather [spmem:s14], $0x280, s26, s25, $0x38;
	[tilespmem:$0x7D00] =	vst v63  }
0xe0: {  	_ =	swait.ge [sflag:s23], $0x280  }
0xe1: {  	[sflag:s23] =	ssyncset.done $0x0  }
0xe2: {  	s0 =	simm.s32 $0x0;
	[sflag:s23] =	ssyncadd.s32 $0xFFFFFD80  }
0xe3: {  	s1 =	simm.s32 $0x40;
	v2 =	vld [tilespmem:s0+$0x5280]  }
.LBB2_24:
0xe4: {  	p0 =	sne.s32 s1, $0x9C0;
	v3 =	vld [tilespmem:s0+$0x5000];
	_ =	sdelay $0x2  }
.Ltmp11:
0xe5: {  	(pc) =	sbr.rel @p0 .LBB2_24-.Ltmp11, $4  }
0xe6: {  	_ = 	snop  }
0xe7: {  	v3 =	vadd.f32 v2, v3  }
0xe8: {  	s2 =	sshra.s32 s1, $0x2  }
0xe9: {  	s1 =	sadd.s32 $0x40, s1;
	v2 =	vld [tilespmem:s2+$0x5280];
	[tilespmem:s0+$0x5000] =	vst v3;
	s0 =	smov.u32 s2  }
0xea: {  	v3 =	vld [tilespmem:s0+$0x5000];
	_ =	sdelay $0x4  }
0xeb: {  	v2 =	vadd.f32 v2, v3;
	_ =	sdelay $0x1  }
0xec: {  	[tilespmem:s0+$0x5000] =	vst v2  }
0xed: {  	[tilespmem:s28], [sflag:$0x1] =	stream.strided.gather [spmem:s15], $0x280, s26, s25, $0x38;
	[tilespmem:$0x7D00] =	vst v63  }
0xee: {  	_ =	swait.ge [sflag:s23], $0x280  }
0xef: {  	[sflag:s23] =	ssyncset.done $0x0  }
0xf0: {  	s0 =	simm.s32 $0x0;
	[sflag:s23] =	ssyncadd.s32 $0xFFFFFD80  }
0xf1: {  	s1 =	simm.s32 $0x40;
	v2 =	vld [tilespmem:s0+$0x5280]  }
.LBB2_26:
0xf2: {  	p0 =	sne.s32 s1, $0x9C0;
	v3 =	vld [tilespmem:s0+$0x5000];
	_ =	sdelay $0x2  }
.Ltmp12:
0xf3: {  	(pc) =	sbr.rel @p0 .LBB2_26-.Ltmp12, $4  }
0xf4: {  	_ = 	snop  }
0xf5: {  	v3 =	vadd.f32 v2, v3  }
0xf6: {  	s2 =	sshra.s32 s1, $0x2  }
0xf7: {  	s1 =	sadd.s32 $0x40, s1;
	v2 =	vld [tilespmem:s2+$0x5280];
	[tilespmem:s0+$0x5000] =	vst v3;
	s0 =	smov.u32 s2  }
0xf8: {  	v3 =	vld [tilespmem:s0+$0x5000];
	_ =	sdelay $0x4  }
0xf9: {  	v2 =	vadd.f32 v2, v3;
	_ =	sdelay $0x1  }
0xfa: {  	[tilespmem:s0+$0x5000] =	vst v2  }
0xfb: {  	[tilespmem:s28], [sflag:$0x1] =	stream.strided.gather [spmem:s16], $0x280, s26, s25, $0x38;
	[tilespmem:$0x7D00] =	vst v63  }
0xfc: {  	_ =	swait.ge [sflag:s23], $0x280  }
0xfd: {  	[sflag:s23] =	ssyncset.done $0x0  }
0xfe: {  	s0 =	simm.s32 $0x0;
	[sflag:s23] =	ssyncadd.s32 $0xFFFFFD80  }
0xff: {  	s1 =	simm.s32 $0x40;
	v2 =	vld [tilespmem:s0+$0x5280]  }
.LBB2_28:
0x100: {  	p0 =	sne.s32 s1, $0x9C0;
	v3 =	vld [tilespmem:s0+$0x5000];
	_ =	sdelay $0x2  }
.Ltmp13:
0x101: {  	(pc) =	sbr.rel @p0 .LBB2_28-.Ltmp13, $4  }
0x102: {  	_ = 	snop  }
0x103: {  	v3 =	vadd.f32 v2, v3  }
0x104: {  	s2 =	sshra.s32 s1, $0x2  }
0x105: {  	s1 =	sadd.s32 $0x40, s1;
	v2 =	vld [tilespmem:s2+$0x5280];
	[tilespmem:s0+$0x5000] =	vst v3;
	s0 =	smov.u32 s2  }
0x106: {  	v3 =	vld [tilespmem:s0+$0x5000];
	_ =	sdelay $0x4  }
0x107: {  	v2 =	vadd.f32 v2, v3;
	_ =	sdelay $0x1  }
0x108: {  	[tilespmem:s0+$0x5000] =	vst v2  }
0x109: {  	[tilespmem:s28], [sflag:$0x1] =	stream.strided.gather [spmem:s17], $0x280, s26, s25, $0x38;
	[tilespmem:$0x7D00] =	vst v63  }
0x10a: {  	_ =	swait.ge [sflag:s23], $0x280  }
0x10b: {  	[sflag:s23] =	ssyncset.done $0x0  }
0x10c: {  	s0 =	simm.s32 $0x0;
	[sflag:s23] =	ssyncadd.s32 $0xFFFFFD80  }
0x10d: {  	s1 =	simm.s32 $0x40;
	v2 =	vld [tilespmem:s0+$0x5280]  }
.LBB2_30:
0x10e: {  	p0 =	sne.s32 s1, $0x9C0;
	v3 =	vld [tilespmem:s0+$0x5000];
	_ =	sdelay $0x2  }
.Ltmp14:
0x10f: {  	(pc) =	sbr.rel @p0 .LBB2_30-.Ltmp14, $4  }
0x110: {  	_ = 	snop  }
0x111: {  	v3 =	vadd.f32 v2, v3  }
0x112: {  	s2 =	sshra.s32 s1, $0x2  }
0x113: {  	s1 =	sadd.s32 $0x40, s1;
	v2 =	vld [tilespmem:s2+$0x5280];
	[tilespmem:s0+$0x5000] =	vst v3;
	s0 =	smov.u32 s2  }
0x114: {  	v3 =	vld [tilespmem:s0+$0x5000];
	_ =	sdelay $0x4  }
0x115: {  	v2 =	vadd.f32 v2, v3;
	_ =	sdelay $0x1  }
0x116: {  	[tilespmem:s0+$0x5000] =	vst v2  }
0x117: {  	[tilespmem:s28], [sflag:$0x1] =	stream.strided.gather [spmem:s18], $0x280, s26, s25, $0x38;
	[tilespmem:$0x7D00] =	vst v63  }
0x118: {  	_ =	swait.ge [sflag:s23], $0x280  }
0x119: {  	[sflag:s23] =	ssyncset.done $0x0  }
0x11a: {  	s0 =	simm.s32 $0x0;
	[sflag:s23] =	ssyncadd.s32 $0xFFFFFD80  }
0x11b: {  	s1 =	simm.s32 $0x40;
	v2 =	vld [tilespmem:s0+$0x5280]  }
.LBB2_32:
0x11c: {  	p0 =	sne.s32 s1, $0x9C0;
	v3 =	vld [tilespmem:s0+$0x5000];
	_ =	sdelay $0x2  }
.Ltmp15:
0x11d: {  	(pc) =	sbr.rel @p0 .LBB2_32-.Ltmp15, $4  }
0x11e: {  	_ = 	snop  }
0x11f: {  	v3 =	vadd.f32 v2, v3  }
0x120: {  	s2 =	sshra.s32 s1, $0x2  }
0x121: {  	s1 =	sadd.s32 $0x40, s1;
	v2 =	vld [tilespmem:s2+$0x5280];
	[tilespmem:s0+$0x5000] =	vst v3;
	s0 =	smov.u32 s2  }
0x122: {  	v3 =	vld [tilespmem:s0+$0x5000];
	_ =	sdelay $0x4  }
0x123: {  	v2 =	vadd.f32 v2, v3;
	_ =	sdelay $0x1  }
0x124: {  	[tilespmem:s0+$0x5000] =	vst v2  }
0x125: {  	[tilespmem:s28], [sflag:$0x1] =	stream.strided.gather [spmem:s19], $0x280, s26, s25, $0x38;
	[tilespmem:$0x7D00] =	vst v63  }
0x126: {  	_ =	swait.ge [sflag:s23], $0x280  }
0x127: {  	[sflag:s23] =	ssyncset.done $0x0  }
0x128: {  	s0 =	simm.s32 $0x0;
	[sflag:s23] =	ssyncadd.s32 $0xFFFFFD80  }
0x129: {  	s1 =	simm.s32 $0x40;
	v2 =	vld [tilespmem:s0+$0x5280]  }
.LBB2_34:
0x12a: {  	p0 =	sne.s32 s1, $0x9C0;
	v3 =	vld [tilespmem:s0+$0x5000];
	_ =	sdelay $0x2  }
.Ltmp16:
0x12b: {  	(pc) =	sbr.rel @p0 .LBB2_34-.Ltmp16, $4  }
0x12c: {  	_ = 	snop  }
0x12d: {  	v3 =	vadd.f32 v2, v3  }
0x12e: {  	s2 =	sshra.s32 s1, $0x2  }
0x12f: {  	s1 =	sadd.s32 $0x40, s1;
	v2 =	vld [tilespmem:s2+$0x5280];
	[tilespmem:s0+$0x5000] =	vst v3;
	s0 =	smov.u32 s2  }
0x130: {  	v3 =	vld [tilespmem:s0+$0x5000];
	_ =	sdelay $0x4  }
0x131: {  	v2 =	vadd.f32 v2, v3;
	_ =	sdelay $0x1  }
0x132: {  	[tilespmem:s0+$0x5000] =	vst v2  }
0x133: {  	[tilespmem:s28], [sflag:$0x1] =	stream.strided.gather [spmem:s20], $0x280, s26, s25, $0x38;
	[tilespmem:$0x7D00] =	vst v63  }
0x134: {  	_ =	swait.ge [sflag:s23], $0x280  }
0x135: {  	[sflag:s23] =	ssyncset.done $0x0  }
0x136: {  	s0 =	simm.s32 $0x0;
	[sflag:s23] =	ssyncadd.s32 $0xFFFFFD80  }
0x137: {  	s1 =	simm.s32 $0x40;
	v2 =	vld [tilespmem:s0+$0x5280]  }
.LBB2_36:
0x138: {  	p0 =	sne.s32 s1, $0x9C0;
	v3 =	vld [tilespmem:s0+$0x5000];
	_ =	sdelay $0x2  }
.Ltmp17:
0x139: {  	(pc) =	sbr.rel @p0 .LBB2_36-.Ltmp17, $4  }
0x13a: {  	_ = 	snop  }
0x13b: {  	v3 =	vadd.f32 v2, v3  }
0x13c: {  	s2 =	sshra.s32 s1, $0x2  }
0x13d: {  	s1 =	sadd.s32 $0x40, s1;
	v2 =	vld [tilespmem:s2+$0x5280];
	[tilespmem:s0+$0x5000] =	vst v3;
	s0 =	smov.u32 s2  }
0x13e: {  	v3 =	vld [tilespmem:s0+$0x5000];
	_ =	sdelay $0x4  }
0x13f: {  	s31 =	sadd.s32 $0x1, s31;
	v2 =	vadd.f32 v2, v3  }
0x140: {  	p0 =	sne.s32 s31, s22  }
.Ltmp18:
0x141: {  	[tilespmem:s0+$0x5000] =	vst v2;
	(pc) =	sbr.rel @p0 .LBB2_1-.Ltmp18, $4  }
0x142: {  	[hbm4b:s21+s25] =	stream.strided.scatter [tilespmem:s30], [sflag:$0x1], $0x280, s29, s25, $0x38;
	[tilespmem:$0x7D00] =	vst v63  }
0x143: {  	_ =	swait.ge [sflag:s23], $0x280  }
0x144: {  	[sflag:s23] =	ssyncset.done $0x0  }
0x145: {  	[sflag:s23] =	ssyncadd.s32 $0xFFFFFD80  }
0x146: {  	_ =	sfence.sel $0x180000  }
0x147: {  	[bflag:$0x0] =	sbarrier.arrive $0xFFFF  }
0x148: {  	_ =	strace $0x9000004A  }
0x149: {  	s0 =	stileid.u32;
	[bflag:$0x2] =	sbarrier.arrive $0xFFFF  }
0x14a: {  	p0 =	sne.s32 s0, $0x0;
	s0 =	rddreg [dreg:$0x2]  }
0x14b: {  	s0 =	sadd.s32 @!p0 $0x100000, s0  }
0x14c: {  	[sflag:s0] =	ssyncadd.tile.s32 @!p0 $0x1;
	_ =	shalt  }
.Lfunc_end2:
_tile_overlayer_lowered:
.L_overlay_start_2:
0x14d: {  	(tag) =	ssettag $0x2  }
0x14e: {  	s0 =	rddreg [dreg:$0x0];
	s2 =	stileid.u32  }
0x14f: {  	s1 =	rddreg [dreg:$0x1];
	p0 =	sne.s32 s2, $0x0  }
0x150: {  	s3 =	rddreg [dreg:$0x2];
	[bflag:$0x3] =	sbarrier.arrive $0xFFFF;
	s2 =	simm.s32 @!p0 $0x1C01  }
0x151: {  	[timem:s3], [sflag:s2] =	dma.local @!p0 [hbm:s0], s1  }
0x152: {  	s0 =	simm.s32 @!p0 $0x1  }
0x153: {  	_ =	swait.ge @!p0 [sflag:s0], s1  }
0x154: {  	s1 =	ssub.s32 @!p0 $0x0, s1;
	[sflag:s0] =	ssyncset.done @!p0 $0x0  }
0x155: {  	[sflag:s0] =	ssyncadd.s32 @!p0 s1  }
0x156: {  	[bflag:$0x3] =	sbarrier.arrive $0xFFFF  }
0x157: {  	_ =	shalt  }

// kernel: kernel.17.cloned.1.call-start
scs
__scs_entry_jumppad:
0x0: {  	(pc) =	sbr.rel $0x88, $3  }
0x1: {  	(tag) =	ssettag $0x0;
	lr =	simm.s32 $0x1  }
0x2: {  	[smem:$0x3F9A] =	sst lr;
	_ =	strace $0xD0000000  }
0x3: {  	_ = 	snop  }
0x4: {  	_ = 	snop  }
0x5: {  	_ = 	snop  }
0x6: {  	_ = 	snop  }
0x7: {  	_ = 	snop  }
__scs_overlays_trampoline_lowered:
0x8: {  	[smem:$0x3FA9] =	sst s0  }
0x9: {  	[smem:$0x3FAA] =	sst s1  }
0xa: {  	[smem:$0x3FAB] =	sst s2  }
0xb: {  	[smem:$0x3FAC] =	sst s3  }
0xc: {  	[smem:$0x3FAD] =	sst s4  }
0xd: {  	[smem:$0x3FAE] =	sst s5  }
0xe: {  	[smem:$0x3FAF] =	sst s6  }
0xf: {  	[smem:$0x3FB0] =	sst s7  }
0x10: {  	[smem:$0x3FB1] =	sst s8  }
0x11: {  	[smem:$0x3FB2] =	sst s9;
	s0 =	simm.s32 @!p0 $0x0  }
0x12: {  	s1 =	sld [smem:$0x3F98];
	s0 =	simm.s32 @p0 $0x1  }
0x13: {  	[smem:$0x3FB3] =	sst s0;
	s0 =	simm.s32 @!p1 $0x0  }
0x14: {  	s2 =	sld [smem:$0x3F97];
	s0 =	simm.s32 @p1 $0x1  }
0x15: {  	[smem:$0x3FB4] =	sst s0;
	s0 =	simm.s32 @!p2 $0x0  }
0x16: {  	s3 =	sld [smem:$0x3FDB];
	s0 =	simm.s32 @p2 $0x1  }
0x17: {  	s4 =	simm.s32 $0x1BF5;
	[smem:$0x3FB6] =	sst s0  }
0x18: {  	s0 =	sld [smem:$0x3F99];
	_ =	swait.ge [sflag:s4], $0x0  }
0x19: {  	s7 =	sld [smem:$0x3F9A]  }
0x1a: {  	s8 =	sadd.s32 $0xFFFFE003, lr  }
0x1b: {  	s9 =	sadd.s32 $0xFFFFFEF7, lr;
	s5 =	simm.s32 $0xFFFFFFFF;
	p2 =	slt.u32 s8, $0xFFFFF086  }
0x1c: {  	p1 =	slt.u32 s9, $0xF7A;
	s5 =	simm.s32 @!p2 $0x0  }
0x1d: {  	s5 =	simm.s32 @p1 $0x1;
	p0 =	seq.s32 s7, s2  }
0x1e: {  	s7 =	smul.u32 @!p0 $0xF7A, s2;
	p2 =	seq.s32 @!p0 s5, $0x0  }
0x1f: {  	s9 =	smul.u32 $0xF7A, s1;
	s8 =	simm.s32 @!p0 $0x1BF5;
	p2 =	por !p2, p0  }
0x20: {  	[sflag:s8] =	ssyncset.s32 @!p0 $0xFFFFF086;
	s6 =	sadd.s32 @!p0 s3, s7;
	s7 =	simm.s32 @!p0 $0x108  }
0x21: {  	s3 =	sadd.s32 s3, s9;
	s6 =	sadd.s32 @!p0 $0x88, s6;
	s7 =	simm.s32 @p2 $0x1082  }
0x22: {  	[simem:s7], [sflag:s8] =	dma.local @!p0 [hbm:s6], $0xF7A  }
0x23: {  	s9 =	sor.u32 $0xD0000000, s2;
	s6 =	simm.s32 $0x108;
	_ =	swait.ge @!p0 [sflag:s8], $0x0  }
0x24: {  	s3 =	sadd.s32 $0x88, s3;
	s6 =	simm.s32 @!p1 $0x1082;
	[sflag:s4] =	ssyncset.s32 $0xFFFFF086  }
0x25: {  	[simem:s6], [sflag:s4] =	dma.local [hbm:s3], $0xF7A  }
0x26: {  	[smem:$0x3F9A] =	sst s1;
	(tag) =	ssettag s2;
	_ =	strace s9  }
0x27: {  	s1 =	sld [smem:$0x3FAA]  }
0x28: {  	s2 =	sld [smem:$0x3FAB]  }
0x29: {  	s4 =	sld [smem:$0x3FAD]  }
0x2a: {  	p0 =	seq.s32 s5, $0x0;
	s5 =	sld [smem:$0x3FAE]  }
0x2b: {  	s6 =	sld [smem:$0x3FAF]  }
0x2c: {  	s7 =	sld [smem:$0x3FB0]  }
0x2d: {  	s3 =	simm.s32 $0x108;
	s8 =	sld [smem:$0x3FB1]  }
0x2e: {  	s3 =	simm.s32 @!p0 $0x1082;
	s9 =	sld [smem:$0x3FB2]  }
0x2f: {  	lr =	sadd.s32 s0, s3;
	s0 =	sld [smem:$0x3FA9]  }
0x30: {  	s3 =	sld [smem:$0x3FAC]  }
0x31: {  	[smem:$0x3FB5] =	sst s10  }
0x32: {  	s10 =	sld [smem:$0x3FB3];
	_ =	sdelay $0x3  }
0x33: {  	p0 =	seq.s32 s10, $0x1;
	s10 =	sld [smem:$0x3FB5];
	_ =	sdelay $0x3  }
0x34: {  	[smem:$0x3FB5] =	sst s10  }
0x35: {  	s10 =	sld [smem:$0x3FB4];
	_ =	sdelay $0x3  }
0x36: {  	p1 =	seq.s32 s10, $0x1;
	s10 =	sld [smem:$0x3FB5];
	_ =	sdelay $0x3  }
0x37: {  	[smem:$0x3FB5] =	sst s10  }
0x38: {  	s10 =	sld [smem:$0x3FB6]  }
0x39: {  	_ = 	snop;
	(pc) =	sbr.ind lr, $3  }
0x3a: {  	_ = 	snop  }
0x3b: {  	_ = 	snop  }
0x3c: {  	p2 =	seq.s32 s10, $0x1;
	s10 =	sld [smem:$0x3FB5]  }
0x3d: {  	_ =	shalt  }
0x3e: {  	_ =	shalt  }
0x3f: {  	_ =	shalt  }
0x40: {  	_ =	shalt  }
0x41: {  	_ =	shalt  }
0x42: {  	_ =	shalt  }
0x43: {  	_ =	shalt  }
0x44: {  	_ =	shalt  }
0x45: {  	_ =	shalt  }
0x46: {  	_ =	shalt  }
0x47: {  	_ =	shalt  }
0x48: {  	_ =	shalt  }
0x49: {  	_ =	shalt  }
0x4a: {  	_ =	shalt  }
0x4b: {  	_ =	shalt  }
0x4c: {  	_ =	shalt  }
0x4d: {  	_ =	shalt  }
0x4e: {  	_ =	shalt  }
0x4f: {  	_ =	shalt  }
0x50: {  	_ =	shalt  }
0x51: {  	_ =	shalt  }
0x52: {  	_ =	shalt  }
0x53: {  	_ =	shalt  }
0x54: {  	_ =	shalt  }
0x55: {  	_ =	shalt  }
0x56: {  	_ =	shalt  }
0x57: {  	_ =	shalt  }
0x58: {  	_ =	shalt  }
0x59: {  	_ =	shalt  }
0x5a: {  	_ =	shalt  }
0x5b: {  	_ =	shalt  }
0x5c: {  	_ =	shalt  }
0x5d: {  	_ =	shalt  }
0x5e: {  	_ =	shalt  }
0x5f: {  	_ =	shalt  }
0x60: {  	_ =	shalt  }
0x61: {  	_ =	shalt  }
0x62: {  	_ =	shalt  }
0x63: {  	_ =	shalt  }
0x64: {  	_ =	shalt  }
0x65: {  	_ =	shalt  }
0x66: {  	_ =	shalt  }
0x67: {  	_ =	shalt  }
0x68: {  	_ =	shalt  }
0x69: {  	_ =	shalt  }
0x6a: {  	_ =	shalt  }
0x6b: {  	_ =	shalt  }
0x6c: {  	_ =	shalt  }
0x6d: {  	_ =	shalt  }
0x6e: {  	_ =	shalt  }
0x6f: {  	_ =	shalt  }
0x70: {  	_ =	shalt  }
0x71: {  	_ =	shalt  }
0x72: {  	_ =	shalt  }
0x73: {  	_ =	shalt  }
0x74: {  	_ =	shalt  }
0x75: {  	_ =	shalt  }
0x76: {  	_ =	shalt  }
0x77: {  	_ =	shalt  }
0x78: {  	_ =	shalt  }
0x79: {  	_ =	shalt  }
0x7a: {  	_ =	shalt  }
0x7b: {  	_ =	shalt  }
0x7c: {  	_ =	shalt  }
0x7d: {  	_ =	shalt  }
0x7e: {  	_ =	shalt  }
0x7f: {  	_ =	shalt  }
0x80: {  	_ =	shalt  }
0x81: {  	_ =	shalt  }
0x82: {  	_ =	shalt  }
0x83: {  	_ =	shalt  }
0x84: {  	_ =	shalt  }
0x85: {  	_ =	shalt  }
0x86: {  	_ =	shalt  }
0x87: {  	_ =	shalt  }
.Lfunc_end0:
.L_simem_size_0:
called_computation.2_lowered:
.L_overlay_start_0:
0x88: {  	s2 =	sld [smem:$0x3FD9]  }
0x89: {  	s3 =	sld [smem:$0x3FFE];
	_ =	sdelay $0x1  }
0x8a: {  	s1 =	srdreg.scid  }
0x8b: {  	s0 =	sand.u32 $0x1, s1  }
0x8c: {  	s15 =	sshll.u32 s0, $0xA;
	s2 =	sadd.s32 s3, s2  }
0x8d: {  	s2 =	sadd.s32 s2, s15  }
0x8e: {  	[smem:$0x3FC1] =	sst s2  }
0x8f: {  	_ = 	snop  }
0x90: {  	s2 =	sld [smem:$0x3FD0];
	_ =	sdelay $0x2  }
0x91: {  	s4 =	simm.s32 $0xB;
	s16 =	simm.s32 $0x10  }
0x92: {  	[smem:s16], [sflag:s4] =	dma.local [hbm:s2], $0x1  }
0x93: {  	_ =	swait.eq [sflag:s4], $0x1  }
0x94: {  	[sflag:s4] =	ssyncset.done $0x0  }
0x95: {  	s17 =	sld [smem:$0x10];
	[sflag:s4] =	ssyncadd.s32 $0xFFFFFFFF  }
0x96: {  	s18 =	sld [smem:$0x11];
	(tm) =	ssettm $0x1  }
0x97: {  	s19 =	sld [smem:$0x3FFB];
	_ =	sdelay $0x3  }
0x98: {  	_ =	strace s19  }
0x99: {  	s2 =	sld [smem:$0x3FFC];
	_ =	sdelay $0x3  }
0x9a: {  	_ =	strace s2  }
0x9b: {  	s2 =	sld [smem:$0x3FFD];
	_ =	sdelay $0x3  }
0x9c: {  	_ =	strace s2  }
0x9d: {  	_ =	strace $0x8FFFFFFF  }
0x9e: {  	s20 =	sld [smem:$0x3FDB];
	_ =	sdelay $0x1  }
0x9f: {  	s5 =	simm.s32 $_scs_section_size  }
0xa0: {  	s6 =	simm.s32 $_size__tile_overlayer_lowered;
	s7 =	simm.s32 $_tile_overlayer_lowered  }
0xa1: {  	s8 =	simm.s32 $0x1BFF;
	s21 =	sshll.u32 s7, $0x1;
	s5 =	sadd.s32 s5, s20  }
0xa2: {  	s22 =	simm.s32 $0x0;
	s6 =	sshll.u32 s6, $0x1;
	s7 =	sadd.s32 s21, s5  }
0xa3: {  	[timem:s22], [sflag:s8] =	dma.local [hbm:s7], s6  }
0xa4: {  	_ =	swait.ge [sflag:s8], s6  }
0xa5: {  	s6 =	ssub.s32 $0x0, s6;
	[sflag:s8] =	ssyncset.done $0x0  }
0xa6: {  	[sflag:s8] =	ssyncadd.s32 s6;
	_ =	sdelay $0x1  }
0xa7: {  	s23 =	simm.s32 $0x1B8B  }
0xa8: {  	_ =	swait.ge [sflag:s23], $0x1  }
0xa9: {  	[sflag:s23] =	ssyncset.done $0x0  }
0xaa: {  	[sflag:s23] =	ssyncadd.s32 $0xFFFFFFFF  }
0xab: {  	s6 =	sld [smem:$0x0]  }
0xac: {  	s7 =	sand.u32 $0xFFFFFFFE, s1  }
0xad: {  	p0 =	sne.s32 s1, s7  }
0xae: {  	s7 =	sshll.u32 @p0 s7, $0xE  }
0xaf: {  	s7 =	sadd.s32 @p0 $0x11B8D, s7;
	s8 =	sshll.u32 @p0 s6, $0x11  }
0xb0: {  	s7 =	sor.u32 @p0 s8, s7  }
0xb1: {  	[sflag:s7] =	ssyncadd.remote.s32 @p0 $0x1;
	_ =	sdelay $0x1  }
0xb2: {  	s7 =	simm.s32 @p0 $0x1B8D  }
0xb3: {  	_ =	swait.eq @p0 [sflag:s7], $0x1  }
0xb4: {  	[sflag:s7] =	ssyncadd.s32 @p0 $0xFFFFFFFF  }
0xb5: {  	s8 =	sshll.u32 @!p0 s1, $0xE  }
0xb6: {  	s8 =	sor.u32 @!p0 $0x4000, s8;
	s7 =	simm.s32 @!p0 $0x1B8D  }
0xb7: {  	s6 =	sshll.u32 @!p0 s6, $0x11;
	s8 =	sadd.s32 @!p0 $0x11B8D, s8;
	_ =	swait.eq @!p0 [sflag:s7], $0x1  }
0xb8: {  	s6 =	sor.u32 @!p0 s6, s8;
	[sflag:s7] =	ssyncadd.s32 @!p0 $0xFFFFFFFF  }
0xb9: {  	s25 =	simm.s32 $0x1B8E;
	s24 =	sld [smem:$0x3FFE];
	[sflag:s6] =	ssyncadd.remote.s32 @!p0 $0x1  }
0xba: {  	s26 =	simm.s32 $execute0_lowered;
	[smem:$0x3FD2] =	sst s25  }
0xbb: {  	s7 =	sshll.u32 s26, $0x1;
	_ =	strace $0x8000004C;
	[dreg:$0x1] =	wrdreg $0xFFFFFFFF  }
0xbc: {  	s28 =	simm.s32 $_size_execute0_lowered;
	s5 =	sadd.s32 s5, s7;
	[dreg:$0x0] =	wrdreg $0x0  }
0xbd: {  	s7 =	sshll.u32 s28, $0x1;
	[dreg:$0x2] =	wrdreg s5  }
0xbe: {  	[dreg:$0x3] =	wrdreg s7  }
0xbf: {  	[dreg:$0x4] =	wrdreg $0xC0  }
0xc0: {  	_ =	task [dreg:s22], $0x5FFFF  }
0xc1: {  	[dreg:$0x1] =	wrdreg $0xFFFFFFFF  }
0xc2: {  	[dreg:$0x0] =	wrdreg $0x60  }
0xc3: {  	[dreg:$0x2] =	wrdreg s24  }
0xc4: {  	[dreg:$0x3] =	wrdreg s18  }
0xc5: {  	[dreg:$0x4] =	wrdreg s17  }
0xc6: {  	[dreg:$0x5] =	wrdreg $0x90000  }
0xc7: {  	[dreg:$0x6] =	wrdreg $0xA  }
0xc8: {  	_ =	task.clear_ibuf [dreg:s22], $0x7FFFF;
	_ =	strace $0x9000004C  }
0xc9: {  	s29 =	simm.s32 $0xA;
	_ =	strace $0x8000004E  }
0xca: {  	_ =	swait.ge [sflag:s29], $0x1  }
0xcb: {  	[sflag:s29] =	ssyncadd.s32 $0xFFFFFFFF  }
0xcc: {  	_ =	strace $0x9000004E  }
0xcd: {  	_ =	sfence  }
0xce: {  	s30 =	sld [smem:$0x0];
	_ =	sdelay $0x2  }
0xcf: {  	s31 =	sshll.u32 s1, $0xD;
	s1 =	sshrl.u32 s1, $0x2  }
0xd0: {  	s4 =	sand.u32 $0x4000, s31;
	s1 =	sadd.s32 s1, s30  }
0xd1: {  	s0 =	sor.u32 s4, s0;
	s1 =	sshll.u32 s1, $0x11  }
0xd2: {  	s0 =	sor.u32 s1, s0  }
0xd3: {  	s0 =	sadd.s32 $0x8F2B, s0  }
0xd4: {  	[sflag:s0] =	ssyncadd.remote.s32 $0x1  }
0xd5: {  	_ =	sfence.sel $0xFFFF  }
0xd6: {  	[dreg:$0x0] =	wrdreg $0xFFFFFFFF;
	(pc) =	sbr.abs _section_cstart, $3  }
0xd7: {  	[dreg:$0x1] =	wrdreg $0xFFFFFFFF  }
0xd8: {  	_ =	task.clear_ibuf [dreg:s22], $0x2FFFF;
	_ =	strace $0x9FFFFFFF  }
0xd9: {  	(tm) =	ssettm $0x7FFFFFFF  }
tec
execute0_lowered:
.L_overlay_start_1:
0x0: {  	(tag) =	ssettag $0x1  }
0x1: {  	s5 =	rddreg [dreg:$0x0]  }
0x2: {  	s6 =	rddreg [dreg:$0x1]  }
0x3: {  	s12 =	rddreg [dreg:$0x2];
	s0 =	srdreg.scid  }
0x4: {  	s2 =	rddreg [dreg:$0x3];
	s1 =	stileid.u32  }
0x5: {  	s3 =	simm.s32 $0x0;
	s15 =	simm.s32 $0x2800;
	s16 =	simm.s32 $0x5000  }
0x6: {  	s17 =	simm.s32 $0x80;
	s18 =	simm.s32 $0x1;
	s19 =	simm.s32 $0x2  }
0x7: {  	s7 =	sand.u32 $0x1, s0;
	s0 =	rddreg [dreg:$0x4];
	s9 =	smul.u32 $0x2800, s1  }
0x8: {  	s22 =	simm.s32 $0x0;
	[smem:$0x7FF] =	sst s3;
	s10 =	smul.u32 $0x50000, s1  }
0x9: {  	s4 =	sadd.s32 $0xE600, s5;
	s31 =	smul.u32 $0x14000, s1;
	s20 =	sshll.u32 s1, $0x6  }
0xa: {  	s8 =	smul.u32 $0x28000, s7;
	_ =	strace $0x8000004D;
	s28 =	ssub.s32 $0x2, s7  }
0xb: {  	s13 =	smul.u32 $0x140000, s7;
	s20 =	sor.u32 $0x1C03, s20;
	s29 =	sshrl.u32 s28, $0x1  }
0xc: {  	s30 =	sshrl.u32 s10, $0x2;
	s8 =	sadd.s32 s9, s8;
	s14 =	ssub.s32 s28, s29  }
0xd: {  	s7 =	sadd.s32 s30, s2;
	s13 =	sadd.s32 s31, s13;
	s8 =	sshrl.u32 s8, $0x3  }
0xe: {  	s9 =	sadd.s32 $0x8000, s7;
	s10 =	sadd.s32 $0xC000, s7;
	s13 =	sshrl.u32 s13, $0x3  }
0xf: {  	s21 =	sshrl.u32 s7, $0x3;
	s11 =	sadd.s32 s8, s5;
	s5 =	sadd.s32 s6, s8  }
0x10: {  	s8 =	sadd.s32 $0x4000, s7;
	s12 =	sadd.s32 s12, s13;
	s13 =	smax.u32 s14, $0x1  }
0x11: {  	v0 =	vimm.f32 $0.0e+00;
	s14 =	simm.s32 $0x3;
	s6 =	sadd.s32 $0x3C00, s11;
	s11 =	sadd.s32 $0x10000, s7  }
.LBB2_1:
0x12: {  	[tilespmem:s3], [sflag:$0x3] =	stream.linear.gather [hbm4b:s5+s3], $0x2800, $0x38;
	[tilespmem:$0x1D000] =	vst v63  }
0x13: {  	_ =	swait.ge [sflag:s14], $0x2800  }
0x14: {  	[sflag:s14] =	ssyncset.done $0x0  }
0x15: {  	[sflag:s14] =	ssyncadd.s32 $0xFFFFD800  }
0x16: {  	[tilespmem:s15], [sflag:$0x3] =	stream.linear.gather [hbm4b:s6+s3], $0x2800, $0x38;
	[tilespmem:$0x1D000] =	vst v63  }
0x17: {  	_ =	swait.ge [sflag:s14], $0x2800  }
0x18: {  	[sflag:s14] =	ssyncset.done $0x0  }
0x19: {  	s23 =	simm.s32 $0x0;
	s24 =	simm.s32 $0x200;
	[sflag:s14] =	ssyncadd.s32 $0xFFFFD800  }
.LBB2_2:
0x1a: {  	p0 =	sne.s32 s24, $0xFE00;
	[tilespmem:s23+$0x5070] =	vst v0  }
0x1b: {  	[tilespmem:s23+$0x5000] =	vst v0  }
0x1c: {  	[tilespmem:s23+$0x5010] =	vst v0  }
.Ltmp0:
0x1d: {  	[tilespmem:s23+$0x5020] =	vst v0;
	(pc) =	sbr.rel @p0 .LBB2_2-.Ltmp0, $4  }
0x1e: {  	[tilespmem:s23+$0x5030] =	vst v0  }
0x1f: {  	[tilespmem:s23+$0x5040] =	vst v0  }
0x20: {  	[tilespmem:s23+$0x5050] =	vst v0  }
0x21: {  	[tilespmem:s23+$0x5060] =	vst v0;
	s23 =	sshra.s32 s24, $0x2;
	s24 =	sadd.s32 $0x200, s24  }
0x22: {  	[tilespmem:s23+$0x5070] =	vst v0  }
0x23: {  	[tilespmem:s23+$0x5000] =	vst v0  }
0x24: {  	[tilespmem:s23+$0x5010] =	vst v0  }
0x25: {  	[tilespmem:s23+$0x5020] =	vst v0  }
0x26: {  	[tilespmem:s23+$0x5030] =	vst v0  }
0x27: {  	[tilespmem:s23+$0x5040] =	vst v0  }
0x28: {  	[tilespmem:s23+$0x5050] =	vst v0  }
0x29: {  	[tilespmem:s23+$0x5060] =	vst v0  }
0x2a: {  	[spmem:s7] =	stream.linear.scatter [tilespmem:s16], [sflag:$0x3], $0x4000, $0x38;
	[tilespmem:$0x1D000] =	vst v63  }
0x2b: {  	_ =	swait.ge [sflag:s14], $0x4000  }
0x2c: {  	[sflag:s14] =	ssyncset.done $0x0  }
0x2d: {  	[sflag:s14] =	ssyncadd.s32 $0xFFFFC000  }
0x2e: {  	[spmem:s8] =	stream.linear.scatter [tilespmem:s16], [sflag:$0x3], $0x4000, $0x38;
	[tilespmem:$0x1D000] =	vst v63  }
0x2f: {  	_ =	swait.ge [sflag:s14], $0x4000  }
0x30: {  	[sflag:s14] =	ssyncset.done $0x0  }
0x31: {  	[sflag:s14] =	ssyncadd.s32 $0xFFFFC000  }
0x32: {  	[spmem:s9] =	stream.linear.scatter [tilespmem:s16], [sflag:$0x3], $0x4000, $0x38;
	[tilespmem:$0x1D000] =	vst v63  }
0x33: {  	_ =	swait.ge [sflag:s14], $0x4000  }
0x34: {  	[sflag:s14] =	ssyncset.done $0x0  }
0x35: {  	[sflag:s14] =	ssyncadd.s32 $0xFFFFC000  }
0x36: {  	[spmem:s10] =	stream.linear.scatter [tilespmem:s16], [sflag:$0x3], $0x4000, $0x38;
	[tilespmem:$0x1D000] =	vst v63  }
0x37: {  	_ =	swait.ge [sflag:s14], $0x4000  }
0x38: {  	[sflag:s14] =	ssyncset.done $0x0  }
0x39: {  	[sflag:s14] =	ssyncadd.s32 $0xFFFFC000  }
0x3a: {  	[spmem:s11] =	stream.linear.scatter [tilespmem:s16], [sflag:$0x3], $0x4000, $0x38;
	[tilespmem:$0x1D000] =	vst v63  }
0x3b: {  	_ =	swait.ge [sflag:s14], $0x4000  }
0x3c: {  	[sflag:s14] =	ssyncset.done $0x0  }
0x3d: {  	[sflag:s14] =	ssyncadd.s32 $0xFFFFC000  }
0x3e: {  	s30 =	simm.s32 $0x0;
	[bflag:$0x0] =	sbarrier.arrive $0xFFFF  }
0x3f: {  	[tilespmem:s16], [sflag:$0x1] =	stream.indirect.gather [hbm4b:s4+s17], $0x80, s30, s17, $0xb8;
	[tilespmem:$0x1D000] =	vst v63  }
0x40: {  	_ =	swait.ge [sflag:s18], $0x4000  }
0x41: {  	[sflag:s18] =	ssyncset.done $0x0  }
0x42: {  	s31 =	simm.s32 $0x2800;
	[sflag:s18] =	ssyncadd.s32 $0xFFFFC000  }
0x43: {  	[spmem:s2] =	stream.indirect.scatter.add.f32 [tilespmem:s16], [sflag:$0x2], $0x80, s31, s17, $0xb8;
	[tilespmem:$0x1D000] =	vst v63  }
0x44: {  	_ =	swait.ge [sflag:s19], $0x4000  }
0x45: {  	s23 =	simm.s32 $0x200;
	s24 =	simm.s32 $0x400;
	[sflag:s19] =	ssyncset.done $0x0  }
.LBB2_4:
0x46: {  	s25 =	sshra.s32 s23, $0x2  }
0x47: {  	[sflag:s19] =	ssyncadd.s32 $0xFFFFC000;
	s23 =	smov.u32 s24;
	s26 =	sadd.s32 $0x200, s24  }
0x48: {  	[tilespmem:s16], [sflag:$0x1] =	stream.indirect.gather [hbm4b:s4+s17], $0x80, s25, s17, $0xb8;
	[tilespmem:$0x1D000] =	vst v63  }
0x49: {  	p0 =	sne.s32 s24, $0x9E00;
	_ =	swait.ge [sflag:s18], $0x4000  }
.Ltmp1:
0x4a: {  	[sflag:s18] =	ssyncset.done $0x0;
	(pc) =	sbr.rel @p0 .LBB2_4-.Ltmp1, $4  }
0x4b: {  	s24 =	sadd.s32 $0x2800, s25;
	[sflag:s18] =	ssyncadd.s32 $0xFFFFC000  }
0x4c: {  	[spmem:s2] =	stream.indirect.scatter.add.f32 [tilespmem:s16], [sflag:$0x2], $0x80, s24, s17, $0xb8;
	[tilespmem:$0x1D000] =	vst v63  }
0x4d: {  	_ =	swait.ge [sflag:s19], $0x4000  }
0x4e: {  	s24 =	smov.u32 s26;
	[sflag:s19] =	ssyncset.done $0x0  }
0x4f: {  	s23 =	sshra.s32 s23, $0x2;
	[sflag:s19] =	ssyncadd.s32 $0xFFFFC000  }
0x50: {  	[tilespmem:s16], [sflag:$0x1] =	stream.indirect.gather [hbm4b:s4+s17], $0x80, s23, s17, $0xb8;
	[tilespmem:$0x1D000] =	vst v63  }
0x51: {  	_ =	swait.ge [sflag:s18], $0x4000  }
0x52: {  	[sflag:s18] =	ssyncset.done $0x0  }
0x53: {  	s23 =	sadd.s32 $0x2800, s23;
	[sflag:s18] =	ssyncadd.s32 $0xFFFFC000  }
0x54: {  	[spmem:s2] =	stream.indirect.scatter.add.f32 [tilespmem:s16], [sflag:$0x2], $0x80, s23, s17, $0xb8;
	[tilespmem:$0x1D000] =	vst v63  }
0x55: {  	_ =	swait.ge [sflag:s19], $0x4000  }
0x56: {  	s22 =	sadd.s32 $0x1, s22;
	[sflag:s19] =	ssyncset.done $0x0  }
0x57: {  	p0 =	sne.s32 s22, s13;
	[sflag:s19] =	ssyncadd.s32 $0xFFFFC000  }
.Ltmp2:
0x58: {  	[bflag:$0x0] =	sbarrier.arrive $0xFFFF;
	(pc) =	sbr.rel @p0 .LBB2_1-.Ltmp2, $4  }
0x59: {  	[hbm:s12], [sflag:s20] =	dma.local [spmem:s21], $0x2800  }
0x5a: {  	_ =	swait.ge [sflag:s14], $0x2800  }
0x5b: {  	[sflag:s14] =	ssyncset.done $0x0  }
0x5c: {  	[sflag:s14] =	ssyncadd.s32 $0xFFFFD800  }
0x5d: {  	_ =	sfence.sel $0x180000  }
0x5e: {  	[bflag:$0x0] =	sbarrier.arrive $0xFFFF  }
0x5f: {  	p0 =	sne.s32 s1, $0x0;
	_ =	strace $0x9000004D  }
0x60: {  	s0 =	sadd.s32 @!p0 $0x100000, s0;
	[bflag:$0x2] =	sbarrier.arrive $0xFFFF  }
0x61: {  	[sflag:s0] =	ssyncadd.tile.s32 @!p0 $0x1;
	_ =	shalt  }
.Lfunc_end2:
_tile_overlayer_lowered:
.L_overlay_start_2:
0x62: {  	(tag) =	ssettag $0x2  }
0x63: {  	s0 =	rddreg [dreg:$0x0];
	s2 =	stileid.u32  }
0x64: {  	s1 =	rddreg [dreg:$0x1];
	p0 =	sne.s32 s2, $0x0  }
0x65: {  	s3 =	rddreg [dreg:$0x2];
	[bflag:$0x3] =	sbarrier.arrive $0xFFFF;
	s2 =	simm.s32 @!p0 $0x1C03  }
0x66: {  	[timem:s3], [sflag:s2] =	dma.local @!p0 [hbm:s0], s1  }
0x67: {  	s0 =	simm.s32 @!p0 $0x3  }
0x68: {  	_ =	swait.ge @!p0 [sflag:s0], s1  }
0x69: {  	s1 =	ssub.s32 @!p0 $0x0, s1;
	[sflag:s0] =	ssyncset.done @!p0 $0x0  }
0x6a: {  	[sflag:s0] =	ssyncadd.s32 @!p0 s1  }
0x6b: {  	[bflag:$0x3] =	sbarrier.arrive $0xFFFF  }
0x6c: {  	_ =	shalt  }

// kernel: kernel.20.cloned.1.call-start
scs
__scs_entry_jumppad:
0x0: {  	(pc) =	sbr.rel $0x88, $3  }
0x1: {  	(tag) =	ssettag $0x0;
	lr =	simm.s32 $0x1  }
0x2: {  	[smem:$0x3F9A] =	sst lr;
	_ =	strace $0xD0000000  }
0x3: {  	_ = 	snop  }
0x4: {  	_ = 	snop  }
0x5: {  	_ = 	snop  }
0x6: {  	_ = 	snop  }
0x7: {  	_ = 	snop  }
__scs_overlays_trampoline_lowered:
0x8: {  	[smem:$0x3FA9] =	sst s0  }
0x9: {  	[smem:$0x3FAA] =	sst s1  }
0xa: {  	[smem:$0x3FAB] =	sst s2  }
0xb: {  	[smem:$0x3FAC] =	sst s3  }
0xc: {  	[smem:$0x3FAD] =	sst s4  }
0xd: {  	[smem:$0x3FAE] =	sst s5  }
0xe: {  	[smem:$0x3FAF] =	sst s6  }
0xf: {  	[smem:$0x3FB0] =	sst s7  }
0x10: {  	[smem:$0x3FB1] =	sst s8  }
0x11: {  	[smem:$0x3FB2] =	sst s9;
	s0 =	simm.s32 @!p0 $0x0  }
0x12: {  	s1 =	sld [smem:$0x3F98];
	s0 =	simm.s32 @p0 $0x1  }
0x13: {  	[smem:$0x3FB3] =	sst s0;
	s0 =	simm.s32 @!p1 $0x0  }
0x14: {  	s2 =	sld [smem:$0x3F97];
	s0 =	simm.s32 @p1 $0x1  }
0x15: {  	[smem:$0x3FB4] =	sst s0;
	s0 =	simm.s32 @!p2 $0x0  }
0x16: {  	s3 =	sld [smem:$0x3FDB];
	s0 =	simm.s32 @p2 $0x1  }
0x17: {  	s4 =	simm.s32 $0x1BF5;
	[smem:$0x3FB6] =	sst s0  }
0x18: {  	s0 =	sld [smem:$0x3F99];
	_ =	swait.ge [sflag:s4], $0x0  }
0x19: {  	s7 =	sld [smem:$0x3F9A]  }
0x1a: {  	s8 =	sadd.s32 $0xFFFFE003, lr  }
0x1b: {  	s9 =	sadd.s32 $0xFFFFFEF7, lr;
	s5 =	simm.s32 $0xFFFFFFFF;
	p2 =	slt.u32 s8, $0xFFFFF086  }
0x1c: {  	p1 =	slt.u32 s9, $0xF7A;
	s5 =	simm.s32 @!p2 $0x0  }
0x1d: {  	s5 =	simm.s32 @p1 $0x1;
	p0 =	seq.s32 s7, s2  }
0x1e: {  	s7 =	smul.u32 @!p0 $0xF7A, s2;
	p2 =	seq.s32 @!p0 s5, $0x0  }
0x1f: {  	s9 =	smul.u32 $0xF7A, s1;
	s8 =	simm.s32 @!p0 $0x1BF5;
	p2 =	por !p2, p0  }
0x20: {  	[sflag:s8] =	ssyncset.s32 @!p0 $0xFFFFF086;
	s6 =	sadd.s32 @!p0 s3, s7;
	s7 =	simm.s32 @!p0 $0x108  }
0x21: {  	s3 =	sadd.s32 s3, s9;
	s6 =	sadd.s32 @!p0 $0x88, s6;
	s7 =	simm.s32 @p2 $0x1082  }
0x22: {  	[simem:s7], [sflag:s8] =	dma.local @!p0 [hbm:s6], $0xF7A  }
0x23: {  	s9 =	sor.u32 $0xD0000000, s2;
	s6 =	simm.s32 $0x108;
	_ =	swait.ge @!p0 [sflag:s8], $0x0  }
0x24: {  	s3 =	sadd.s32 $0x88, s3;
	s6 =	simm.s32 @!p1 $0x1082;
	[sflag:s4] =	ssyncset.s32 $0xFFFFF086  }
0x25: {  	[simem:s6], [sflag:s4] =	dma.local [hbm:s3], $0xF7A  }
0x26: {  	[smem:$0x3F9A] =	sst s1;
	(tag) =	ssettag s2;
	_ =	strace s9  }
0x27: {  	s1 =	sld [smem:$0x3FAA]  }
0x28: {  	s2 =	sld [smem:$0x3FAB]  }
0x29: {  	s4 =	sld [smem:$0x3FAD]  }
0x2a: {  	p0 =	seq.s32 s5, $0x0;
	s5 =	sld [smem:$0x3FAE]  }
0x2b: {  	s6 =	sld [smem:$0x3FAF]  }
0x2c: {  	s7 =	sld [smem:$0x3FB0]  }
0x2d: {  	s3 =	simm.s32 $0x108;
	s8 =	sld [smem:$0x3FB1]  }
0x2e: {  	s3 =	simm.s32 @!p0 $0x1082;
	s9 =	sld [smem:$0x3FB2]  }
0x2f: {  	lr =	sadd.s32 s0, s3;
	s0 =	sld [smem:$0x3FA9]  }
0x30: {  	s3 =	sld [smem:$0x3FAC]  }
0x31: {  	[smem:$0x3FB5] =	sst s10  }
0x32: {  	s10 =	sld [smem:$0x3FB3];
	_ =	sdelay $0x3  }
0x33: {  	p0 =	seq.s32 s10, $0x1;
	s10 =	sld [smem:$0x3FB5];
	_ =	sdelay $0x3  }
0x34: {  	[smem:$0x3FB5] =	sst s10  }
0x35: {  	s10 =	sld [smem:$0x3FB4];
	_ =	sdelay $0x3  }
0x36: {  	p1 =	seq.s32 s10, $0x1;
	s10 =	sld [smem:$0x3FB5];
	_ =	sdelay $0x3  }
0x37: {  	[smem:$0x3FB5] =	sst s10  }
0x38: {  	s10 =	sld [smem:$0x3FB6]  }
0x39: {  	_ = 	snop;
	(pc) =	sbr.ind lr, $3  }
0x3a: {  	_ = 	snop  }
0x3b: {  	_ = 	snop  }
0x3c: {  	p2 =	seq.s32 s10, $0x1;
	s10 =	sld [smem:$0x3FB5]  }
0x3d: {  	_ =	shalt  }
0x3e: {  	_ =	shalt  }
0x3f: {  	_ =	shalt  }
0x40: {  	_ =	shalt  }
0x41: {  	_ =	shalt  }
0x42: {  	_ =	shalt  }
0x43: {  	_ =	shalt  }
0x44: {  	_ =	shalt  }
0x45: {  	_ =	shalt  }
0x46: {  	_ =	shalt  }
0x47: {  	_ =	shalt  }
0x48: {  	_ =	shalt  }
0x49: {  	_ =	shalt  }
0x4a: {  	_ =	shalt  }
0x4b: {  	_ =	shalt  }
0x4c: {  	_ =	shalt  }
0x4d: {  	_ =	shalt  }
0x4e: {  	_ =	shalt  }
0x4f: {  	_ =	shalt  }
0x50: {  	_ =	shalt  }
0x51: {  	_ =	shalt  }
0x52: {  	_ =	shalt  }
0x53: {  	_ =	shalt  }
0x54: {  	_ =	shalt  }
0x55: {  	_ =	shalt  }
0x56: {  	_ =	shalt  }
0x57: {  	_ =	shalt  }
0x58: {  	_ =	shalt  }
0x59: {  	_ =	shalt  }
0x5a: {  	_ =	shalt  }
0x5b: {  	_ =	shalt  }
0x5c: {  	_ =	shalt  }
0x5d: {  	_ =	shalt  }
0x5e: {  	_ =	shalt  }
0x5f: {  	_ =	shalt  }
0x60: {  	_ =	shalt  }
0x61: {  	_ =	shalt  }
0x62: {  	_ =	shalt  }
0x63: {  	_ =	shalt  }
0x64: {  	_ =	shalt  }
0x65: {  	_ =	shalt  }
0x66: {  	_ =	shalt  }
0x67: {  	_ =	shalt  }
0x68: {  	_ =	shalt  }
0x69: {  	_ =	shalt  }
0x6a: {  	_ =	shalt  }
0x6b: {  	_ =	shalt  }
0x6c: {  	_ =	shalt  }
0x6d: {  	_ =	shalt  }
0x6e: {  	_ =	shalt  }
0x6f: {  	_ =	shalt  }
0x70: {  	_ =	shalt  }
0x71: {  	_ =	shalt  }
0x72: {  	_ =	shalt  }
0x73: {  	_ =	shalt  }
0x74: {  	_ =	shalt  }
0x75: {  	_ =	shalt  }
0x76: {  	_ =	shalt  }
0x77: {  	_ =	shalt  }
0x78: {  	_ =	shalt  }
0x79: {  	_ =	shalt  }
0x7a: {  	_ =	shalt  }
0x7b: {  	_ =	shalt  }
0x7c: {  	_ =	shalt  }
0x7d: {  	_ =	shalt  }
0x7e: {  	_ =	shalt  }
0x7f: {  	_ =	shalt  }
0x80: {  	_ =	shalt  }
0x81: {  	_ =	shalt  }
0x82: {  	_ =	shalt  }
0x83: {  	_ =	shalt  }
0x84: {  	_ =	shalt  }
0x85: {  	_ =	shalt  }
0x86: {  	_ =	shalt  }
0x87: {  	_ =	shalt  }
.Lfunc_end0:
.L_simem_size_0:
called_computation.3_lowered:
.L_overlay_start_0:
0x88: {  	s2 =	sld [smem:$0x3FD9]  }
0x89: {  	s3 =	sld [smem:$0x3FFE];
	_ =	sdelay $0x1  }
0x8a: {  	s1 =	srdreg.scid  }
0x8b: {  	s0 =	sand.u32 $0x1, s1  }
0x8c: {  	s14 =	sshll.u32 s0, $0xA;
	s2 =	sadd.s32 s3, s2  }
0x8d: {  	s2 =	sadd.s32 s2, s14  }
0x8e: {  	[smem:$0x3FC1] =	sst s2  }
0x8f: {  	_ = 	snop  }
0x90: {  	s2 =	sld [smem:$0x3FD0];
	_ =	sdelay $0x2  }
0x91: {  	s15 =	simm.s32 $0xB;
	s4 =	simm.s32 $0x10  }
0x92: {  	[smem:s4], [sflag:s15] =	dma.local [hbm:s2], $0x1  }
0x93: {  	_ =	swait.eq [sflag:s15], $0x1  }
0x94: {  	[sflag:s15] =	ssyncset.done $0x0  }
0x95: {  	s16 =	sld [smem:$0x10];
	[sflag:s15] =	ssyncadd.s32 $0xFFFFFFFF  }
0x96: {  	s17 =	sld [smem:$0x11];
	(tm) =	ssettm $0x1  }
0x97: {  	s18 =	sld [smem:$0x3FFB];
	_ =	sdelay $0x3  }
0x98: {  	_ =	strace s18  }
0x99: {  	s4 =	sld [smem:$0x3FFC];
	_ =	sdelay $0x3  }
0x9a: {  	_ =	strace s4  }
0x9b: {  	s4 =	sld [smem:$0x3FFD];
	_ =	sdelay $0x3  }
0x9c: {  	_ =	strace s4  }
0x9d: {  	_ =	strace $0x8FFFFFFF  }
0x9e: {  	s19 =	sld [smem:$0x3FDB];
	_ =	sdelay $0x1  }
0x9f: {  	s5 =	simm.s32 $_scs_section_size  }
0xa0: {  	s6 =	simm.s32 $_size__tile_overlayer_lowered;
	s7 =	simm.s32 $_tile_overlayer_lowered  }
0xa1: {  	s22 =	simm.s32 $0x1BFF;
	s21 =	sshll.u32 s7, $0x1;
	s4 =	sadd.s32 s5, s19  }
0xa2: {  	s8 =	simm.s32 $0x0;
	s20 =	sshll.u32 s6, $0x1;
	s6 =	sadd.s32 s21, s4  }
0xa3: {  	[timem:s8], [sflag:s22] =	dma.local [hbm:s6], s20  }
0xa4: {  	_ =	swait.ge [sflag:s22], s20  }
0xa5: {  	s5 =	ssub.s32 $0x0, s20;
	[sflag:s22] =	ssyncset.done $0x0  }
0xa6: {  	[sflag:s22] =	ssyncadd.s32 s5;
	_ =	sdelay $0x1  }
0xa7: {  	s23 =	simm.s32 $0x1B8B  }
0xa8: {  	_ =	swait.ge [sflag:s23], $0x1  }
0xa9: {  	[sflag:s23] =	ssyncset.done $0x0  }
0xaa: {  	s25 =	simm.s32 $0x1B8E;
	s24 =	sld [smem:$0x3FFE];
	[sflag:s23] =	ssyncadd.s32 $0xFFFFFFFF  }
0xab: {  	s26 =	simm.s32 $execute0_lowered;
	[smem:$0x3FD2] =	sst s25  }
0xac: {  	s6 =	sshll.u32 s26, $0x1;
	_ =	strace $0x8000004F;
	[dreg:$0x1] =	wrdreg $0xFFFFFFFF  }
0xad: {  	s28 =	simm.s32 $_size_execute0_lowered;
	s4 =	sadd.s32 s4, s6;
	[dreg:$0x0] =	wrdreg $0x0  }
0xae: {  	s6 =	sshll.u32 s28, $0x1;
	[dreg:$0x2] =	wrdreg s4  }
0xaf: {  	[dreg:$0x3] =	wrdreg s6  }
0xb0: {  	[dreg:$0x4] =	wrdreg $0xC0  }
0xb1: {  	_ =	task [dreg:s8], $0x5FFFF  }
0xb2: {  	[dreg:$0x1] =	wrdreg $0xFFFFFFFF  }
0xb3: {  	[dreg:$0x0] =	wrdreg $0x60  }
0xb4: {  	[dreg:$0x2] =	wrdreg s24  }
0xb5: {  	[dreg:$0x3] =	wrdreg s17  }
0xb6: {  	[dreg:$0x4] =	wrdreg s16  }
0xb7: {  	[dreg:$0x5] =	wrdreg $0x90000  }
0xb8: {  	[dreg:$0x6] =	wrdreg $0x9  }
0xb9: {  	_ =	task.clear_ibuf [dreg:s8], $0x7FFFF;
	_ =	strace $0x9000004F  }
0xba: {  	s29 =	simm.s32 $0x9;
	_ =	strace $0x80000051  }
0xbb: {  	_ =	swait.ge [sflag:s29], $0x1  }
0xbc: {  	[sflag:s29] =	ssyncadd.s32 $0xFFFFFFFF  }
0xbd: {  	_ =	strace $0x90000051  }
0xbe: {  	_ =	sfence  }
0xbf: {  	s30 =	sld [smem:$0x0];
	_ =	sdelay $0x2  }
0xc0: {  	s31 =	sshll.u32 s1, $0xD;
	s1 =	sshrl.u32 s1, $0x2  }
0xc1: {  	s3 =	sand.u32 $0x4000, s31;
	s1 =	sadd.s32 s1, s30  }
0xc2: {  	s0 =	sor.u32 s3, s0;
	s1 =	sshll.u32 s1, $0x11  }
0xc3: {  	s0 =	sor.u32 s1, s0  }
0xc4: {  	s0 =	sadd.s32 $0x8F2B, s0  }
0xc5: {  	[sflag:s0] =	ssyncadd.remote.s32 $0x1  }
0xc6: {  	_ =	sfence.sel $0xFFFF  }
0xc7: {  	[dreg:$0x0] =	wrdreg $0xFFFFFFFF;
	(pc) =	sbr.abs _section_cstart, $3  }
0xc8: {  	[dreg:$0x1] =	wrdreg $0xFFFFFFFF  }
0xc9: {  	_ =	task.clear_ibuf [dreg:s8], $0x2FFFF;
	_ =	strace $0x9FFFFFFF  }
0xca: {  	(tm) =	ssettm $0x7FFFFFFF  }
0xcb: {  	_ =	shalt  }
tec
execute0_lowered:
.L_overlay_start_1:
0x0: {  	(tag) =	ssettag $0x1  }
0x1: {  	s5 =	rddreg [dreg:$0x0]  }
0x2: {  	s6 =	rddreg [dreg:$0x1]  }
0x3: {  	s12 =	rddreg [dreg:$0x2];
	s0 =	srdreg.scid  }
0x4: {  	s2 =	rddreg [dreg:$0x3];
	s1 =	stileid.u32  }
0x5: {  	s3 =	simm.s32 $0x0;
	s15 =	simm.s32 $0x2800;
	s16 =	simm.s32 $0x5000  }
0x6: {  	s17 =	simm.s32 $0x80;
	s18 =	simm.s32 $0x1;
	s19 =	simm.s32 $0x2  }
0x7: {  	s7 =	sand.u32 $0x1, s0;
	s0 =	rddreg [dreg:$0x4];
	s9 =	smul.u32 $0x2800, s1  }
0x8: {  	s22 =	simm.s32 $0x0;
	[smem:$0x7FF] =	sst s3;
	s10 =	smul.u32 $0x50000, s1  }
0x9: {  	s4 =	sadd.s32 $0xDC00, s5;
	s31 =	smul.u32 $0x14000, s1;
	s20 =	sshll.u32 s1, $0x6  }
0xa: {  	s8 =	smul.u32 $0x28000, s7;
	_ =	strace $0x80000050;
	s28 =	ssub.s32 $0x2, s7  }
0xb: {  	s13 =	smul.u32 $0x140000, s7;
	s20 =	sor.u32 $0x1C03, s20;
	s29 =	sshrl.u32 s28, $0x1  }
0xc: {  	s30 =	sshrl.u32 s10, $0x2;
	s8 =	sadd.s32 s9, s8;
	s14 =	ssub.s32 s28, s29  }
0xd: {  	s7 =	sadd.s32 s30, s2;
	s13 =	sadd.s32 s31, s13;
	s8 =	sshrl.u32 s8, $0x3  }
0xe: {  	s9 =	sadd.s32 $0x8000, s7;
	s10 =	sadd.s32 $0xC000, s7;
	s13 =	sshrl.u32 s13, $0x3  }
0xf: {  	s21 =	sshrl.u32 s7, $0x3;
	s11 =	sadd.s32 s8, s5;
	s5 =	sadd.s32 s6, s8  }
0x10: {  	s8 =	sadd.s32 $0x4000, s7;
	s12 =	sadd.s32 s12, s13;
	s13 =	smax.u32 s14, $0x1  }
0x11: {  	v0 =	vimm.f32 $0.0e+00;
	s14 =	simm.s32 $0x3;
	s6 =	sadd.s32 $0x3C00, s11;
	s11 =	sadd.s32 $0x10000, s7  }
.LBB2_1:
0x12: {  	[tilespmem:s3], [sflag:$0x3] =	stream.linear.gather [hbm4b:s5+s3], $0x2800, $0x38;
	[tilespmem:$0x1D000] =	vst v63  }
0x13: {  	_ =	swait.ge [sflag:s14], $0x2800  }
0x14: {  	[sflag:s14] =	ssyncset.done $0x0  }
0x15: {  	[sflag:s14] =	ssyncadd.s32 $0xFFFFD800  }
0x16: {  	[tilespmem:s15], [sflag:$0x3] =	stream.linear.gather [hbm4b:s6+s3], $0x2800, $0x38;
	[tilespmem:$0x1D000] =	vst v63  }
0x17: {  	_ =	swait.ge [sflag:s14], $0x2800  }
0x18: {  	[sflag:s14] =	ssyncset.done $0x0  }
0x19: {  	s23 =	simm.s32 $0x0;
	s24 =	simm.s32 $0x200;
	[sflag:s14] =	ssyncadd.s32 $0xFFFFD800  }
.LBB2_2:
0x1a: {  	p0 =	sne.s32 s24, $0xFE00;
	[tilespmem:s23+$0x5070] =	vst v0  }
0x1b: {  	[tilespmem:s23+$0x5000] =	vst v0  }
0x1c: {  	[tilespmem:s23+$0x5010] =	vst v0  }
.Ltmp0:
0x1d: {  	[tilespmem:s23+$0x5020] =	vst v0;
	(pc) =	sbr.rel @p0 .LBB2_2-.Ltmp0, $4  }
0x1e: {  	[tilespmem:s23+$0x5030] =	vst v0  }
0x1f: {  	[tilespmem:s23+$0x5040] =	vst v0  }
0x20: {  	[tilespmem:s23+$0x5050] =	vst v0  }
0x21: {  	[tilespmem:s23+$0x5060] =	vst v0;
	s23 =	sshra.s32 s24, $0x2;
	s24 =	sadd.s32 $0x200, s24  }
0x22: {  	[tilespmem:s23+$0x5070] =	vst v0  }
0x23: {  	[tilespmem:s23+$0x5000] =	vst v0  }
0x24: {  	[tilespmem:s23+$0x5010] =	vst v0  }
0x25: {  	[tilespmem:s23+$0x5020] =	vst v0  }
0x26: {  	[tilespmem:s23+$0x5030] =	vst v0  }
0x27: {  	[tilespmem:s23+$0x5040] =	vst v0  }
0x28: {  	[tilespmem:s23+$0x5050] =	vst v0  }
0x29: {  	[tilespmem:s23+$0x5060] =	vst v0  }
0x2a: {  	[spmem:s7] =	stream.linear.scatter [tilespmem:s16], [sflag:$0x3], $0x4000, $0x38;
	[tilespmem:$0x1D000] =	vst v63  }
0x2b: {  	_ =	swait.ge [sflag:s14], $0x4000  }
0x2c: {  	[sflag:s14] =	ssyncset.done $0x0  }
0x2d: {  	[sflag:s14] =	ssyncadd.s32 $0xFFFFC000  }
0x2e: {  	[spmem:s8] =	stream.linear.scatter [tilespmem:s16], [sflag:$0x3], $0x4000, $0x38;
	[tilespmem:$0x1D000] =	vst v63  }
0x2f: {  	_ =	swait.ge [sflag:s14], $0x4000  }
0x30: {  	[sflag:s14] =	ssyncset.done $0x0  }
0x31: {  	[sflag:s14] =	ssyncadd.s32 $0xFFFFC000  }
0x32: {  	[spmem:s9] =	stream.linear.scatter [tilespmem:s16], [sflag:$0x3], $0x4000, $0x38;
	[tilespmem:$0x1D000] =	vst v63  }
0x33: {  	_ =	swait.ge [sflag:s14], $0x4000  }
0x34: {  	[sflag:s14] =	ssyncset.done $0x0  }
0x35: {  	[sflag:s14] =	ssyncadd.s32 $0xFFFFC000  }
0x36: {  	[spmem:s10] =	stream.linear.scatter [tilespmem:s16], [sflag:$0x3], $0x4000, $0x38;
	[tilespmem:$0x1D000] =	vst v63  }
0x37: {  	_ =	swait.ge [sflag:s14], $0x4000  }
0x38: {  	[sflag:s14] =	ssyncset.done $0x0  }
0x39: {  	[sflag:s14] =	ssyncadd.s32 $0xFFFFC000  }
0x3a: {  	[spmem:s11] =	stream.linear.scatter [tilespmem:s16], [sflag:$0x3], $0x4000, $0x38;
	[tilespmem:$0x1D000] =	vst v63  }
0x3b: {  	_ =	swait.ge [sflag:s14], $0x4000  }
0x3c: {  	[sflag:s14] =	ssyncset.done $0x0  }
0x3d: {  	[sflag:s14] =	ssyncadd.s32 $0xFFFFC000  }
0x3e: {  	s30 =	simm.s32 $0x0;
	[bflag:$0x0] =	sbarrier.arrive $0xFFFF  }
0x3f: {  	[tilespmem:s16], [sflag:$0x1] =	stream.indirect.gather [hbm4b:s4+s17], $0x80, s30, s17, $0xb8;
	[tilespmem:$0x1D000] =	vst v63  }
0x40: {  	_ =	swait.ge [sflag:s18], $0x4000  }
0x41: {  	[sflag:s18] =	ssyncset.done $0x0  }
0x42: {  	s31 =	simm.s32 $0x2800;
	[sflag:s18] =	ssyncadd.s32 $0xFFFFC000  }
0x43: {  	[spmem:s2] =	stream.indirect.scatter.add.f32 [tilespmem:s16], [sflag:$0x2], $0x80, s31, s17, $0xb8;
	[tilespmem:$0x1D000] =	vst v63  }
0x44: {  	_ =	swait.ge [sflag:s19], $0x4000  }
0x45: {  	s23 =	simm.s32 $0x200;
	s24 =	simm.s32 $0x400;
	[sflag:s19] =	ssyncset.done $0x0  }
.LBB2_4:
0x46: {  	s25 =	sshra.s32 s23, $0x2  }
0x47: {  	[sflag:s19] =	ssyncadd.s32 $0xFFFFC000;
	s23 =	smov.u32 s24;
	s26 =	sadd.s32 $0x200, s24  }
0x48: {  	[tilespmem:s16], [sflag:$0x1] =	stream.indirect.gather [hbm4b:s4+s17], $0x80, s25, s17, $0xb8;
	[tilespmem:$0x1D000] =	vst v63  }
0x49: {  	p0 =	sne.s32 s24, $0x9E00;
	_ =	swait.ge [sflag:s18], $0x4000  }
.Ltmp1:
0x4a: {  	[sflag:s18] =	ssyncset.done $0x0;
	(pc) =	sbr.rel @p0 .LBB2_4-.Ltmp1, $4  }
0x4b: {  	s24 =	sadd.s32 $0x2800, s25;
	[sflag:s18] =	ssyncadd.s32 $0xFFFFC000  }
0x4c: {  	[spmem:s2] =	stream.indirect.scatter.add.f32 [tilespmem:s16], [sflag:$0x2], $0x80, s24, s17, $0xb8;
	[tilespmem:$0x1D000] =	vst v63  }
0x4d: {  	_ =	swait.ge [sflag:s19], $0x4000  }
0x4e: {  	s24 =	smov.u32 s26;
	[sflag:s19] =	ssyncset.done $0x0  }
0x4f: {  	s23 =	sshra.s32 s23, $0x2;
	[sflag:s19] =	ssyncadd.s32 $0xFFFFC000  }
0x50: {  	[tilespmem:s16], [sflag:$0x1] =	stream.indirect.gather [hbm4b:s4+s17], $0x80, s23, s17, $0xb8;
	[tilespmem:$0x1D000] =	vst v63  }
0x51: {  	_ =	swait.ge [sflag:s18], $0x4000  }
0x52: {  	[sflag:s18] =	ssyncset.done $0x0  }
0x53: {  	s23 =	sadd.s32 $0x2800, s23;
	[sflag:s18] =	ssyncadd.s32 $0xFFFFC000  }
0x54: {  	[spmem:s2] =	stream.indirect.scatter.add.f32 [tilespmem:s16], [sflag:$0x2], $0x80, s23, s17, $0xb8;
	[tilespmem:$0x1D000] =	vst v63  }
0x55: {  	_ =	swait.ge [sflag:s19], $0x4000  }
0x56: {  	s22 =	sadd.s32 $0x1, s22;
	[sflag:s19] =	ssyncset.done $0x0  }
0x57: {  	p0 =	sne.s32 s22, s13;
	[sflag:s19] =	ssyncadd.s32 $0xFFFFC000  }
.Ltmp2:
0x58: {  	[bflag:$0x0] =	sbarrier.arrive $0xFFFF;
	(pc) =	sbr.rel @p0 .LBB2_1-.Ltmp2, $4  }
0x59: {  	[hbm:s12], [sflag:s20] =	dma.local [spmem:s21], $0x2800  }
0x5a: {  	_ =	swait.ge [sflag:s14], $0x2800  }
0x5b: {  	[sflag:s14] =	ssyncset.done $0x0  }
0x5c: {  	[sflag:s14] =	ssyncadd.s32 $0xFFFFD800  }
0x5d: {  	_ =	sfence.sel $0x180000  }
0x5e: {  	[bflag:$0x0] =	sbarrier.arrive $0xFFFF  }
0x5f: {  	p0 =	sne.s32 s1, $0x0;
	_ =	strace $0x90000050  }
0x60: {  	s0 =	sadd.s32 @!p0 $0x100000, s0;
	[bflag:$0x2] =	sbarrier.arrive $0xFFFF  }
0x61: {  	[sflag:s0] =	ssyncadd.tile.s32 @!p0 $0x1;
	_ =	shalt  }
.Lfunc_end2:
_tile_overlayer_lowered:
.L_overlay_start_2:
0x62: {  	(tag) =	ssettag $0x2  }
0x63: {  	s0 =	rddreg [dreg:$0x0];
	s2 =	stileid.u32  }
0x64: {  	s1 =	rddreg [dreg:$0x1];
	p0 =	sne.s32 s2, $0x0  }
0x65: {  	s3 =	rddreg [dreg:$0x2];
	[bflag:$0x3] =	sbarrier.arrive $0xFFFF;
	s2 =	simm.s32 @!p0 $0x1C03  }
0x66: {  	[timem:s3], [sflag:s2] =	dma.local @!p0 [hbm:s0], s1  }
0x67: {  	s0 =	simm.s32 @!p0 $0x3  }
0x68: {  	_ =	swait.ge @!p0 [sflag:s0], s1  }
0x69: {  	s1 =	ssub.s32 @!p0 $0x0, s1;
	[sflag:s0] =	ssyncset.done @!p0 $0x0  }
0x6a: {  	[sflag:s0] =	ssyncadd.s32 @!p0 s1  }
0x6b: {  	[bflag:$0x3] =	sbarrier.arrive $0xFFFF  }
0x6c: {  	_ =	shalt  }

// kernel: kernel.23.cloned.1.call-start
scs
__scs_entry_jumppad:
0x0: {  	(pc) =	sbr.rel $0x88, $3  }
0x1: {  	(tag) =	ssettag $0x0;
	lr =	simm.s32 $0x1  }
0x2: {  	[smem:$0x3F9A] =	sst lr;
	_ =	strace $0xD0000000  }
0x3: {  	_ = 	snop  }
0x4: {  	_ = 	snop  }
0x5: {  	_ = 	snop  }
0x6: {  	_ = 	snop  }
0x7: {  	_ = 	snop  }
__scs_overlays_trampoline_lowered:
0x8: {  	[smem:$0x3FA9] =	sst s0  }
0x9: {  	[smem:$0x3FAA] =	sst s1  }
0xa: {  	[smem:$0x3FAB] =	sst s2  }
0xb: {  	[smem:$0x3FAC] =	sst s3  }
0xc: {  	[smem:$0x3FAD] =	sst s4  }
0xd: {  	[smem:$0x3FAE] =	sst s5  }
0xe: {  	[smem:$0x3FAF] =	sst s6  }
0xf: {  	[smem:$0x3FB0] =	sst s7  }
0x10: {  	[smem:$0x3FB1] =	sst s8  }
0x11: {  	[smem:$0x3FB2] =	sst s9;
	s0 =	simm.s32 @!p0 $0x0  }
0x12: {  	s1 =	sld [smem:$0x3F98];
	s0 =	simm.s32 @p0 $0x1  }
0x13: {  	[smem:$0x3FB3] =	sst s0;
	s0 =	simm.s32 @!p1 $0x0  }
0x14: {  	s2 =	sld [smem:$0x3F97];
	s0 =	simm.s32 @p1 $0x1  }
0x15: {  	[smem:$0x3FB4] =	sst s0;
	s0 =	simm.s32 @!p2 $0x0  }
0x16: {  	s3 =	sld [smem:$0x3FDB];
	s0 =	simm.s32 @p2 $0x1  }
0x17: {  	s4 =	simm.s32 $0x1BF5;
	[smem:$0x3FB6] =	sst s0  }
0x18: {  	s0 =	sld [smem:$0x3F99];
	_ =	swait.ge [sflag:s4], $0x0  }
0x19: {  	s7 =	sld [smem:$0x3F9A]  }
0x1a: {  	s8 =	sadd.s32 $0xFFFFE003, lr  }
0x1b: {  	s9 =	sadd.s32 $0xFFFFFEF7, lr;
	s5 =	simm.s32 $0xFFFFFFFF;
	p2 =	slt.u32 s8, $0xFFFFF086  }
0x1c: {  	p1 =	slt.u32 s9, $0xF7A;
	s5 =	simm.s32 @!p2 $0x0  }
0x1d: {  	s5 =	simm.s32 @p1 $0x1;
	p0 =	seq.s32 s7, s2  }
0x1e: {  	s7 =	smul.u32 @!p0 $0xF7A, s2;
	p2 =	seq.s32 @!p0 s5, $0x0  }
0x1f: {  	s9 =	smul.u32 $0xF7A, s1;
	s8 =	simm.s32 @!p0 $0x1BF5;
	p2 =	por !p2, p0  }
0x20: {  	[sflag:s8] =	ssyncset.s32 @!p0 $0xFFFFF086;
	s6 =	sadd.s32 @!p0 s3, s7;
	s7 =	simm.s32 @!p0 $0x108  }
0x21: {  	s3 =	sadd.s32 s3, s9;
	s6 =	sadd.s32 @!p0 $0x88, s6;
	s7 =	simm.s32 @p2 $0x1082  }
0x22: {  	[simem:s7], [sflag:s8] =	dma.local @!p0 [hbm:s6], $0xF7A  }
0x23: {  	s9 =	sor.u32 $0xD0000000, s2;
	s6 =	simm.s32 $0x108;
	_ =	swait.ge @!p0 [sflag:s8], $0x0  }
0x24: {  	s3 =	sadd.s32 $0x88, s3;
	s6 =	simm.s32 @!p1 $0x1082;
	[sflag:s4] =	ssyncset.s32 $0xFFFFF086  }
0x25: {  	[simem:s6], [sflag:s4] =	dma.local [hbm:s3], $0xF7A  }
0x26: {  	[smem:$0x3F9A] =	sst s1;
	(tag) =	ssettag s2;
	_ =	strace s9  }
0x27: {  	s1 =	sld [smem:$0x3FAA]  }
0x28: {  	s2 =	sld [smem:$0x3FAB]  }
0x29: {  	s4 =	sld [smem:$0x3FAD]  }
0x2a: {  	p0 =	seq.s32 s5, $0x0;
	s5 =	sld [smem:$0x3FAE]  }
0x2b: {  	s6 =	sld [smem:$0x3FAF]  }
0x2c: {  	s7 =	sld [smem:$0x3FB0]  }
0x2d: {  	s3 =	simm.s32 $0x108;
	s8 =	sld [smem:$0x3FB1]  }
0x2e: {  	s3 =	simm.s32 @!p0 $0x1082;
	s9 =	sld [smem:$0x3FB2]  }
0x2f: {  	lr =	sadd.s32 s0, s3;
	s0 =	sld [smem:$0x3FA9]  }
0x30: {  	s3 =	sld [smem:$0x3FAC]  }
0x31: {  	[smem:$0x3FB5] =	sst s10  }
0x32: {  	s10 =	sld [smem:$0x3FB3];
	_ =	sdelay $0x3  }
0x33: {  	p0 =	seq.s32 s10, $0x1;
	s10 =	sld [smem:$0x3FB5];
	_ =	sdelay $0x3  }
0x34: {  	[smem:$0x3FB5] =	sst s10  }
0x35: {  	s10 =	sld [smem:$0x3FB4];
	_ =	sdelay $0x3  }
0x36: {  	p1 =	seq.s32 s10, $0x1;
	s10 =	sld [smem:$0x3FB5];
	_ =	sdelay $0x3  }
0x37: {  	[smem:$0x3FB5] =	sst s10  }
0x38: {  	s10 =	sld [smem:$0x3FB6]  }
0x39: {  	_ = 	snop;
	(pc) =	sbr.ind lr, $3  }
0x3a: {  	_ = 	snop  }
0x3b: {  	_ = 	snop  }
0x3c: {  	p2 =	seq.s32 s10, $0x1;
	s10 =	sld [smem:$0x3FB5]  }
0x3d: {  	_ =	shalt  }
0x3e: {  	_ =	shalt  }
0x3f: {  	_ =	shalt  }
0x40: {  	_ =	shalt  }
0x41: {  	_ =	shalt  }
0x42: {  	_ =	shalt  }
0x43: {  	_ =	shalt  }
0x44: {  	_ =	shalt  }
0x45: {  	_ =	shalt  }
0x46: {  	_ =	shalt  }
0x47: {  	_ =	shalt  }
0x48: {  	_ =	shalt  }
0x49: {  	_ =	shalt  }
0x4a: {  	_ =	shalt  }
0x4b: {  	_ =	shalt  }
0x4c: {  	_ =	shalt  }
0x4d: {  	_ =	shalt  }
0x4e: {  	_ =	shalt  }
0x4f: {  	_ =	shalt  }
0x50: {  	_ =	shalt  }
0x51: {  	_ =	shalt  }
0x52: {  	_ =	shalt  }
0x53: {  	_ =	shalt  }
0x54: {  	_ =	shalt  }
0x55: {  	_ =	shalt  }
0x56: {  	_ =	shalt  }
0x57: {  	_ =	shalt  }
0x58: {  	_ =	shalt  }
0x59: {  	_ =	shalt  }
0x5a: {  	_ =	shalt  }
0x5b: {  	_ =	shalt  }
0x5c: {  	_ =	shalt  }
0x5d: {  	_ =	shalt  }
0x5e: {  	_ =	shalt  }
0x5f: {  	_ =	shalt  }
0x60: {  	_ =	shalt  }
0x61: {  	_ =	shalt  }
0x62: {  	_ =	shalt  }
0x63: {  	_ =	shalt  }
0x64: {  	_ =	shalt  }
0x65: {  	_ =	shalt  }
0x66: {  	_ =	shalt  }
0x67: {  	_ =	shalt  }
0x68: {  	_ =	shalt  }
0x69: {  	_ =	shalt  }
0x6a: {  	_ =	shalt  }
0x6b: {  	_ =	shalt  }
0x6c: {  	_ =	shalt  }
0x6d: {  	_ =	shalt  }
0x6e: {  	_ =	shalt  }
0x6f: {  	_ =	shalt  }
0x70: {  	_ =	shalt  }
0x71: {  	_ =	shalt  }
0x72: {  	_ =	shalt  }
0x73: {  	_ =	shalt  }
0x74: {  	_ =	shalt  }
0x75: {  	_ =	shalt  }
0x76: {  	_ =	shalt  }
0x77: {  	_ =	shalt  }
0x78: {  	_ =	shalt  }
0x79: {  	_ =	shalt  }
0x7a: {  	_ =	shalt  }
0x7b: {  	_ =	shalt  }
0x7c: {  	_ =	shalt  }
0x7d: {  	_ =	shalt  }
0x7e: {  	_ =	shalt  }
0x7f: {  	_ =	shalt  }
0x80: {  	_ =	shalt  }
0x81: {  	_ =	shalt  }
0x82: {  	_ =	shalt  }
0x83: {  	_ =	shalt  }
0x84: {  	_ =	shalt  }
0x85: {  	_ =	shalt  }
0x86: {  	_ =	shalt  }
0x87: {  	_ =	shalt  }
.Lfunc_end0:
.L_simem_size_0:
called_computation.4_lowered:
.L_overlay_start_0:
0x88: {  	s2 =	sld [smem:$0x3FD9]  }
0x89: {  	s3 =	sld [smem:$0x3FFE];
	_ =	sdelay $0x1  }
0x8a: {  	s1 =	srdreg.scid  }
0x8b: {  	s0 =	sand.u32 $0x1, s1  }
0x8c: {  	s14 =	sshll.u32 s0, $0xA;
	s2 =	sadd.s32 s3, s2  }
0x8d: {  	s2 =	sadd.s32 s2, s14  }
0x8e: {  	[smem:$0x3FC1] =	sst s2  }
0x8f: {  	_ = 	snop  }
0x90: {  	s2 =	sld [smem:$0x3FD0];
	_ =	sdelay $0x2  }
0x91: {  	s15 =	simm.s32 $0xB;
	s4 =	simm.s32 $0x10  }
0x92: {  	[smem:s4], [sflag:s15] =	dma.local [hbm:s2], $0x1  }
0x93: {  	_ =	swait.eq [sflag:s15], $0x1  }
0x94: {  	[sflag:s15] =	ssyncset.done $0x0  }
0x95: {  	s16 =	sld [smem:$0x10];
	[sflag:s15] =	ssyncadd.s32 $0xFFFFFFFF  }
0x96: {  	s17 =	sld [smem:$0x11];
	(tm) =	ssettm $0x1  }
0x97: {  	s18 =	sld [smem:$0x3FFB];
	_ =	sdelay $0x3  }
0x98: {  	_ =	strace s18  }
0x99: {  	s4 =	sld [smem:$0x3FFC];
	_ =	sdelay $0x3  }
0x9a: {  	_ =	strace s4  }
0x9b: {  	s4 =	sld [smem:$0x3FFD];
	_ =	sdelay $0x3  }
0x9c: {  	_ =	strace s4  }
0x9d: {  	_ =	strace $0x8FFFFFFF  }
0x9e: {  	s19 =	sld [smem:$0x3FDB];
	_ =	sdelay $0x1  }
0x9f: {  	s5 =	simm.s32 $_scs_section_size  }
0xa0: {  	s6 =	simm.s32 $_size__tile_overlayer_lowered;
	s7 =	simm.s32 $_tile_overlayer_lowered  }
0xa1: {  	s22 =	simm.s32 $0x1BFF;
	s21 =	sshll.u32 s7, $0x1;
	s4 =	sadd.s32 s5, s19  }
0xa2: {  	s8 =	simm.s32 $0x0;
	s20 =	sshll.u32 s6, $0x1;
	s6 =	sadd.s32 s21, s4  }
0xa3: {  	[timem:s8], [sflag:s22] =	dma.local [hbm:s6], s20  }
0xa4: {  	_ =	swait.ge [sflag:s22], s20  }
0xa5: {  	s5 =	ssub.s32 $0x0, s20;
	[sflag:s22] =	ssyncset.done $0x0  }
0xa6: {  	[sflag:s22] =	ssyncadd.s32 s5;
	_ =	sdelay $0x1  }
0xa7: {  	s23 =	simm.s32 $0x1B8B  }
0xa8: {  	_ =	swait.ge [sflag:s23], $0x1  }
0xa9: {  	[sflag:s23] =	ssyncset.done $0x0  }
0xaa: {  	s25 =	simm.s32 $0x1B8E;
	s24 =	sld [smem:$0x3FFE];
	[sflag:s23] =	ssyncadd.s32 $0xFFFFFFFF  }
0xab: {  	s26 =	simm.s32 $execute0_lowered;
	[smem:$0x3FD2] =	sst s25  }
0xac: {  	s6 =	sshll.u32 s26, $0x1;
	_ =	strace $0x80000052;
	[dreg:$0x1] =	wrdreg $0xFFFFFFFF  }
0xad: {  	s28 =	simm.s32 $_size_execute0_lowered;
	s4 =	sadd.s32 s4, s6;
	[dreg:$0x0] =	wrdreg $0x0  }
0xae: {  	s6 =	sshll.u32 s28, $0x1;
	[dreg:$0x2] =	wrdreg s4  }
0xaf: {  	[dreg:$0x3] =	wrdreg s6  }
0xb0: {  	[dreg:$0x4] =	wrdreg $0xC0  }
0xb1: {  	_ =	task [dreg:s8], $0x5FFFF  }
0xb2: {  	[dreg:$0x1] =	wrdreg $0xFFFFFFFF  }
0xb3: {  	[dreg:$0x0] =	wrdreg $0x60  }
0xb4: {  	[dreg:$0x2] =	wrdreg s24  }
0xb5: {  	[dreg:$0x3] =	wrdreg s17  }
0xb6: {  	[dreg:$0x4] =	wrdreg s16  }
0xb7: {  	[dreg:$0x5] =	wrdreg $0x90000  }
0xb8: {  	[dreg:$0x6] =	wrdreg $0x9  }
0xb9: {  	_ =	task.clear_ibuf [dreg:s8], $0x7FFFF;
	_ =	strace $0x90000052  }
0xba: {  	s29 =	simm.s32 $0x9;
	_ =	strace $0x80000054  }
0xbb: {  	_ =	swait.ge [sflag:s29], $0x1  }
0xbc: {  	[sflag:s29] =	ssyncadd.s32 $0xFFFFFFFF  }
0xbd: {  	_ =	strace $0x90000054  }
0xbe: {  	_ =	sfence  }
0xbf: {  	s30 =	sld [smem:$0x0];
	_ =	sdelay $0x2  }
0xc0: {  	s31 =	sshll.u32 s1, $0xD;
	s1 =	sshrl.u32 s1, $0x2  }
0xc1: {  	s3 =	sand.u32 $0x4000, s31;
	s1 =	sadd.s32 s1, s30  }
0xc2: {  	s0 =	sor.u32 s3, s0;
	s1 =	sshll.u32 s1, $0x11  }
0xc3: {  	s0 =	sor.u32 s1, s0  }
0xc4: {  	s0 =	sadd.s32 $0x8F2B, s0  }
0xc5: {  	[sflag:s0] =	ssyncadd.remote.s32 $0x1  }
0xc6: {  	_ =	sfence.sel $0xFFFF  }
0xc7: {  	[dreg:$0x0] =	wrdreg $0xFFFFFFFF;
	(pc) =	sbr.abs _section_cstart, $3  }
0xc8: {  	[dreg:$0x1] =	wrdreg $0xFFFFFFFF  }
0xc9: {  	_ =	task.clear_ibuf [dreg:s8], $0x2FFFF;
	_ =	strace $0x9FFFFFFF  }
0xca: {  	(tm) =	ssettm $0x7FFFFFFF  }
0xcb: {  	_ =	shalt  }
tec
execute0_lowered:
.L_overlay_start_1:
0x0: {  	(tag) =	ssettag $0x1  }
0x1: {  	s5 =	rddreg [dreg:$0x0]  }
0x2: {  	s6 =	rddreg [dreg:$0x1]  }
0x3: {  	s12 =	rddreg [dreg:$0x2];
	s0 =	srdreg.scid  }
0x4: {  	s2 =	rddreg [dreg:$0x3];
	s1 =	stileid.u32  }
0x5: {  	s3 =	simm.s32 $0x0;
	s15 =	simm.s32 $0x2800;
	s16 =	simm.s32 $0x5000  }
0x6: {  	s17 =	simm.s32 $0x80;
	s18 =	simm.s32 $0x1;
	s19 =	simm.s32 $0x2  }
0x7: {  	s7 =	sand.u32 $0x1, s0;
	s0 =	rddreg [dreg:$0x4];
	s9 =	smul.u32 $0x2800, s1  }
0x8: {  	s22 =	simm.s32 $0x0;
	[smem:$0x7FF] =	sst s3;
	s10 =	smul.u32 $0x50000, s1  }
0x9: {  	s4 =	sadd.s32 $0xDC00, s5;
	s31 =	smul.u32 $0x14000, s1;
	s20 =	sshll.u32 s1, $0x6  }
0xa: {  	s8 =	smul.u32 $0x28000, s7;
	_ =	strace $0x80000053;
	s28 =	ssub.s32 $0x2, s7  }
0xb: {  	s13 =	smul.u32 $0x140000, s7;
	s20 =	sor.u32 $0x1C03, s20;
	s29 =	sshrl.u32 s28, $0x1  }
0xc: {  	s30 =	sshrl.u32 s10, $0x2;
	s8 =	sadd.s32 s9, s8;
	s14 =	ssub.s32 s28, s29  }
0xd: {  	s7 =	sadd.s32 s30, s2;
	s13 =	sadd.s32 s31, s13;
	s8 =	sshrl.u32 s8, $0x3  }
0xe: {  	s9 =	sadd.s32 $0x8000, s7;
	s10 =	sadd.s32 $0xC000, s7;
	s13 =	sshrl.u32 s13, $0x3  }
0xf: {  	s21 =	sshrl.u32 s7, $0x3;
	s11 =	sadd.s32 s8, s5;
	s5 =	sadd.s32 s6, s8  }
0x10: {  	s8 =	sadd.s32 $0x4000, s7;
	s12 =	sadd.s32 s12, s13;
	s13 =	smax.u32 s14, $0x1  }
0x11: {  	v0 =	vimm.f32 $0.0e+00;
	s14 =	simm.s32 $0x3;
	s6 =	sadd.s32 $0x3C00, s11;
	s11 =	sadd.s32 $0x10000, s7  }
.LBB2_1:
0x12: {  	[tilespmem:s3], [sflag:$0x3] =	stream.linear.gather [hbm4b:s5+s3], $0x2800, $0x38;
	[tilespmem:$0x1D000] =	vst v63  }
0x13: {  	_ =	swait.ge [sflag:s14], $0x2800  }
0x14: {  	[sflag:s14] =	ssyncset.done $0x0  }
0x15: {  	[sflag:s14] =	ssyncadd.s32 $0xFFFFD800  }
0x16: {  	[tilespmem:s15], [sflag:$0x3] =	stream.linear.gather [hbm4b:s6+s3], $0x2800, $0x38;
	[tilespmem:$0x1D000] =	vst v63  }
0x17: {  	_ =	swait.ge [sflag:s14], $0x2800  }
0x18: {  	[sflag:s14] =	ssyncset.done $0x0  }
0x19: {  	s23 =	simm.s32 $0x0;
	s24 =	simm.s32 $0x200;
	[sflag:s14] =	ssyncadd.s32 $0xFFFFD800  }
.LBB2_2:
0x1a: {  	p0 =	sne.s32 s24, $0xFE00;
	[tilespmem:s23+$0x5070] =	vst v0  }
0x1b: {  	[tilespmem:s23+$0x5000] =	vst v0  }
0x1c: {  	[tilespmem:s23+$0x5010] =	vst v0  }
.Ltmp0:
0x1d: {  	[tilespmem:s23+$0x5020] =	vst v0;
	(pc) =	sbr.rel @p0 .LBB2_2-.Ltmp0, $4  }
0x1e: {  	[tilespmem:s23+$0x5030] =	vst v0  }
0x1f: {  	[tilespmem:s23+$0x5040] =	vst v0  }
0x20: {  	[tilespmem:s23+$0x5050] =	vst v0  }
0x21: {  	[tilespmem:s23+$0x5060] =	vst v0;
	s23 =	sshra.s32 s24, $0x2;
	s24 =	sadd.s32 $0x200, s24  }
0x22: {  	[tilespmem:s23+$0x5070] =	vst v0  }
0x23: {  	[tilespmem:s23+$0x5000] =	vst v0  }
0x24: {  	[tilespmem:s23+$0x5010] =	vst v0  }
0x25: {  	[tilespmem:s23+$0x5020] =	vst v0  }
0x26: {  	[tilespmem:s23+$0x5030] =	vst v0  }
0x27: {  	[tilespmem:s23+$0x5040] =	vst v0  }
0x28: {  	[tilespmem:s23+$0x5050] =	vst v0  }
0x29: {  	[tilespmem:s23+$0x5060] =	vst v0  }
0x2a: {  	[spmem:s7] =	stream.linear.scatter [tilespmem:s16], [sflag:$0x3], $0x4000, $0x38;
	[tilespmem:$0x1D000] =	vst v63  }
0x2b: {  	_ =	swait.ge [sflag:s14], $0x4000  }
0x2c: {  	[sflag:s14] =	ssyncset.done $0x0  }
0x2d: {  	[sflag:s14] =	ssyncadd.s32 $0xFFFFC000  }
0x2e: {  	[spmem:s8] =	stream.linear.scatter [tilespmem:s16], [sflag:$0x3], $0x4000, $0x38;
	[tilespmem:$0x1D000] =	vst v63  }
0x2f: {  	_ =	swait.ge [sflag:s14], $0x4000  }
0x30: {  	[sflag:s14] =	ssyncset.done $0x0  }
0x31: {  	[sflag:s14] =	ssyncadd.s32 $0xFFFFC000  }
0x32: {  	[spmem:s9] =	stream.linear.scatter [tilespmem:s16], [sflag:$0x3], $0x4000, $0x38;
	[tilespmem:$0x1D000] =	vst v63  }
0x33: {  	_ =	swait.ge [sflag:s14], $0x4000  }
0x34: {  	[sflag:s14] =	ssyncset.done $0x0  }
0x35: {  	[sflag:s14] =	ssyncadd.s32 $0xFFFFC000  }
0x36: {  	[spmem:s10] =	stream.linear.scatter [tilespmem:s16], [sflag:$0x3], $0x4000, $0x38;
	[tilespmem:$0x1D000] =	vst v63  }
0x37: {  	_ =	swait.ge [sflag:s14], $0x4000  }
0x38: {  	[sflag:s14] =	ssyncset.done $0x0  }
0x39: {  	[sflag:s14] =	ssyncadd.s32 $0xFFFFC000  }
0x3a: {  	[spmem:s11] =	stream.linear.scatter [tilespmem:s16], [sflag:$0x3], $0x4000, $0x38;
	[tilespmem:$0x1D000] =	vst v63  }
0x3b: {  	_ =	swait.ge [sflag:s14], $0x4000  }
0x3c: {  	[sflag:s14] =	ssyncset.done $0x0  }
0x3d: {  	[sflag:s14] =	ssyncadd.s32 $0xFFFFC000  }
0x3e: {  	s30 =	simm.s32 $0x0;
	[bflag:$0x0] =	sbarrier.arrive $0xFFFF  }
0x3f: {  	[tilespmem:s16], [sflag:$0x1] =	stream.indirect.gather [hbm4b:s4+s17], $0x80, s30, s17, $0xb8;
	[tilespmem:$0x1D000] =	vst v63  }
0x40: {  	_ =	swait.ge [sflag:s18], $0x4000  }
0x41: {  	[sflag:s18] =	ssyncset.done $0x0  }
0x42: {  	s31 =	simm.s32 $0x2800;
	[sflag:s18] =	ssyncadd.s32 $0xFFFFC000  }
0x43: {  	[spmem:s2] =	stream.indirect.scatter.add.f32 [tilespmem:s16], [sflag:$0x2], $0x80, s31, s17, $0xb8;
	[tilespmem:$0x1D000] =	vst v63  }
0x44: {  	_ =	swait.ge [sflag:s19], $0x4000  }
0x45: {  	s23 =	simm.s32 $0x200;
	s24 =	simm.s32 $0x400;
	[sflag:s19] =	ssyncset.done $0x0  }
.LBB2_4:
0x46: {  	s25 =	sshra.s32 s23, $0x2  }
0x47: {  	[sflag:s19] =	ssyncadd.s32 $0xFFFFC000;
	s23 =	smov.u32 s24;
	s26 =	sadd.s32 $0x200, s24  }
0x48: {  	[tilespmem:s16], [sflag:$0x1] =	stream.indirect.gather [hbm4b:s4+s17], $0x80, s25, s17, $0xb8;
	[tilespmem:$0x1D000] =	vst v63  }
0x49: {  	p0 =	sne.s32 s24, $0x9E00;
	_ =	swait.ge [sflag:s18], $0x4000  }
.Ltmp1:
0x4a: {  	[sflag:s18] =	ssyncset.done $0x0;
	(pc) =	sbr.rel @p0 .LBB2_4-.Ltmp1, $4  }
0x4b: {  	s24 =	sadd.s32 $0x2800, s25;
	[sflag:s18] =	ssyncadd.s32 $0xFFFFC000  }
0x4c: {  	[spmem:s2] =	stream.indirect.scatter.add.f32 [tilespmem:s16], [sflag:$0x2], $0x80, s24, s17, $0xb8;
	[tilespmem:$0x1D000] =	vst v63  }
0x4d: {  	_ =	swait.ge [sflag:s19], $0x4000  }
0x4e: {  	s24 =	smov.u32 s26;
	[sflag:s19] =	ssyncset.done $0x0  }
0x4f: {  	s23 =	sshra.s32 s23, $0x2;
	[sflag:s19] =	ssyncadd.s32 $0xFFFFC000  }
0x50: {  	[tilespmem:s16], [sflag:$0x1] =	stream.indirect.gather [hbm4b:s4+s17], $0x80, s23, s17, $0xb8;
	[tilespmem:$0x1D000] =	vst v63  }
0x51: {  	_ =	swait.ge [sflag:s18], $0x4000  }
0x52: {  	[sflag:s18] =	ssyncset.done $0x0  }
0x53: {  	s23 =	sadd.s32 $0x2800, s23;
	[sflag:s18] =	ssyncadd.s32 $0xFFFFC000  }
0x54: {  	[spmem:s2] =	stream.indirect.scatter.add.f32 [tilespmem:s16], [sflag:$0x2], $0x80, s23, s17, $0xb8;
	[tilespmem:$0x1D000] =	vst v63  }
0x55: {  	_ =	swait.ge [sflag:s19], $0x4000  }
0x56: {  	s22 =	sadd.s32 $0x1, s22;
	[sflag:s19] =	ssyncset.done $0x0  }
0x57: {  	p0 =	sne.s32 s22, s13;
	[sflag:s19] =	ssyncadd.s32 $0xFFFFC000  }
.Ltmp2:
0x58: {  	[bflag:$0x0] =	sbarrier.arrive $0xFFFF;
	(pc) =	sbr.rel @p0 .LBB2_1-.Ltmp2, $4  }
0x59: {  	[hbm:s12], [sflag:s20] =	dma.local [spmem:s21], $0x2800  }
0x5a: {  	_ =	swait.ge [sflag:s14], $0x2800  }
0x5b: {  	[sflag:s14] =	ssyncset.done $0x0  }
0x5c: {  	[sflag:s14] =	ssyncadd.s32 $0xFFFFD800  }
0x5d: {  	_ =	sfence.sel $0x180000  }
0x5e: {  	[bflag:$0x0] =	sbarrier.arrive $0xFFFF  }
0x5f: {  	p0 =	sne.s32 s1, $0x0;
	_ =	strace $0x90000053  }
0x60: {  	s0 =	sadd.s32 @!p0 $0x100000, s0;
	[bflag:$0x2] =	sbarrier.arrive $0xFFFF  }
0x61: {  	[sflag:s0] =	ssyncadd.tile.s32 @!p0 $0x1;
	_ =	shalt  }
.Lfunc_end2:
_tile_overlayer_lowered:
.L_overlay_start_2:
0x62: {  	(tag) =	ssettag $0x2  }
0x63: {  	s0 =	rddreg [dreg:$0x0];
	s2 =	stileid.u32  }
0x64: {  	s1 =	rddreg [dreg:$0x1];
	p0 =	sne.s32 s2, $0x0  }
0x65: {  	s3 =	rddreg [dreg:$0x2];
	[bflag:$0x3] =	sbarrier.arrive $0xFFFF;
	s2 =	simm.s32 @!p0 $0x1C03  }
0x66: {  	[timem:s3], [sflag:s2] =	dma.local @!p0 [hbm:s0], s1  }
0x67: {  	s0 =	simm.s32 @!p0 $0x3  }
0x68: {  	_ =	swait.ge @!p0 [sflag:s0], s1  }
0x69: {  	s1 =	ssub.s32 @!p0 $0x0, s1;
	[sflag:s0] =	ssyncset.done @!p0 $0x0  }
0x6a: {  	[sflag:s0] =	ssyncadd.s32 @!p0 s1  }
0x6b: {  	[bflag:$0x3] =	sbarrier.arrive $0xFFFF  }
0x6c: {  	_ =	shalt  }

</sc_bundles>
